<compile_context>
chip_gen: v7x
topology: tpu7x:2x2x1
jax: 0.10.2.dev20260603
libtpu: 0.0.44.dev20260713+nightly
codegen_flags: <defaults>
</compile_context>

<pallas_src>
import functools

import jax
import jax.numpy as jnp
from jax import lax
from jax.experimental import pallas as pl
from jax.experimental.pallas import tpu as pltpu
from jax.experimental.pallas import tpu_sc as plsc

N = 10000
E = 320000
D = 128

NC = 2
NS = 16
NW = NC * NS
CHUNK = 128
PH = 16
NPHASE = 5
CPW = PH * NPHASE
E_PAD = NW * CPW * CHUNK
PAD = E_PAD - E
NP = 10112
NDUM = NP - N
RPT = NP // NS
WLAST = N - (NS - 1) * RPT
HR = 80
L = 16


def _sc_body(src_hbm, dst_hbm, x_hbm, zacc_hbm, zflat_hbm,
             part_hbm, cntp_hbm,
             src_v, dst_v, rows_v, hist_v, acc_sh, sem_a, sem_b, sem_s):
    cid = lax.axis_index("c")
    sid = lax.axis_index("s")
    wid = cid * NS + sid
    roff = pl.multiple_of(sid * RPT, 8)

    zc = pltpu.async_copy(zacc_hbm, acc_sh.at[pl.ds(roff, RPT)], sem_s)
    pltpu.sync_copy(zflat_hbm, hist_v)
    pltpu.sync_copy(src_hbm.at[wid, pl.ds(0, PH)], src_v)
    pltpu.sync_copy(dst_hbm.at[wid, pl.ds(0, PH)], dst_v)
    pltpu.make_async_copy(x_hbm.at[src_v.at[0]], rows_v.at[0],
                          sem_a).start()
    zc.wait()
    plsc.subcore_barrier()

    def consume(j, b):
        sc = pltpu.async_copy(rows_v.at[b], acc_sh.at[dst_v.at[j]], sem_s,
                              add=True)
        for k in range(CHUNK // L):
            dstv = dst_v[j, pl.ds(k * L, L)]
            vals = jnp.full((L,), 1.0, jnp.float32)
            plsc.addupdate_scatter(hist_v, [dstv], vals)
        sc.wait()

    for ph in range(NPHASE):
        if ph > 0:
            pltpu.sync_copy(src_hbm.at[wid, pl.ds(ph * PH, PH)], src_v)
            pltpu.sync_copy(dst_hbm.at[wid, pl.ds(ph * PH, PH)], dst_v)
            pltpu.make_async_copy(x_hbm.at[src_v.at[0]], rows_v.at[0],
                                  sem_a).start()

        def pair(i, carry):
            j0 = 2 * i
            pltpu.make_async_copy(x_hbm.at[src_v.at[j0 + 1]], rows_v.at[1],
                                  sem_b).start()
            pltpu.make_async_copy(x_hbm.at[src_v.at[j0]], rows_v.at[0],
                                  sem_a).wait()
            consume(j0, 0)

            @pl.when(j0 + 2 < PH)
            def _prefetch():
                pltpu.make_async_copy(x_hbm.at[src_v.at[j0 + 2]],
                                      rows_v.at[0], sem_a).start()

            pltpu.make_async_copy(x_hbm.at[src_v.at[j0 + 1]], rows_v.at[1],
                                  sem_b).wait()
            consume(j0 + 1, 1)
            return carry

        lax.fori_loop(0, PH // 2, pair, 0)

    plsc.subcore_barrier()

    @pl.when(sid < NS - 1)
    def _full():
        pltpu.sync_copy(acc_sh.at[pl.ds(roff, RPT)],
                        part_hbm.at[cid, pl.ds(roff, RPT)])

    @pl.when(sid == NS - 1)
    def _last():
        pltpu.sync_copy(acc_sh.at[pl.ds((NS - 1) * RPT, WLAST)],
                        part_hbm.at[cid, pl.ds((NS - 1) * RPT, WLAST)])

    pltpu.sync_copy(hist_v, cntp_hbm.at[wid, 0])


_sc_call = functools.partial(
    pl.kernel,
    out_type=(
        jax.ShapeDtypeStruct((NC, N, D), jnp.float32),
        jax.ShapeDtypeStruct((NW, 1, HR * 128), jnp.float32),
    ),
    compiler_params=pltpu.CompilerParams(needs_layout_passes=False),
    mesh=plsc.VectorSubcoreMesh(core_axis_name="c", subcore_axis_name="s"),
    scratch_types=[
        pltpu.VMEM((PH, CHUNK), jnp.int32),
        pltpu.VMEM((PH, CHUNK), jnp.int32),
        pltpu.VMEM((2, CHUNK, D), jnp.float32),
        pltpu.VMEM((HR * 128,), jnp.float32),
        pltpu.VMEM_SHARED((NP, D), jnp.float32),
        pltpu.SemaphoreType.DMA,
        pltpu.SemaphoreType.DMA,
        pltpu.SemaphoreType.DMA,
    ],
)(_sc_body)


def _tc_body(p_ref, c_ref, x_ref, wl_ref, wr_ref, b_ref, o_ref):
    s = p_ref[0] + p_ref[1]
    ones_w = jnp.ones((NW, 1), jnp.float32)
    cc = lax.dot_general(c_ref[...], ones_w, (((0,), (0,)), ((), ())),
                         preferred_element_type=jnp.float32)
    cnt = jnp.maximum(cc[:N], 1.0)
    agg = s / cnt
    o_ref[...] = (
        jnp.dot(agg, wl_ref[...], preferred_element_type=jnp.float32)
        + jnp.dot(x_ref[...], wr_ref[...], preferred_element_type=jnp.float32)
        + b_ref[...]
    )


_tc_call = pl.pallas_call(
    _tc_body,
    out_shape=jax.ShapeDtypeStruct((N, D), jnp.float32),
    grid=(1,),
    in_specs=[
        pl.BlockSpec((NC, N, D), lambda i: (0, 0, 0)),
        pl.BlockSpec((NW, HR * 128), lambda i: (0, 0)),
        pl.BlockSpec((N, D), lambda i: (0, 0)),
        pl.BlockSpec((D, D), lambda i: (0, 0)),
        pl.BlockSpec((D, D), lambda i: (0, 0)),
        pl.BlockSpec((1, D), lambda i: (0, 0)),
    ],
    out_specs=pl.BlockSpec((N, D), lambda i: (0, 0)),
)


def kernel(x, edge_index, W_l, b_l, W_r):
    src = edge_index[0]
    dst = edge_index[1]
    pad_src = (jnp.arange(PAD, dtype=jnp.int32) * 37) % N
    pad_dst = N + (jnp.arange(PAD, dtype=jnp.int32) % NDUM)
    ei_pad = jnp.concatenate(
        [edge_index, jnp.stack([pad_src, pad_dst])], axis=1)
    src_p = ei_pad[0].reshape(NW, CPW, CHUNK)
    dst_p = ei_pad[1].reshape(NW, CPW, CHUNK)

    zacc = jnp.zeros((RPT, D), jnp.float32)
    zflat = jnp.zeros((HR * 128,), jnp.float32)

    part, cntp = _sc_call(src_p, dst_p, x, zacc, zflat)
    cnt32 = cntp.reshape(NW, HR * 128)
    return _tc_call(part, cnt32, x, W_l.T, W_r.T, b_l.reshape(1, D))

# --- scband reference (transcript-rebuilt; emitter-appended) ---
"""Pipeline reference for scband-sageconv-wrapper-74156905333252 (READ-ONLY COPY).

The authoritative reference and input builder live on the scoring server;
editing this copy changes nothing except your own understanding.
"""

import jax, jax.numpy as jnp
import numpy as np

N = 10000
E = 320000
D_IN = 128
D_OUT = 128

def setup_inputs(seed: int = 0) -> dict:
    key = jax.random.key(seed)
    k1, k2, k3, k4, k5 = jax.random.split(key, 5)
    x = jax.random.normal(k1, (N, D_IN), dtype=jnp.float32)
    edge_index = jax.random.randint(k2, (2, E), 0, N, dtype=jnp.int32)
    scale = 1.0 / np.sqrt(D_IN)
    W_l = jax.random.uniform(k3, (D_OUT, D_IN), dtype=jnp.float32, minval=-scale, maxval=scale)
    b_l = jax.random.uniform(k4, (D_OUT,), dtype=jnp.float32, minval=-scale, maxval=scale)
    W_r = jax.random.uniform(k5, (D_OUT, D_IN), dtype=jnp.float32, minval=-scale, maxval=scale)
    return {"x": x, "edge_index": edge_index, "W_l": W_l, "b_l": b_l, "W_r": W_r}

def reference(x, edge_index, W_l, b_l, W_r):
    # SAGEConv with mean aggregation (edge_attr ignored by wrapper):
    # out = lin_l(mean_{j in N(i)} x_j) + lin_r(x_i)
    src = edge_index[0]
    dst = edge_index[1]
    msg = jnp.take(x, src, axis=0)                     # gather source features [E, D]
    summed = jax.ops.segment_sum(msg, dst, num_segments=N)
    counts = jax.ops.segment_sum(jnp.ones((E,), dtype=x.dtype), dst, num_segments=N)
    counts = jnp.clip(counts, 1.0, None)
    agg = summed / counts[:, None]                     # mean aggregation
    out = agg @ W_l.T + b_l + x @ W_r.T
    return out

if __name__ == "__main__":
    import jax
    _d = setup_inputs()
    print(jax.jit(kernel)(*tuple(_d.values())))

</pallas_src>

<mosaic_0001>
#map = affine_map<(d0, d1) -> (0, 0, 0)>
#map1 = affine_map<(d0, d1) -> (0, 0)>
#map2 = affine_map<(d0, d1) -> (0)>
module attributes {stable_mosaic.version = 14 : i64} {
  func.func @_sc_body(%arg0: i32, %arg1: i32, %arg2: memref<32x80x128xi32, #tpu.memory_space<hbm>>, %arg3: memref<32x80x128xi32, #tpu.memory_space<hbm>>, %arg4: memref<10000x128xf32, #tpu.memory_space<hbm>>, %arg5: memref<632x128xf32, #tpu.memory_space<hbm>>, %arg6: memref<10240xf32, #tpu.memory_space<hbm>>, %arg7: memref<2x10000x128xf32, #tpu.memory_space<hbm>>, %arg8: memref<32x1x10240xf32, #tpu.memory_space<hbm>>, %arg9: memref<16x128xi32, #tpu.memory_space<vmem>>, %arg10: memref<16x128xi32, #tpu.memory_space<vmem>>, %arg11: memref<2x128x128xf32, #tpu.memory_space<vmem>>, %arg12: memref<10240xf32, #tpu.memory_space<vmem>>, %arg13: memref<10112x128xf32, #tpu.memory_space<vmem_shared>>, %arg14: memref<!tpu.dma_semaphore, #tpu.memory_space<semaphore_mem>>, %arg15: memref<!tpu.dma_semaphore, #tpu.memory_space<semaphore_mem>>, %arg16: memref<!tpu.dma_semaphore, #tpu.memory_space<semaphore_mem>>) attributes {dimension_semantics = [#tpu.dimension_semantics<core_parallel>, #tpu.dimension_semantics<subcore_parallel>], iteration_bounds = array<i64: 2, 16>, scalar_prefetch = 0 : i64, scratch_operands = 8 : i64, tpu.core_type = #tpu.core_type<sc_vector_subcore>, window_params = [{transform_indices = #map}, {transform_indices = #map}, {transform_indices = #map1}, {transform_indices = #map1}, {transform_indices = #map2}, {transform_indices = #map}, {transform_indices = #map}]} {
    %mul3A = arith.constant 16 : i32
    %mul3A_0 = arith.muli %arg0, %mul3A : i32
    %add3A = arith.addi %mul3A_0, %arg1 : i32
    %mul3A_1 = arith.constant 632 : i32
    %mul3A_2 = arith.muli %arg1, %mul3A_1 : i32
    %multiple_of3A = tpu.assume_multiple %mul3A_2, 8 : i32
    %dma_start3A = arith.constant 0 : i32
    %dma_start3A_3 = tpu.memref_slice %arg13[%multiple_of3A, %dma_start3A] : memref<10112x128xf32, #tpu.memory_space<vmem_shared>> -> memref<632x128xf32, #tpu.memory_space<vmem_shared>>
    tpu.enqueue_dma source(%arg5 : memref<632x128xf32, #tpu.memory_space<hbm>>) target(%dma_start3A_3 : memref<632x128xf32, #tpu.memory_space<vmem_shared>>) target_semaphore(%arg16 : memref<!tpu.dma_semaphore, #tpu.memory_space<semaphore_mem>>)
    "tpu.region"() ({
      %run_scoped3A_101 = tpu.sem_alloc : memref<!tpu.dma_semaphore, #tpu.memory_space<semaphore_mem>>
      tpu.enqueue_dma source(%arg6 : memref<10240xf32, #tpu.memory_space<hbm>>) target(%arg12 : memref<10240xf32, #tpu.memory_space<vmem>>) target_semaphore(%run_scoped3A_101 : memref<!tpu.dma_semaphore, #tpu.memory_space<semaphore_mem>>)
      tpu.wait_dma2 semaphore(%run_scoped3A_101 : memref<!tpu.dma_semaphore, #tpu.memory_space<semaphore_mem>>) src(%arg6 : memref<10240xf32, #tpu.memory_space<hbm>>) dst(%arg12 : memref<10240xf32, #tpu.memory_space<vmem>>)
      tpu.yield
    }) : () -> ()
    "tpu.region"() ({
      %run_scoped3A_101 = tpu.sem_alloc : memref<!tpu.dma_semaphore, #tpu.memory_space<semaphore_mem>>
      %dma_start3A_102 = arith.constant 0 : i32
      %dma_start3A_103 = arith.constant 0 : i32
      %dma_start3A_104 = tpu.memref_slice %arg2[%add3A, %dma_start3A_102, %dma_start3A_103] : memref<32x80x128xi32, #tpu.memory_space<hbm>> -> memref<1x16x128xi32, #tpu.memory_space<hbm>>
      %dma_start3A_105 = tpu.memref_squeeze %dma_start3A_104 : memref<1x16x128xi32, #tpu.memory_space<hbm>> -> memref<16x128xi32, #tpu.memory_space<hbm>>
      %dma_start3A_106 = arith.constant 0 : i32
      %dma_start3A_107 = arith.constant 0 : i32
      %dma_start3A_108 = tpu.memref_slice %arg2[%add3A, %dma_start3A_106, %dma_start3A_107] : memref<32x80x128xi32, #tpu.memory_space<hbm>> -> memref<1x16x128xi32, #tpu.memory_space<hbm>>
      %dma_start3A_109 = tpu.memref_squeeze %dma_start3A_108 : memref<1x16x128xi32, #tpu.memory_space<hbm>> -> memref<16x128xi32, #tpu.memory_space<hbm>>
      tpu.enqueue_dma source(%dma_start3A_109 : memref<16x128xi32, #tpu.memory_space<hbm>>) target(%arg9 : memref<16x128xi32, #tpu.memory_space<vmem>>) target_semaphore(%run_scoped3A_101 : memref<!tpu.dma_semaphore, #tpu.memory_space<semaphore_mem>>)
      %dma_wait3A_110 = arith.constant 0 : i32
      %dma_wait3A_111 = arith.constant 0 : i32
      %dma_wait3A_112 = tpu.memref_slice %arg2[%add3A, %dma_wait3A_110, %dma_wait3A_111] : memref<32x80x128xi32, #tpu.memory_space<hbm>> -> memref<1x16x128xi32, #tpu.memory_space<hbm>>
      %dma_wait3A_113 = tpu.memref_squeeze %dma_wait3A_112 : memref<1x16x128xi32, #tpu.memory_space<hbm>> -> memref<16x128xi32, #tpu.memory_space<hbm>>
      %dma_wait3A_114 = arith.constant 0 : i32
      %dma_wait3A_115 = arith.constant 0 : i32
      %dma_wait3A_116 = tpu.memref_slice %arg2[%add3A, %dma_wait3A_114, %dma_wait3A_115] : memref<32x80x128xi32, #tpu.memory_space<hbm>> -> memref<1x16x128xi32, #tpu.memory_space<hbm>>
      %dma_wait3A_117 = tpu.memref_squeeze %dma_wait3A_116 : memref<1x16x128xi32, #tpu.memory_space<hbm>> -> memref<16x128xi32, #tpu.memory_space<hbm>>
      tpu.wait_dma2 semaphore(%run_scoped3A_101 : memref<!tpu.dma_semaphore, #tpu.memory_space<semaphore_mem>>) src(%dma_wait3A_117 : memref<16x128xi32, #tpu.memory_space<hbm>>) dst(%arg9 : memref<16x128xi32, #tpu.memory_space<vmem>>)
      tpu.yield
    }) : () -> ()
    "tpu.region"() ({
      %run_scoped3A_101 = tpu.sem_alloc : memref<!tpu.dma_semaphore, #tpu.memory_space<semaphore_mem>>
      %dma_start3A_102 = arith.constant 0 : i32
      %dma_start3A_103 = arith.constant 0 : i32
      %dma_start3A_104 = tpu.memref_slice %arg3[%add3A, %dma_start3A_102, %dma_start3A_103] : memref<32x80x128xi32, #tpu.memory_space<hbm>> -> memref<1x16x128xi32, #tpu.memory_space<hbm>>
      %dma_start3A_105 = tpu.memref_squeeze %dma_start3A_104 : memref<1x16x128xi32, #tpu.memory_space<hbm>> -> memref<16x128xi32, #tpu.memory_space<hbm>>
      %dma_start3A_106 = arith.constant 0 : i32
      %dma_start3A_107 = arith.constant 0 : i32
      %dma_start3A_108 = tpu.memref_slice %arg3[%add3A, %dma_start3A_106, %dma_start3A_107] : memref<32x80x128xi32, #tpu.memory_space<hbm>> -> memref<1x16x128xi32, #tpu.memory_space<hbm>>
      %dma_start3A_109 = tpu.memref_squeeze %dma_start3A_108 : memref<1x16x128xi32, #tpu.memory_space<hbm>> -> memref<16x128xi32, #tpu.memory_space<hbm>>
      tpu.enqueue_dma source(%dma_start3A_109 : memref<16x128xi32, #tpu.memory_space<hbm>>) target(%arg10 : memref<16x128xi32, #tpu.memory_space<vmem>>) target_semaphore(%run_scoped3A_101 : memref<!tpu.dma_semaphore, #tpu.memory_space<semaphore_mem>>)
      %dma_wait3A_110 = arith.constant 0 : i32
      %dma_wait3A_111 = arith.constant 0 : i32
      %dma_wait3A_112 = tpu.memref_slice %arg3[%add3A, %dma_wait3A_110, %dma_wait3A_111] : memref<32x80x128xi32, #tpu.memory_space<hbm>> -> memref<1x16x128xi32, #tpu.memory_space<hbm>>
      %dma_wait3A_113 = tpu.memref_squeeze %dma_wait3A_112 : memref<1x16x128xi32, #tpu.memory_space<hbm>> -> memref<16x128xi32, #tpu.memory_space<hbm>>
      %dma_wait3A_114 = arith.constant 0 : i32
      %dma_wait3A_115 = arith.constant 0 : i32
      %dma_wait3A_116 = tpu.memref_slice %arg3[%add3A, %dma_wait3A_114, %dma_wait3A_115] : memref<32x80x128xi32, #tpu.memory_space<hbm>> -> memref<1x16x128xi32, #tpu.memory_space<hbm>>
      %dma_wait3A_117 = tpu.memref_squeeze %dma_wait3A_116 : memref<1x16x128xi32, #tpu.memory_space<hbm>> -> memref<16x128xi32, #tpu.memory_space<hbm>>
      tpu.wait_dma2 semaphore(%run_scoped3A_101 : memref<!tpu.dma_semaphore, #tpu.memory_space<semaphore_mem>>) src(%dma_wait3A_117 : memref<16x128xi32, #tpu.memory_space<hbm>>) dst(%arg10 : memref<16x128xi32, #tpu.memory_space<vmem>>)
      tpu.yield
    }) : () -> ()
    %dma_start3A_4 = arith.constant 0 : i32
    %dma_start3A_5 = arith.constant 0 : i32
    %dma_start3A_6 = arith.constant 0 : i32
    %dma_start3A_7 = arith.constant 0 : i32
    %dma_start3A_8 = tpu.memref_slice %arg11[%dma_start3A_5, %dma_start3A_6, %dma_start3A_7] : memref<2x128x128xf32, #tpu.memory_space<vmem>> -> memref<1x128x128xf32, #tpu.memory_space<vmem>>
    %dma_start3A_9 = tpu.memref_squeeze %dma_start3A_8 : memref<1x128x128xf32, #tpu.memory_space<vmem>> -> memref<128x128xf32, #tpu.memory_space<vmem>>
    %dma_start3A_10 = arith.constant 0 : i32
    %dma_start3A_11 = tpu.memref_slice %arg9[%dma_start3A_4, %dma_start3A_10] : memref<16x128xi32, #tpu.memory_space<vmem>> -> memref<1x128xi32, #tpu.memory_space<vmem>>
    %dma_start3A_12 = tpu.memref_squeeze %dma_start3A_11 : memref<1x128xi32, #tpu.memory_space<vmem>> -> memref<128xi32, #tpu.memory_space<vmem>>
    %dma_start3A_13 = arith.constant 0 : i32
    %dma_start3A_14 = arith.constant 0 : i32
    %dma_start3A_15 = tpu.memref_slice %arg4[%dma_start3A_13, %dma_start3A_14] : memref<10000x128xf32, #tpu.memory_space<hbm>> -> memref<10000x128xf32, #tpu.memory_space<hbm>>
    tpu.enqueue_indirect_dma source(%dma_start3A_15 : memref<10000x128xf32, #tpu.memory_space<hbm>>) target(%dma_start3A_9 : memref<128x128xf32, #tpu.memory_space<vmem>>) offsets(%dma_start3A_12 : memref<128xi32, #tpu.memory_space<vmem>>) semaphore(%arg14 : memref<!tpu.dma_semaphore, #tpu.memory_space<semaphore_mem>>)
    %dma_wait3A = arith.constant 0 : i32
    %dma_wait3A_16 = tpu.memref_slice %arg13[%multiple_of3A, %dma_wait3A] : memref<10112x128xf32, #tpu.memory_space<vmem_shared>> -> memref<632x128xf32, #tpu.memory_space<vmem_shared>>
    tpu.wait_dma2 semaphore(%arg16 : memref<!tpu.dma_semaphore, #tpu.memory_space<semaphore_mem>>) src(%arg5 : memref<632x128xf32, #tpu.memory_space<hbm>>) dst(%dma_wait3A_16 : memref<632x128xf32, #tpu.memory_space<vmem_shared>>)
    %barrier3A = arith.constant 0 : index
    tpu.barrier barrier_id(%barrier3A)
    %scan3A = arith.constant 0 : i32
    %scan3A_17 = arith.constant 0 : i32
    %scan3A_18 = arith.constant 8 : i32
    %scan3A_19 = arith.addi %scan3A_17, %scan3A_18 : i32
    %scan3A_20 = arith.constant 1 : i32
    scf.for %scan3A_101 = %scan3A_17 to %scan3A_19 step %scan3A_20  : i32 {
      %mul3A_102 = arith.constant 2 : i32
      %mul3A_103 = arith.muli %mul3A_102, %scan3A_101 : i32
      %add3A_104 = arith.constant 1 : i32
      %add3A_105 = arith.addi %mul3A_103, %add3A_104 : i32
      %dma_start3A_106 = arith.constant 1 : i32
      %dma_start3A_107 = arith.constant 0 : i32
      %dma_start3A_108 = arith.constant 0 : i32
      %dma_start3A_109 = tpu.memref_slice %arg11[%dma_start3A_106, %dma_start3A_107, %dma_start3A_108] : memref<2x128x128xf32, #tpu.memory_space<vmem>> -> memref<1x128x128xf32, #tpu.memory_space<vmem>>
      %dma_start3A_110 = tpu.memref_squeeze %dma_start3A_109 : memref<1x128x128xf32, #tpu.memory_space<vmem>> -> memref<128x128xf32, #tpu.memory_space<vmem>>
      %dma_start3A_111 = arith.constant 0 : i32
      %dma_start3A_112 = tpu.memref_slice %arg9[%add3A_105, %dma_start3A_111] : memref<16x128xi32, #tpu.memory_space<vmem>> -> memref<1x128xi32, #tpu.memory_space<vmem>>
      %dma_start3A_113 = tpu.memref_squeeze %dma_start3A_112 : memref<1x128xi32, #tpu.memory_space<vmem>> -> memref<128xi32, #tpu.memory_space<vmem>>
      %dma_start3A_114 = arith.constant 0 : i32
      %dma_start3A_115 = arith.constant 0 : i32
      %dma_start3A_116 = tpu.memref_slice %arg4[%dma_start3A_114, %dma_start3A_115] : memref<10000x128xf32, #tpu.memory_space<hbm>> -> memref<10000x128xf32, #tpu.memory_space<hbm>>
      tpu.enqueue_indirect_dma source(%dma_start3A_116 : memref<10000x128xf32, #tpu.memory_space<hbm>>) target(%dma_start3A_110 : memref<128x128xf32, #tpu.memory_space<vmem>>) offsets(%dma_start3A_113 : memref<128xi32, #tpu.memory_space<vmem>>) semaphore(%arg15 : memref<!tpu.dma_semaphore, #tpu.memory_space<semaphore_mem>>)
      %dma_wait3A_117 = arith.constant 0 : i32
      %dma_wait3A_118 = arith.constant 0 : i32
      %dma_wait3A_119 = arith.constant 0 : i32
      %dma_wait3A_120 = tpu.memref_slice %arg11[%dma_wait3A_117, %dma_wait3A_118, %dma_wait3A_119] : memref<2x128x128xf32, #tpu.memory_space<vmem>> -> memref<1x128x128xf32, #tpu.memory_space<vmem>>
      %dma_wait3A_121 = tpu.memref_squeeze %dma_wait3A_120 : memref<1x128x128xf32, #tpu.memory_space<vmem>> -> memref<128x128xf32, #tpu.memory_space<vmem>>
      %dma_wait3A_122 = arith.constant 0 : i32
      %dma_wait3A_123 = tpu.memref_slice %arg9[%mul3A_103, %dma_wait3A_122] : memref<16x128xi32, #tpu.memory_space<vmem>> -> memref<1x128xi32, #tpu.memory_space<vmem>>
      %dma_wait3A_124 = tpu.memref_squeeze %dma_wait3A_123 : memref<1x128xi32, #tpu.memory_space<vmem>> -> memref<128xi32, #tpu.memory_space<vmem>>
      %dma_wait3A_125 = arith.constant 0 : i32
      %dma_wait3A_126 = arith.constant 0 : i32
      %dma_wait3A_127 = tpu.memref_slice %arg4[%dma_wait3A_125, %dma_wait3A_126] : memref<10000x128xf32, #tpu.memory_space<hbm>> -> memref<10000x128xf32, #tpu.memory_space<hbm>>
      tpu.wait_indirect_dma semaphore(%arg14 : memref<!tpu.dma_semaphore, #tpu.memory_space<semaphore_mem>>) src(%dma_wait3A_127 : memref<10000x128xf32, #tpu.memory_space<hbm>>) dst(%dma_wait3A_121 : memref<128x128xf32, #tpu.memory_space<vmem>>)
      %dma_start3A_128 = arith.constant 0 : i32
      %dma_start3A_129 = arith.constant 0 : i32
      %dma_start3A_130 = arith.constant 0 : i32
      %dma_start3A_131 = tpu.memref_slice %arg11[%dma_start3A_128, %dma_start3A_129, %dma_start3A_130] : memref<2x128x128xf32, #tpu.memory_space<vmem>> -> memref<1x128x128xf32, #tpu.memory_space<vmem>>
      %dma_start3A_132 = tpu.memref_squeeze %dma_start3A_131 : memref<1x128x128xf32, #tpu.memory_space<vmem>> -> memref<128x128xf32, #tpu.memory_space<vmem>>
      %dma_start3A_133 = arith.constant 0 : i32
      %dma_start3A_134 = tpu.memref_slice %arg10[%mul3A_103, %dma_start3A_133] : memref<16x128xi32, #tpu.memory_space<vmem>> -> memref<1x128xi32, #tpu.memory_space<vmem>>
      %dma_start3A_135 = tpu.memref_squeeze %dma_start3A_134 : memref<1x128xi32, #tpu.memory_space<vmem>> -> memref<128xi32, #tpu.memory_space<vmem>>
      %dma_start3A_136 = arith.constant 0 : i32
      %dma_start3A_137 = arith.constant 0 : i32
      %dma_start3A_138 = tpu.memref_slice %arg13[%dma_start3A_136, %dma_start3A_137] : memref<10112x128xf32, #tpu.memory_space<vmem_shared>> -> memref<10112x128xf32, #tpu.memory_space<vmem_shared>>
      tpu.enqueue_indirect_dma source(%dma_start3A_132 : memref<128x128xf32, #tpu.memory_space<vmem>>) target(%dma_start3A_138 : memref<10112x128xf32, #tpu.memory_space<vmem_shared>>) offsets(%dma_start3A_135 : memref<128xi32, #tpu.memory_space<vmem>>) semaphore(%arg16 : memref<!tpu.dma_semaphore, #tpu.memory_space<semaphore_mem>>) {add = true}
      %get3A = arith.index_cast %mul3A_103 : i32 to index
      %get3A_139 = arith.constant 0 : index
      %get3A_140 = tpu.vector_load %arg10[%get3A, %get3A_139] {strides = array<i32>} : memref<16x128xi32, #tpu.memory_space<vmem>>, vector<16xi32>,
      %broadcast_in_dim3A = arith.constant 1.000000e+00 : f32
      %broadcast_in_dim3A_141 = vector.broadcast %broadcast_in_dim3A : f32 to vector<16xf32>
      tpu.vector_store_idx %arg12[%get3A_140], %broadcast_in_dim3A_141 {add = true} : memref<10240xf32, #tpu.memory_space<vmem>>[vector<16xi32>], vector<16xf32>,
      %get3A_142 = arith.index_cast %mul3A_103 : i32 to index
      %get3A_143 = arith.constant 16 : index
      %get3A_144 = tpu.vector_load %arg10[%get3A_142, %get3A_143] {strides = array<i32>} : memref<16x128xi32, #tpu.memory_space<vmem>>, vector<16xi32>,
      %broadcast_in_dim3A_145 = arith.constant 1.000000e+00 : f32
      %broadcast_in_dim3A_146 = vector.broadcast %broadcast_in_dim3A_145 : f32 to vector<16xf32>
      tpu.vector_store_idx %arg12[%get3A_144], %broadcast_in_dim3A_146 {add = true} : memref<10240xf32, #tpu.memory_space<vmem>>[vector<16xi32>], vector<16xf32>,
      %get3A_147 = arith.index_cast %mul3A_103 : i32 to index
      %get3A_148 = arith.constant 32 : index
      %get3A_149 = tpu.vector_load %arg10[%get3A_147, %get3A_148] {strides = array<i32>} : memref<16x128xi32, #tpu.memory_space<vmem>>, vector<16xi32>,
      %broadcast_in_dim3A_150 = arith.constant 1.000000e+00 : f32
      %broadcast_in_dim3A_151 = vector.broadcast %broadcast_in_dim3A_150 : f32 to vector<16xf32>
      tpu.vector_store_idx %arg12[%get3A_149], %broadcast_in_dim3A_151 {add = true} : memref<10240xf32, #tpu.memory_space<vmem>>[vector<16xi32>], vector<16xf32>,
      %get3A_152 = arith.index_cast %mul3A_103 : i32 to index
      %get3A_153 = arith.constant 48 : index
      %get3A_154 = tpu.vector_load %arg10[%get3A_152, %get3A_153] {strides = array<i32>} : memref<16x128xi32, #tpu.memory_space<vmem>>, vector<16xi32>,
      %broadcast_in_dim3A_155 = arith.constant 1.000000e+00 : f32
      %broadcast_in_dim3A_156 = vector.broadcast %broadcast_in_dim3A_155 : f32 to vector<16xf32>
      tpu.vector_store_idx %arg12[%get3A_154], %broadcast_in_dim3A_156 {add = true} : memref<10240xf32, #tpu.memory_space<vmem>>[vector<16xi32>], vector<16xf32>,
      %get3A_157 = arith.index_cast %mul3A_103 : i32 to index
      %get3A_158 = arith.constant 64 : index
      %get3A_159 = tpu.vector_load %arg10[%get3A_157, %get3A_158] {strides = array<i32>} : memref<16x128xi32, #tpu.memory_space<vmem>>, vector<16xi32>,
      %broadcast_in_dim3A_160 = arith.constant 1.000000e+00 : f32
      %broadcast_in_dim3A_161 = vector.broadcast %broadcast_in_dim3A_160 : f32 to vector<16xf32>
      tpu.vector_store_idx %arg12[%get3A_159], %broadcast_in_dim3A_161 {add = true} : memref<10240xf32, #tpu.memory_space<vmem>>[vector<16xi32>], vector<16xf32>,
      %get3A_162 = arith.index_cast %mul3A_103 : i32 to index
      %get3A_163 = arith.constant 80 : index
      %get3A_164 = tpu.vector_load %arg10[%get3A_162, %get3A_163] {strides = array<i32>} : memref<16x128xi32, #tpu.memory_space<vmem>>, vector<16xi32>,
      %broadcast_in_dim3A_165 = arith.constant 1.000000e+00 : f32
      %broadcast_in_dim3A_166 = vector.broadcast %broadcast_in_dim3A_165 : f32 to vector<16xf32>
      tpu.vector_store_idx %arg12[%get3A_164], %broadcast_in_dim3A_166 {add = true} : memref<10240xf32, #tpu.memory_space<vmem>>[vector<16xi32>], vector<16xf32>,
      %get3A_167 = arith.index_cast %mul3A_103 : i32 to index
      %get3A_168 = arith.constant 96 : index
      %get3A_169 = tpu.vector_load %arg10[%get3A_167, %get3A_168] {strides = array<i32>} : memref<16x128xi32, #tpu.memory_space<vmem>>, vector<16xi32>,
      %broadcast_in_dim3A_170 = arith.constant 1.000000e+00 : f32
      %broadcast_in_dim3A_171 = vector.broadcast %broadcast_in_dim3A_170 : f32 to vector<16xf32>
      tpu.vector_store_idx %arg12[%get3A_169], %broadcast_in_dim3A_171 {add = true} : memref<10240xf32, #tpu.memory_space<vmem>>[vector<16xi32>], vector<16xf32>,
      %get3A_172 = arith.index_cast %mul3A_103 : i32 to index
      %get3A_173 = arith.constant 112 : index
      %get3A_174 = tpu.vector_load %arg10[%get3A_172, %get3A_173] {strides = array<i32>} : memref<16x128xi32, #tpu.memory_space<vmem>>, vector<16xi32>,
      %broadcast_in_dim3A_175 = arith.constant 1.000000e+00 : f32
      %broadcast_in_dim3A_176 = vector.broadcast %broadcast_in_dim3A_175 : f32 to vector<16xf32>
      tpu.vector_store_idx %arg12[%get3A_174], %broadcast_in_dim3A_176 {add = true} : memref<10240xf32, #tpu.memory_space<vmem>>[vector<16xi32>], vector<16xf32>,
      %dma_wait3A_177 = arith.constant 0 : i32
      %dma_wait3A_178 = arith.constant 0 : i32
      %dma_wait3A_179 = arith.constant 0 : i32
      %dma_wait3A_180 = tpu.memref_slice %arg11[%dma_wait3A_177, %dma_wait3A_178, %dma_wait3A_179] : memref<2x128x128xf32, #tpu.memory_space<vmem>> -> memref<1x128x128xf32, #tpu.memory_space<vmem>>
      %dma_wait3A_181 = tpu.memref_squeeze %dma_wait3A_180 : memref<1x128x128xf32, #tpu.memory_space<vmem>> -> memref<128x128xf32, #tpu.memory_space<vmem>>
      %dma_wait3A_182 = arith.constant 0 : i32
      %dma_wait3A_183 = tpu.memref_slice %arg10[%mul3A_103, %dma_wait3A_182] : memref<16x128xi32, #tpu.memory_space<vmem>> -> memref<1x128xi32, #tpu.memory_space<vmem>>
      %dma_wait3A_184 = tpu.memref_squeeze %dma_wait3A_183 : memref<1x128xi32, #tpu.memory_space<vmem>> -> memref<128xi32, #tpu.memory_space<vmem>>
      %dma_wait3A_185 = arith.constant 0 : i32
      %dma_wait3A_186 = arith.constant 0 : i32
      %dma_wait3A_187 = tpu.memref_slice %arg13[%dma_wait3A_185, %dma_wait3A_186] : memref<10112x128xf32, #tpu.memory_space<vmem_shared>> -> memref<10112x128xf32, #tpu.memory_space<vmem_shared>>
      tpu.wait_indirect_dma semaphore(%arg16 : memref<!tpu.dma_semaphore, #tpu.memory_space<semaphore_mem>>) src(%dma_wait3A_181 : memref<128x128xf32, #tpu.memory_space<vmem>>) dst(%dma_wait3A_187 : memref<10112x128xf32, #tpu.memory_space<vmem_shared>>)
      %add3A_188 = arith.constant 2 : i32
      %add3A_189 = arith.addi %mul3A_103, %add3A_188 : i32
      %lt3A_190 = arith.constant 16 : i32
      %lt3A_191 = arith.cmpi slt, %add3A_189, %lt3A_190 : i32
      %convert_element_type3A_192 = arith.extui %lt3A_191 : i1 to i32
      %cond3A_193 = arith.constant 0 : i32
      %cond3A_194 = arith.cmpi ne, %convert_element_type3A_192, %cond3A_193 : i32
      scf.if %cond3A_194 {
        %add3A_272 = arith.constant 2 : i32
        %add3A_273 = arith.addi %mul3A_103, %add3A_272 : i32
        %dma_start3A_274 = arith.constant 0 : i32
        %dma_start3A_275 = arith.constant 0 : i32
        %dma_start3A_276 = arith.constant 0 : i32
        %dma_start3A_277 = tpu.memref_slice %arg11[%dma_start3A_274, %dma_start3A_275, %dma_start3A_276] : memref<2x128x128xf32, #tpu.memory_space<vmem>> -> memref<1x128x128xf32, #tpu.memory_space<vmem>>
        %dma_start3A_278 = tpu.memref_squeeze %dma_start3A_277 : memref<1x128x128xf32, #tpu.memory_space<vmem>> -> memref<128x128xf32, #tpu.memory_space<vmem>>
        %dma_start3A_279 = arith.constant 0 : i32
        %dma_start3A_280 = tpu.memref_slice %arg9[%add3A_273, %dma_start3A_279] : memref<16x128xi32, #tpu.memory_space<vmem>> -> memref<1x128xi32, #tpu.memory_space<vmem>>
        %dma_start3A_281 = tpu.memref_squeeze %dma_start3A_280 : memref<1x128xi32, #tpu.memory_space<vmem>> -> memref<128xi32, #tpu.memory_space<vmem>>
        %dma_start3A_282 = arith.constant 0 : i32
        %dma_start3A_283 = arith.constant 0 : i32
        %dma_start3A_284 = tpu.memref_slice %arg4[%dma_start3A_282, %dma_start3A_283] : memref<10000x128xf32, #tpu.memory_space<hbm>> -> memref<10000x128xf32, #tpu.memory_space<hbm>>
        tpu.enqueue_indirect_dma source(%dma_start3A_284 : memref<10000x128xf32, #tpu.memory_space<hbm>>) target(%dma_start3A_278 : memref<128x128xf32, #tpu.memory_space<vmem>>) offsets(%dma_start3A_281 : memref<128xi32, #tpu.memory_space<vmem>>) semaphore(%arg14 : memref<!tpu.dma_semaphore, #tpu.memory_space<semaphore_mem>>)
      } else {
      }
      %add3A_195 = arith.constant 1 : i32
      %add3A_196 = arith.addi %mul3A_103, %add3A_195 : i32
      %dma_wait3A_197 = arith.constant 1 : i32
      %dma_wait3A_198 = arith.constant 0 : i32
      %dma_wait3A_199 = arith.constant 0 : i32
      %dma_wait3A_200 = tpu.memref_slice %arg11[%dma_wait3A_197, %dma_wait3A_198, %dma_wait3A_199] : memref<2x128x128xf32, #tpu.memory_space<vmem>> -> memref<1x128x128xf32, #tpu.memory_space<vmem>>
      %dma_wait3A_201 = tpu.memref_squeeze %dma_wait3A_200 : memref<1x128x128xf32, #tpu.memory_space<vmem>> -> memref<128x128xf32, #tpu.memory_space<vmem>>
      %dma_wait3A_202 = arith.constant 0 : i32
      %dma_wait3A_203 = tpu.memref_slice %arg9[%add3A_196, %dma_wait3A_202] : memref<16x128xi32, #tpu.memory_space<vmem>> -> memref<1x128xi32, #tpu.memory_space<vmem>>
      %dma_wait3A_204 = tpu.memref_squeeze %dma_wait3A_203 : memref<1x128xi32, #tpu.memory_space<vmem>> -> memref<128xi32, #tpu.memory_space<vmem>>
      %dma_wait3A_205 = arith.constant 0 : i32
      %dma_wait3A_206 = arith.constant 0 : i32
      %dma_wait3A_207 = tpu.memref_slice %arg4[%dma_wait3A_205, %dma_wait3A_206] : memref<10000x128xf32, #tpu.memory_space<hbm>> -> memref<10000x128xf32, #tpu.memory_space<hbm>>
      tpu.wait_indirect_dma semaphore(%arg15 : memref<!tpu.dma_semaphore, #tpu.memory_space<semaphore_mem>>) src(%dma_wait3A_207 : memref<10000x128xf32, #tpu.memory_space<hbm>>) dst(%dma_wait3A_201 : memref<128x128xf32, #tpu.memory_space<vmem>>)
      %add3A_208 = arith.constant 1 : i32
      %add3A_209 = arith.addi %mul3A_103, %add3A_208 : i32
      %dma_start3A_210 = arith.constant 1 : i32
      %dma_start3A_211 = arith.constant 0 : i32
      %dma_start3A_212 = arith.constant 0 : i32
      %dma_start3A_213 = tpu.memref_slice %arg11[%dma_start3A_210, %dma_start3A_211, %dma_start3A_212] : memref<2x128x128xf32, #tpu.memory_space<vmem>> -> memref<1x128x128xf32, #tpu.memory_space<vmem>>
      %dma_start3A_214 = tpu.memref_squeeze %dma_start3A_213 : memref<1x128x128xf32, #tpu.memory_space<vmem>> -> memref<128x128xf32, #tpu.memory_space<vmem>>
      %dma_start3A_215 = arith.constant 0 : i32
      %dma_start3A_216 = tpu.memref_slice %arg10[%add3A_209, %dma_start3A_215] : memref<16x128xi32, #tpu.memory_space<vmem>> -> memref<1x128xi32, #tpu.memory_space<vmem>>
      %dma_start3A_217 = tpu.memref_squeeze %dma_start3A_216 : memref<1x128xi32, #tpu.memory_space<vmem>> -> memref<128xi32, #tpu.memory_space<vmem>>
      %dma_start3A_218 = arith.constant 0 : i32
      %dma_start3A_219 = arith.constant 0 : i32
      %dma_start3A_220 = tpu.memref_slice %arg13[%dma_start3A_218, %dma_start3A_219] : memref<10112x128xf32, #tpu.memory_space<vmem_shared>> -> memref<10112x128xf32, #tpu.memory_space<vmem_shared>>
      tpu.enqueue_indirect_dma source(%dma_start3A_214 : memref<128x128xf32, #tpu.memory_space<vmem>>) target(%dma_start3A_220 : memref<10112x128xf32, #tpu.memory_space<vmem_shared>>) offsets(%dma_start3A_217 : memref<128xi32, #tpu.memory_space<vmem>>) semaphore(%arg16 : memref<!tpu.dma_semaphore, #tpu.memory_space<semaphore_mem>>) {add = true}
      %get3A_221 = arith.index_cast %add3A_209 : i32 to index
      %get3A_222 = arith.constant 0 : index
      %get3A_223 = tpu.vector_load %arg10[%get3A_221, %get3A_222] {strides = array<i32>} : memref<16x128xi32, #tpu.memory_space<vmem>>, vector<16xi32>,
      %broadcast_in_dim3A_224 = arith.constant 1.000000e+00 : f32
      %broadcast_in_dim3A_225 = vector.broadcast %broadcast_in_dim3A_224 : f32 to vector<16xf32>
      tpu.vector_store_idx %arg12[%get3A_223], %broadcast_in_dim3A_225 {add = true} : memref<10240xf32, #tpu.memory_space<vmem>>[vector<16xi32>], vector<16xf32>,
      %get3A_226 = arith.index_cast %add3A_209 : i32 to index
      %get3A_227 = arith.constant 16 : index
      %get3A_228 = tpu.vector_load %arg10[%get3A_226, %get3A_227] {strides = array<i32>} : memref<16x128xi32, #tpu.memory_space<vmem>>, vector<16xi32>,
      %broadcast_in_dim3A_229 = arith.constant 1.000000e+00 : f32
      %broadcast_in_dim3A_230 = vector.broadcast %broadcast_in_dim3A_229 : f32 to vector<16xf32>
      tpu.vector_store_idx %arg12[%get3A_228], %broadcast_in_dim3A_230 {add = true} : memref<10240xf32, #tpu.memory_space<vmem>>[vector<16xi32>], vector<16xf32>,
      %get3A_231 = arith.index_cast %add3A_209 : i32 to index
      %get3A_232 = arith.constant 32 : index
      %get3A_233 = tpu.vector_load %arg10[%get3A_231, %get3A_232] {strides = array<i32>} : memref<16x128xi32, #tpu.memory_space<vmem>>, vector<16xi32>,
      %broadcast_in_dim3A_234 = arith.constant 1.000000e+00 : f32
      %broadcast_in_dim3A_235 = vector.broadcast %broadcast_in_dim3A_234 : f32 to vector<16xf32>
      tpu.vector_store_idx %arg12[%get3A_233], %broadcast_in_dim3A_235 {add = true} : memref<10240xf32, #tpu.memory_space<vmem>>[vector<16xi32>], vector<16xf32>,
      %get3A_236 = arith.index_cast %add3A_209 : i32 to index
      %get3A_237 = arith.constant 48 : index
      %get3A_238 = tpu.vector_load %arg10[%get3A_236, %get3A_237] {strides = array<i32>} : memref<16x128xi32, #tpu.memory_space<vmem>>, vector<16xi32>,
      %broadcast_in_dim3A_239 = arith.constant 1.000000e+00 : f32
      %broadcast_in_dim3A_240 = vector.broadcast %broadcast_in_dim3A_239 : f32 to vector<16xf32>
      tpu.vector_store_idx %arg12[%get3A_238], %broadcast_in_dim3A_240 {add = true} : memref<10240xf32, #tpu.memory_space<vmem>>[vector<16xi32>], vector<16xf32>,
      %get3A_241 = arith.index_cast %add3A_209 : i32 to index
      %get3A_242 = arith.constant 64 : index
      %get3A_243 = tpu.vector_load %arg10[%get3A_241, %get3A_242] {strides = array<i32>} : memref<16x128xi32, #tpu.memory_space<vmem>>, vector<16xi32>,
      %broadcast_in_dim3A_244 = arith.constant 1.000000e+00 : f32
      %broadcast_in_dim3A_245 = vector.broadcast %broadcast_in_dim3A_244 : f32 to vector<16xf32>
      tpu.vector_store_idx %arg12[%get3A_243], %broadcast_in_dim3A_245 {add = true} : memref<10240xf32, #tpu.memory_space<vmem>>[vector<16xi32>], vector<16xf32>,
      %get3A_246 = arith.index_cast %add3A_209 : i32 to index
      %get3A_247 = arith.constant 80 : index
      %get3A_248 = tpu.vector_load %arg10[%get3A_246, %get3A_247] {strides = array<i32>} : memref<16x128xi32, #tpu.memory_space<vmem>>, vector<16xi32>,
      %broadcast_in_dim3A_249 = arith.constant 1.000000e+00 : f32
      %broadcast_in_dim3A_250 = vector.broadcast %broadcast_in_dim3A_249 : f32 to vector<16xf32>
      tpu.vector_store_idx %arg12[%get3A_248], %broadcast_in_dim3A_250 {add = true} : memref<10240xf32, #tpu.memory_space<vmem>>[vector<16xi32>], vector<16xf32>,
      %get3A_251 = arith.index_cast %add3A_209 : i32 to index
      %get3A_252 = arith.constant 96 : index
      %get3A_253 = tpu.vector_load %arg10[%get3A_251, %get3A_252] {strides = array<i32>} : memref<16x128xi32, #tpu.memory_space<vmem>>, vector<16xi32>,
      %broadcast_in_dim3A_254 = arith.constant 1.000000e+00 : f32
      %broadcast_in_dim3A_255 = vector.broadcast %broadcast_in_dim3A_254 : f32 to vector<16xf32>
      tpu.vector_store_idx %arg12[%get3A_253], %broadcast_in_dim3A_255 {add = true} : memref<10240xf32, #tpu.memory_space<vmem>>[vector<16xi32>], vector<16xf32>,
      %get3A_256 = arith.index_cast %add3A_209 : i32 to index
      %get3A_257 = arith.constant 112 : index
      %get3A_258 = tpu.vector_load %arg10[%get3A_256, %get3A_257] {strides = array<i32>} : memref<16x128xi32, #tpu.memory_space<vmem>>, vector<16xi32>,
      %broadcast_in_dim3A_259 = arith.constant 1.000000e+00 : f32
      %broadcast_in_dim3A_260 = vector.broadcast %broadcast_in_dim3A_259 : f32 to vector<16xf32>
      tpu.vector_store_idx %arg12[%get3A_258], %broadcast_in_dim3A_260 {add = true} : memref<10240xf32, #tpu.memory_space<vmem>>[vector<16xi32>], vector<16xf32>,
      %dma_wait3A_261 = arith.constant 1 : i32
      %dma_wait3A_262 = arith.constant 0 : i32
      %dma_wait3A_263 = arith.constant 0 : i32
      %dma_wait3A_264 = tpu.memref_slice %arg11[%dma_wait3A_261, %dma_wait3A_262, %dma_wait3A_263] : memref<2x128x128xf32, #tpu.memory_space<vmem>> -> memref<1x128x128xf32, #tpu.memory_space<vmem>>
      %dma_wait3A_265 = tpu.memref_squeeze %dma_wait3A_264 : memref<1x128x128xf32, #tpu.memory_space<vmem>> -> memref<128x128xf32, #tpu.memory_space<vmem>>
      %dma_wait3A_266 = arith.constant 0 : i32
      %dma_wait3A_267 = tpu.memref_slice %arg10[%add3A_209, %dma_wait3A_266] : memref<16x128xi32, #tpu.memory_space<vmem>> -> memref<1x128xi32, #tpu.memory_space<vmem>>
      %dma_wait3A_268 = tpu.memref_squeeze %dma_wait3A_267 : memref<1x128xi32, #tpu.memory_space<vmem>> -> memref<128xi32, #tpu.memory_space<vmem>>
      %dma_wait3A_269 = arith.constant 0 : i32
      %dma_wait3A_270 = arith.constant 0 : i32
      %dma_wait3A_271 = tpu.memref_slice %arg13[%dma_wait3A_269, %dma_wait3A_270] : memref<10112x128xf32, #tpu.memory_space<vmem_shared>> -> memref<10112x128xf32, #tpu.memory_space<vmem_shared>>
      tpu.wait_indirect_dma semaphore(%arg16 : memref<!tpu.dma_semaphore, #tpu.memory_space<semaphore_mem>>) src(%dma_wait3A_265 : memref<128x128xf32, #tpu.memory_space<vmem>>) dst(%dma_wait3A_271 : memref<10112x128xf32, #tpu.memory_space<vmem_shared>>)
    }
    %scan3A_21 = arith.constant 8 : i32
    "tpu.region"() ({
      %run_scoped3A_101 = tpu.sem_alloc : memref<!tpu.dma_semaphore, #tpu.memory_space<semaphore_mem>>
      %dma_start3A_102 = arith.constant 16 : i32
      %dma_start3A_103 = arith.constant 0 : i32
      %dma_start3A_104 = tpu.memref_slice %arg2[%add3A, %dma_start3A_102, %dma_start3A_103] : memref<32x80x128xi32, #tpu.memory_space<hbm>> -> memref<1x16x128xi32, #tpu.memory_space<hbm>>
      %dma_start3A_105 = tpu.memref_squeeze %dma_start3A_104 : memref<1x16x128xi32, #tpu.memory_space<hbm>> -> memref<16x128xi32, #tpu.memory_space<hbm>>
      %dma_start3A_106 = arith.constant 16 : i32
      %dma_start3A_107 = arith.constant 0 : i32
      %dma_start3A_108 = tpu.memref_slice %arg2[%add3A, %dma_start3A_106, %dma_start3A_107] : memref<32x80x128xi32, #tpu.memory_space<hbm>> -> memref<1x16x128xi32, #tpu.memory_space<hbm>>
      %dma_start3A_109 = tpu.memref_squeeze %dma_start3A_108 : memref<1x16x128xi32, #tpu.memory_space<hbm>> -> memref<16x128xi32, #tpu.memory_space<hbm>>
      tpu.enqueue_dma source(%dma_start3A_109 : memref<16x128xi32, #tpu.memory_space<hbm>>) target(%arg9 : memref<16x128xi32, #tpu.memory_space<vmem>>) target_semaphore(%run_scoped3A_101 : memref<!tpu.dma_semaphore, #tpu.memory_space<semaphore_mem>>)
      %dma_wait3A_110 = arith.constant 16 : i32
      %dma_wait3A_111 = arith.constant 0 : i32
      %dma_wait3A_112 = tpu.memref_slice %arg2[%add3A, %dma_wait3A_110, %dma_wait3A_111] : memref<32x80x128xi32, #tpu.memory_space<hbm>> -> memref<1x16x128xi32, #tpu.memory_space<hbm>>
      %dma_wait3A_113 = tpu.memref_squeeze %dma_wait3A_112 : memref<1x16x128xi32, #tpu.memory_space<hbm>> -> memref<16x128xi32, #tpu.memory_space<hbm>>
      %dma_wait3A_114 = arith.constant 16 : i32
      %dma_wait3A_115 = arith.constant 0 : i32
      %dma_wait3A_116 = tpu.memref_slice %arg2[%add3A, %dma_wait3A_114, %dma_wait3A_115] : memref<32x80x128xi32, #tpu.memory_space<hbm>> -> memref<1x16x128xi32, #tpu.memory_space<hbm>>
      %dma_wait3A_117 = tpu.memref_squeeze %dma_wait3A_116 : memref<1x16x128xi32, #tpu.memory_space<hbm>> -> memref<16x128xi32, #tpu.memory_space<hbm>>
      tpu.wait_dma2 semaphore(%run_scoped3A_101 : memref<!tpu.dma_semaphore, #tpu.memory_space<semaphore_mem>>) src(%dma_wait3A_117 : memref<16x128xi32, #tpu.memory_space<hbm>>) dst(%arg9 : memref<16x128xi32, #tpu.memory_space<vmem>>)
      tpu.yield
    }) : () -> ()
    "tpu.region"() ({
      %run_scoped3A_101 = tpu.sem_alloc : memref<!tpu.dma_semaphore, #tpu.memory_space<semaphore_mem>>
      %dma_start3A_102 = arith.constant 16 : i32
      %dma_start3A_103 = arith.constant 0 : i32
      %dma_start3A_104 = tpu.memref_slice %arg3[%add3A, %dma_start3A_102, %dma_start3A_103] : memref<32x80x128xi32, #tpu.memory_space<hbm>> -> memref<1x16x128xi32, #tpu.memory_space<hbm>>
      %dma_start3A_105 = tpu.memref_squeeze %dma_start3A_104 : memref<1x16x128xi32, #tpu.memory_space<hbm>> -> memref<16x128xi32, #tpu.memory_space<hbm>>
      %dma_start3A_106 = arith.constant 16 : i32
      %dma_start3A_107 = arith.constant 0 : i32
      %dma_start3A_108 = tpu.memref_slice %arg3[%add3A, %dma_start3A_106, %dma_start3A_107] : memref<32x80x128xi32, #tpu.memory_space<hbm>> -> memref<1x16x128xi32, #tpu.memory_space<hbm>>
      %dma_start3A_109 = tpu.memref_squeeze %dma_start3A_108 : memref<1x16x128xi32, #tpu.memory_space<hbm>> -> memref<16x128xi32, #tpu.memory_space<hbm>>
      tpu.enqueue_dma source(%dma_start3A_109 : memref<16x128xi32, #tpu.memory_space<hbm>>) target(%arg10 : memref<16x128xi32, #tpu.memory_space<vmem>>) target_semaphore(%run_scoped3A_101 : memref<!tpu.dma_semaphore, #tpu.memory_space<semaphore_mem>>)
      %dma_wait3A_110 = arith.constant 16 : i32
      %dma_wait3A_111 = arith.constant 0 : i32
      %dma_wait3A_112 = tpu.memref_slice %arg3[%add3A, %dma_wait3A_110, %dma_wait3A_111] : memref<32x80x128xi32, #tpu.memory_space<hbm>> -> memref<1x16x128xi32, #tpu.memory_space<hbm>>
      %dma_wait3A_113 = tpu.memref_squeeze %dma_wait3A_112 : memref<1x16x128xi32, #tpu.memory_space<hbm>> -> memref<16x128xi32, #tpu.memory_space<hbm>>
      %dma_wait3A_114 = arith.constant 16 : i32
      %dma_wait3A_115 = arith.constant 0 : i32
      %dma_wait3A_116 = tpu.memref_slice %arg3[%add3A, %dma_wait3A_114, %dma_wait3A_115] : memref<32x80x128xi32, #tpu.memory_space<hbm>> -> memref<1x16x128xi32, #tpu.memory_space<hbm>>
      %dma_wait3A_117 = tpu.memref_squeeze %dma_wait3A_116 : memref<1x16x128xi32, #tpu.memory_space<hbm>> -> memref<16x128xi32, #tpu.memory_space<hbm>>
      tpu.wait_dma2 semaphore(%run_scoped3A_101 : memref<!tpu.dma_semaphore, #tpu.memory_space<semaphore_mem>>) src(%dma_wait3A_117 : memref<16x128xi32, #tpu.memory_space<hbm>>) dst(%arg10 : memref<16x128xi32, #tpu.memory_space<vmem>>)
      tpu.yield
    }) : () -> ()
    %dma_start3A_22 = arith.constant 0 : i32
    %dma_start3A_23 = arith.constant 0 : i32
    %dma_start3A_24 = arith.constant 0 : i32
    %dma_start3A_25 = arith.constant 0 : i32
    %dma_start3A_26 = tpu.memref_slice %arg11[%dma_start3A_23, %dma_start3A_24, %dma_start3A_25] : memref<2x128x128xf32, #tpu.memory_space<vmem>> -> memref<1x128x128xf32, #tpu.memory_space<vmem>>
    %dma_start3A_27 = tpu.memref_squeeze %dma_start3A_26 : memref<1x128x128xf32, #tpu.memory_space<vmem>> -> memref<128x128xf32, #tpu.memory_space<vmem>>
    %dma_start3A_28 = arith.constant 0 : i32
    %dma_start3A_29 = tpu.memref_slice %arg9[%dma_start3A_22, %dma_start3A_28] : memref<16x128xi32, #tpu.memory_space<vmem>> -> memref<1x128xi32, #tpu.memory_space<vmem>>
    %dma_start3A_30 = tpu.memref_squeeze %dma_start3A_29 : memref<1x128xi32, #tpu.memory_space<vmem>> -> memref<128xi32, #tpu.memory_space<vmem>>
    %dma_start3A_31 = arith.constant 0 : i32
    %dma_start3A_32 = arith.constant 0 : i32
    %dma_start3A_33 = tpu.memref_slice %arg4[%dma_start3A_31, %dma_start3A_32] : memref<10000x128xf32, #tpu.memory_space<hbm>> -> memref<10000x128xf32, #tpu.memory_space<hbm>>
    tpu.enqueue_indirect_dma source(%dma_start3A_33 : memref<10000x128xf32, #tpu.memory_space<hbm>>) target(%dma_start3A_27 : memref<128x128xf32, #tpu.memory_space<vmem>>) offsets(%dma_start3A_30 : memref<128xi32, #tpu.memory_space<vmem>>) semaphore(%arg14 : memref<!tpu.dma_semaphore, #tpu.memory_space<semaphore_mem>>)
    %scan3A_34 = arith.constant 0 : i32
    %scan3A_35 = arith.constant 0 : i32
    %scan3A_36 = arith.constant 8 : i32
    %scan3A_37 = arith.addi %scan3A_35, %scan3A_36 : i32
    %scan3A_38 = arith.constant 1 : i32
    scf.for %scan3A_101 = %scan3A_35 to %scan3A_37 step %scan3A_38  : i32 {
      %mul3A_102 = arith.constant 2 : i32
      %mul3A_103 = arith.muli %mul3A_102, %scan3A_101 : i32
      %add3A_104 = arith.constant 1 : i32
      %add3A_105 = arith.addi %mul3A_103, %add3A_104 : i32
      %dma_start3A_106 = arith.constant 1 : i32
      %dma_start3A_107 = arith.constant 0 : i32
      %dma_start3A_108 = arith.constant 0 : i32
      %dma_start3A_109 = tpu.memref_slice %arg11[%dma_start3A_106, %dma_start3A_107, %dma_start3A_108] : memref<2x128x128xf32, #tpu.memory_space<vmem>> -> memref<1x128x128xf32, #tpu.memory_space<vmem>>
      %dma_start3A_110 = tpu.memref_squeeze %dma_start3A_109 : memref<1x128x128xf32, #tpu.memory_space<vmem>> -> memref<128x128xf32, #tpu.memory_space<vmem>>
      %dma_start3A_111 = arith.constant 0 : i32
      %dma_start3A_112 = tpu.memref_slice %arg9[%add3A_105, %dma_start3A_111] : memref<16x128xi32, #tpu.memory_space<vmem>> -> memref<1x128xi32, #tpu.memory_space<vmem>>
      %dma_start3A_113 = tpu.memref_squeeze %dma_start3A_112 : memref<1x128xi32, #tpu.memory_space<vmem>> -> memref<128xi32, #tpu.memory_space<vmem>>
      %dma_start3A_114 = arith.constant 0 : i32
      %dma_start3A_115 = arith.constant 0 : i32
      %dma_start3A_116 = tpu.memref_slice %arg4[%dma_start3A_114, %dma_start3A_115] : memref<10000x128xf32, #tpu.memory_space<hbm>> -> memref<10000x128xf32, #tpu.memory_space<hbm>>
      tpu.enqueue_indirect_dma source(%dma_start3A_116 : memref<10000x128xf32, #tpu.memory_space<hbm>>) target(%dma_start3A_110 : memref<128x128xf32, #tpu.memory_space<vmem>>) offsets(%dma_start3A_113 : memref<128xi32, #tpu.memory_space<vmem>>) semaphore(%arg15 : memref<!tpu.dma_semaphore, #tpu.memory_space<semaphore_mem>>)
      %dma_wait3A_117 = arith.constant 0 : i32
      %dma_wait3A_118 = arith.constant 0 : i32
      %dma_wait3A_119 = arith.constant 0 : i32
      %dma_wait3A_120 = tpu.memref_slice %arg11[%dma_wait3A_117, %dma_wait3A_118, %dma_wait3A_119] : memref<2x128x128xf32, #tpu.memory_space<vmem>> -> memref<1x128x128xf32, #tpu.memory_space<vmem>>
      %dma_wait3A_121 = tpu.memref_squeeze %dma_wait3A_120 : memref<1x128x128xf32, #tpu.memory_space<vmem>> -> memref<128x128xf32, #tpu.memory_space<vmem>>
      %dma_wait3A_122 = arith.constant 0 : i32
      %dma_wait3A_123 = tpu.memref_slice %arg9[%mul3A_103, %dma_wait3A_122] : memref<16x128xi32, #tpu.memory_space<vmem>> -> memref<1x128xi32, #tpu.memory_space<vmem>>
      %dma_wait3A_124 = tpu.memref_squeeze %dma_wait3A_123 : memref<1x128xi32, #tpu.memory_space<vmem>> -> memref<128xi32, #tpu.memory_space<vmem>>
      %dma_wait3A_125 = arith.constant 0 : i32
      %dma_wait3A_126 = arith.constant 0 : i32
      %dma_wait3A_127 = tpu.memref_slice %arg4[%dma_wait3A_125, %dma_wait3A_126] : memref<10000x128xf32, #tpu.memory_space<hbm>> -> memref<10000x128xf32, #tpu.memory_space<hbm>>
      tpu.wait_indirect_dma semaphore(%arg14 : memref<!tpu.dma_semaphore, #tpu.memory_space<semaphore_mem>>) src(%dma_wait3A_127 : memref<10000x128xf32, #tpu.memory_space<hbm>>) dst(%dma_wait3A_121 : memref<128x128xf32, #tpu.memory_space<vmem>>)
      %dma_start3A_128 = arith.constant 0 : i32
      %dma_start3A_129 = arith.constant 0 : i32
      %dma_start3A_130 = arith.constant 0 : i32
      %dma_start3A_131 = tpu.memref_slice %arg11[%dma_start3A_128, %dma_start3A_129, %dma_start3A_130] : memref<2x128x128xf32, #tpu.memory_space<vmem>> -> memref<1x128x128xf32, #tpu.memory_space<vmem>>
      %dma_start3A_132 = tpu.memref_squeeze %dma_start3A_131 : memref<1x128x128xf32, #tpu.memory_space<vmem>> -> memref<128x128xf32, #tpu.memory_space<vmem>>
      %dma_start3A_133 = arith.constant 0 : i32
      %dma_start3A_134 = tpu.memref_slice %arg10[%mul3A_103, %dma_start3A_133] : memref<16x128xi32, #tpu.memory_space<vmem>> -> memref<1x128xi32, #tpu.memory_space<vmem>>
      %dma_start3A_135 = tpu.memref_squeeze %dma_start3A_134 : memref<1x128xi32, #tpu.memory_space<vmem>> -> memref<128xi32, #tpu.memory_space<vmem>>
      %dma_start3A_136 = arith.constant 0 : i32
      %dma_start3A_137 = arith.constant 0 : i32
      %dma_start3A_138 = tpu.memref_slice %arg13[%dma_start3A_136, %dma_start3A_137] : memref<10112x128xf32, #tpu.memory_space<vmem_shared>> -> memref<10112x128xf32, #tpu.memory_space<vmem_shared>>
      tpu.enqueue_indirect_dma source(%dma_start3A_132 : memref<128x128xf32, #tpu.memory_space<vmem>>) target(%dma_start3A_138 : memref<10112x128xf32, #tpu.memory_space<vmem_shared>>) offsets(%dma_start3A_135 : memref<128xi32, #tpu.memory_space<vmem>>) semaphore(%arg16 : memref<!tpu.dma_semaphore, #tpu.memory_space<semaphore_mem>>) {add = true}
      %get3A = arith.index_cast %mul3A_103 : i32 to index
      %get3A_139 = arith.constant 0 : index
      %get3A_140 = tpu.vector_load %arg10[%get3A, %get3A_139] {strides = array<i32>} : memref<16x128xi32, #tpu.memory_space<vmem>>, vector<16xi32>,
      %broadcast_in_dim3A = arith.constant 1.000000e+00 : f32
      %broadcast_in_dim3A_141 = vector.broadcast %broadcast_in_dim3A : f32 to vector<16xf32>
      tpu.vector_store_idx %arg12[%get3A_140], %broadcast_in_dim3A_141 {add = true} : memref<10240xf32, #tpu.memory_space<vmem>>[vector<16xi32>], vector<16xf32>,
      %get3A_142 = arith.index_cast %mul3A_103 : i32 to index
      %get3A_143 = arith.constant 16 : index
      %get3A_144 = tpu.vector_load %arg10[%get3A_142, %get3A_143] {strides = array<i32>} : memref<16x128xi32, #tpu.memory_space<vmem>>, vector<16xi32>,
      %broadcast_in_dim3A_145 = arith.constant 1.000000e+00 : f32
      %broadcast_in_dim3A_146 = vector.broadcast %broadcast_in_dim3A_145 : f32 to vector<16xf32>
      tpu.vector_store_idx %arg12[%get3A_144], %broadcast_in_dim3A_146 {add = true} : memref<10240xf32, #tpu.memory_space<vmem>>[vector<16xi32>], vector<16xf32>,
      %get3A_147 = arith.index_cast %mul3A_103 : i32 to index
      %get3A_148 = arith.constant 32 : index
      %get3A_149 = tpu.vector_load %arg10[%get3A_147, %get3A_148] {strides = array<i32>} : memref<16x128xi32, #tpu.memory_space<vmem>>, vector<16xi32>,
      %broadcast_in_dim3A_150 = arith.constant 1.000000e+00 : f32
      %broadcast_in_dim3A_151 = vector.broadcast %broadcast_in_dim3A_150 : f32 to vector<16xf32>
      tpu.vector_store_idx %arg12[%get3A_149], %broadcast_in_dim3A_151 {add = true} : memref<10240xf32, #tpu.memory_space<vmem>>[vector<16xi32>], vector<16xf32>,
      %get3A_152 = arith.index_cast %mul3A_103 : i32 to index
      %get3A_153 = arith.constant 48 : index
      %get3A_154 = tpu.vector_load %arg10[%get3A_152, %get3A_153] {strides = array<i32>} : memref<16x128xi32, #tpu.memory_space<vmem>>, vector<16xi32>,
      %broadcast_in_dim3A_155 = arith.constant 1.000000e+00 : f32
      %broadcast_in_dim3A_156 = vector.broadcast %broadcast_in_dim3A_155 : f32 to vector<16xf32>
      tpu.vector_store_idx %arg12[%get3A_154], %broadcast_in_dim3A_156 {add = true} : memref<10240xf32, #tpu.memory_space<vmem>>[vector<16xi32>], vector<16xf32>,
      %get3A_157 = arith.index_cast %mul3A_103 : i32 to index
      %get3A_158 = arith.constant 64 : index
      %get3A_159 = tpu.vector_load %arg10[%get3A_157, %get3A_158] {strides = array<i32>} : memref<16x128xi32, #tpu.memory_space<vmem>>, vector<16xi32>,
      %broadcast_in_dim3A_160 = arith.constant 1.000000e+00 : f32
      %broadcast_in_dim3A_161 = vector.broadcast %broadcast_in_dim3A_160 : f32 to vector<16xf32>
      tpu.vector_store_idx %arg12[%get3A_159], %broadcast_in_dim3A_161 {add = true} : memref<10240xf32, #tpu.memory_space<vmem>>[vector<16xi32>], vector<16xf32>,
      %get3A_162 = arith.index_cast %mul3A_103 : i32 to index
      %get3A_163 = arith.constant 80 : index
      %get3A_164 = tpu.vector_load %arg10[%get3A_162, %get3A_163] {strides = array<i32>} : memref<16x128xi32, #tpu.memory_space<vmem>>, vector<16xi32>,
      %broadcast_in_dim3A_165 = arith.constant 1.000000e+00 : f32
      %broadcast_in_dim3A_166 = vector.broadcast %broadcast_in_dim3A_165 : f32 to vector<16xf32>
      tpu.vector_store_idx %arg12[%get3A_164], %broadcast_in_dim3A_166 {add = true} : memref<10240xf32, #tpu.memory_space<vmem>>[vector<16xi32>], vector<16xf32>,
      %get3A_167 = arith.index_cast %mul3A_103 : i32 to index
      %get3A_168 = arith.constant 96 : index
      %get3A_169 = tpu.vector_load %arg10[%get3A_167, %get3A_168] {strides = array<i32>} : memref<16x128xi32, #tpu.memory_space<vmem>>, vector<16xi32>,
      %broadcast_in_dim3A_170 = arith.constant 1.000000e+00 : f32
      %broadcast_in_dim3A_171 = vector.broadcast %broadcast_in_dim3A_170 : f32 to vector<16xf32>
      tpu.vector_store_idx %arg12[%get3A_169], %broadcast_in_dim3A_171 {add = true} : memref<10240xf32, #tpu.memory_space<vmem>>[vector<16xi32>], vector<16xf32>,
      %get3A_172 = arith.index_cast %mul3A_103 : i32 to index
      %get3A_173 = arith.constant 112 : index
      %get3A_174 = tpu.vector_load %arg10[%get3A_172, %get3A_173] {strides = array<i32>} : memref<16x128xi32, #tpu.memory_space<vmem>>, vector<16xi32>,
      %broadcast_in_dim3A_175 = arith.constant 1.000000e+00 : f32
      %broadcast_in_dim3A_176 = vector.broadcast %broadcast_in_dim3A_175 : f32 to vector<16xf32>
      tpu.vector_store_idx %arg12[%get3A_174], %broadcast_in_dim3A_176 {add = true} : memref<10240xf32, #tpu.memory_space<vmem>>[vector<16xi32>], vector<16xf32>,
      %dma_wait3A_177 = arith.constant 0 : i32
      %dma_wait3A_178 = arith.constant 0 : i32
      %dma_wait3A_179 = arith.constant 0 : i32
      %dma_wait3A_180 = tpu.memref_slice %arg11[%dma_wait3A_177, %dma_wait3A_178, %dma_wait3A_179] : memref<2x128x128xf32, #tpu.memory_space<vmem>> -> memref<1x128x128xf32, #tpu.memory_space<vmem>>
      %dma_wait3A_181 = tpu.memref_squeeze %dma_wait3A_180 : memref<1x128x128xf32, #tpu.memory_space<vmem>> -> memref<128x128xf32, #tpu.memory_space<vmem>>
      %dma_wait3A_182 = arith.constant 0 : i32
      %dma_wait3A_183 = tpu.memref_slice %arg10[%mul3A_103, %dma_wait3A_182] : memref<16x128xi32, #tpu.memory_space<vmem>> -> memref<1x128xi32, #tpu.memory_space<vmem>>
      %dma_wait3A_184 = tpu.memref_squeeze %dma_wait3A_183 : memref<1x128xi32, #tpu.memory_space<vmem>> -> memref<128xi32, #tpu.memory_space<vmem>>
      %dma_wait3A_185 = arith.constant 0 : i32
      %dma_wait3A_186 = arith.constant 0 : i32
      %dma_wait3A_187 = tpu.memref_slice %arg13[%dma_wait3A_185, %dma_wait3A_186] : memref<10112x128xf32, #tpu.memory_space<vmem_shared>> -> memref<10112x128xf32, #tpu.memory_space<vmem_shared>>
      tpu.wait_indirect_dma semaphore(%arg16 : memref<!tpu.dma_semaphore, #tpu.memory_space<semaphore_mem>>) src(%dma_wait3A_181 : memref<128x128xf32, #tpu.memory_space<vmem>>) dst(%dma_wait3A_187 : memref<10112x128xf32, #tpu.memory_space<vmem_shared>>)
      %add3A_188 = arith.constant 2 : i32
      %add3A_189 = arith.addi %mul3A_103, %add3A_188 : i32
      %lt3A_190 = arith.constant 16 : i32
      %lt3A_191 = arith.cmpi slt, %add3A_189, %lt3A_190 : i32
      %convert_element_type3A_192 = arith.extui %lt3A_191 : i1 to i32
      %cond3A_193 = arith.constant 0 : i32
      %cond3A_194 = arith.cmpi ne, %convert_element_type3A_192, %cond3A_193 : i32
      scf.if %cond3A_194 {
        %add3A_272 = arith.constant 2 : i32
        %add3A_273 = arith.addi %mul3A_103, %add3A_272 : i32
        %dma_start3A_274 = arith.constant 0 : i32
        %dma_start3A_275 = arith.constant 0 : i32
        %dma_start3A_276 = arith.constant 0 : i32
        %dma_start3A_277 = tpu.memref_slice %arg11[%dma_start3A_274, %dma_start3A_275, %dma_start3A_276] : memref<2x128x128xf32, #tpu.memory_space<vmem>> -> memref<1x128x128xf32, #tpu.memory_space<vmem>>
        %dma_start3A_278 = tpu.memref_squeeze %dma_start3A_277 : memref<1x128x128xf32, #tpu.memory_space<vmem>> -> memref<128x128xf32, #tpu.memory_space<vmem>>
        %dma_start3A_279 = arith.constant 0 : i32
        %dma_start3A_280 = tpu.memref_slice %arg9[%add3A_273, %dma_start3A_279] : memref<16x128xi32, #tpu.memory_space<vmem>> -> memref<1x128xi32, #tpu.memory_space<vmem>>
        %dma_start3A_281 = tpu.memref_squeeze %dma_start3A_280 : memref<1x128xi32, #tpu.memory_space<vmem>> -> memref<128xi32, #tpu.memory_space<vmem>>
        %dma_start3A_282 = arith.constant 0 : i32
        %dma_start3A_283 = arith.constant 0 : i32
        %dma_start3A_284 = tpu.memref_slice %arg4[%dma_start3A_282, %dma_start3A_283] : memref<10000x128xf32, #tpu.memory_space<hbm>> -> memref<10000x128xf32, #tpu.memory_space<hbm>>
        tpu.enqueue_indirect_dma source(%dma_start3A_284 : memref<10000x128xf32, #tpu.memory_space<hbm>>) target(%dma_start3A_278 : memref<128x128xf32, #tpu.memory_space<vmem>>) offsets(%dma_start3A_281 : memref<128xi32, #tpu.memory_space<vmem>>) semaphore(%arg14 : memref<!tpu.dma_semaphore, #tpu.memory_space<semaphore_mem>>)
      } else {
      }
      %add3A_195 = arith.constant 1 : i32
      %add3A_196 = arith.addi %mul3A_103, %add3A_195 : i32
      %dma_wait3A_197 = arith.constant 1 : i32
      %dma_wait3A_198 = arith.constant 0 : i32
      %dma_wait3A_199 = arith.constant 0 : i32
      %dma_wait3A_200 = tpu.memref_slice %arg11[%dma_wait3A_197, %dma_wait3A_198, %dma_wait3A_199] : memref<2x128x128xf32, #tpu.memory_space<vmem>> -> memref<1x128x128xf32, #tpu.memory_space<vmem>>
      %dma_wait3A_201 = tpu.memref_squeeze %dma_wait3A_200 : memref<1x128x128xf32, #tpu.memory_space<vmem>> -> memref<128x128xf32, #tpu.memory_space<vmem>>
      %dma_wait3A_202 = arith.constant 0 : i32
      %dma_wait3A_203 = tpu.memref_slice %arg9[%add3A_196, %dma_wait3A_202] : memref<16x128xi32, #tpu.memory_space<vmem>> -> memref<1x128xi32, #tpu.memory_space<vmem>>
      %dma_wait3A_204 = tpu.memref_squeeze %dma_wait3A_203 : memref<1x128xi32, #tpu.memory_space<vmem>> -> memref<128xi32, #tpu.memory_space<vmem>>
      %dma_wait3A_205 = arith.constant 0 : i32
      %dma_wait3A_206 = arith.constant 0 : i32
      %dma_wait3A_207 = tpu.memref_slice %arg4[%dma_wait3A_205, %dma_wait3A_206] : memref<10000x128xf32, #tpu.memory_space<hbm>> -> memref<10000x128xf32, #tpu.memory_space<hbm>>
      tpu.wait_indirect_dma semaphore(%arg15 : memref<!tpu.dma_semaphore, #tpu.memory_space<semaphore_mem>>) src(%dma_wait3A_207 : memref<10000x128xf32, #tpu.memory_space<hbm>>) dst(%dma_wait3A_201 : memref<128x128xf32, #tpu.memory_space<vmem>>)
      %add3A_208 = arith.constant 1 : i32
      %add3A_209 = arith.addi %mul3A_103, %add3A_208 : i32
      %dma_start3A_210 = arith.constant 1 : i32
      %dma_start3A_211 = arith.constant 0 : i32
      %dma_start3A_212 = arith.constant 0 : i32
      %dma_start3A_213 = tpu.memref_slice %arg11[%dma_start3A_210, %dma_start3A_211, %dma_start3A_212] : memref<2x128x128xf32, #tpu.memory_space<vmem>> -> memref<1x128x128xf32, #tpu.memory_space<vmem>>
      %dma_start3A_214 = tpu.memref_squeeze %dma_start3A_213 : memref<1x128x128xf32, #tpu.memory_space<vmem>> -> memref<128x128xf32, #tpu.memory_space<vmem>>
      %dma_start3A_215 = arith.constant 0 : i32
      %dma_start3A_216 = tpu.memref_slice %arg10[%add3A_209, %dma_start3A_215] : memref<16x128xi32, #tpu.memory_space<vmem>> -> memref<1x128xi32, #tpu.memory_space<vmem>>
      %dma_start3A_217 = tpu.memref_squeeze %dma_start3A_216 : memref<1x128xi32, #tpu.memory_space<vmem>> -> memref<128xi32, #tpu.memory_space<vmem>>
      %dma_start3A_218 = arith.constant 0 : i32
      %dma_start3A_219 = arith.constant 0 : i32
      %dma_start3A_220 = tpu.memref_slice %arg13[%dma_start3A_218, %dma_start3A_219] : memref<10112x128xf32, #tpu.memory_space<vmem_shared>> -> memref<10112x128xf32, #tpu.memory_space<vmem_shared>>
      tpu.enqueue_indirect_dma source(%dma_start3A_214 : memref<128x128xf32, #tpu.memory_space<vmem>>) target(%dma_start3A_220 : memref<10112x128xf32, #tpu.memory_space<vmem_shared>>) offsets(%dma_start3A_217 : memref<128xi32, #tpu.memory_space<vmem>>) semaphore(%arg16 : memref<!tpu.dma_semaphore, #tpu.memory_space<semaphore_mem>>) {add = true}
      %get3A_221 = arith.index_cast %add3A_209 : i32 to index
      %get3A_222 = arith.constant 0 : index
      %get3A_223 = tpu.vector_load %arg10[%get3A_221, %get3A_222] {strides = array<i32>} : memref<16x128xi32, #tpu.memory_space<vmem>>, vector<16xi32>,
      %broadcast_in_dim3A_224 = arith.constant 1.000000e+00 : f32
      %broadcast_in_dim3A_225 = vector.broadcast %broadcast_in_dim3A_224 : f32 to vector<16xf32>
      tpu.vector_store_idx %arg12[%get3A_223], %broadcast_in_dim3A_225 {add = true} : memref<10240xf32, #tpu.memory_space<vmem>>[vector<16xi32>], vector<16xf32>,
      %get3A_226 = arith.index_cast %add3A_209 : i32 to index
      %get3A_227 = arith.constant 16 : index
      %get3A_228 = tpu.vector_load %arg10[%get3A_226, %get3A_227] {strides = array<i32>} : memref<16x128xi32, #tpu.memory_space<vmem>>, vector<16xi32>,
      %broadcast_in_dim3A_229 = arith.constant 1.000000e+00 : f32
      %broadcast_in_dim3A_230 = vector.broadcast %broadcast_in_dim3A_229 : f32 to vector<16xf32>
      tpu.vector_store_idx %arg12[%get3A_228], %broadcast_in_dim3A_230 {add = true} : memref<10240xf32, #tpu.memory_space<vmem>>[vector<16xi32>], vector<16xf32>,
      %get3A_231 = arith.index_cast %add3A_209 : i32 to index
      %get3A_232 = arith.constant 32 : index
      %get3A_233 = tpu.vector_load %arg10[%get3A_231, %get3A_232] {strides = array<i32>} : memref<16x128xi32, #tpu.memory_space<vmem>>, vector<16xi32>,
      %broadcast_in_dim3A_234 = arith.constant 1.000000e+00 : f32
      %broadcast_in_dim3A_235 = vector.broadcast %broadcast_in_dim3A_234 : f32 to vector<16xf32>
      tpu.vector_store_idx %arg12[%get3A_233], %broadcast_in_dim3A_235 {add = true} : memref<10240xf32, #tpu.memory_space<vmem>>[vector<16xi32>], vector<16xf32>,
      %get3A_236 = arith.index_cast %add3A_209 : i32 to index
      %get3A_237 = arith.constant 48 : index
      %get3A_238 = tpu.vector_load %arg10[%get3A_236, %get3A_237] {strides = array<i32>} : memref<16x128xi32, #tpu.memory_space<vmem>>, vector<16xi32>,
      %broadcast_in_dim3A_239 = arith.constant 1.000000e+00 : f32
      %broadcast_in_dim3A_240 = vector.broadcast %broadcast_in_dim3A_239 : f32 to vector<16xf32>
      tpu.vector_store_idx %arg12[%get3A_238], %broadcast_in_dim3A_240 {add = true} : memref<10240xf32, #tpu.memory_space<vmem>>[vector<16xi32>], vector<16xf32>,
      %get3A_241 = arith.index_cast %add3A_209 : i32 to index
      %get3A_242 = arith.constant 64 : index
      %get3A_243 = tpu.vector_load %arg10[%get3A_241, %get3A_242] {strides = array<i32>} : memref<16x128xi32, #tpu.memory_space<vmem>>, vector<16xi32>,
      %broadcast_in_dim3A_244 = arith.constant 1.000000e+00 : f32
      %broadcast_in_dim3A_245 = vector.broadcast %broadcast_in_dim3A_244 : f32 to vector<16xf32>
      tpu.vector_store_idx %arg12[%get3A_243], %broadcast_in_dim3A_245 {add = true} : memref<10240xf32, #tpu.memory_space<vmem>>[vector<16xi32>], vector<16xf32>,
      %get3A_246 = arith.index_cast %add3A_209 : i32 to index
      %get3A_247 = arith.constant 80 : index
      %get3A_248 = tpu.vector_load %arg10[%get3A_246, %get3A_247] {strides = array<i32>} : memref<16x128xi32, #tpu.memory_space<vmem>>, vector<16xi32>,
      %broadcast_in_dim3A_249 = arith.constant 1.000000e+00 : f32
      %broadcast_in_dim3A_250 = vector.broadcast %broadcast_in_dim3A_249 : f32 to vector<16xf32>
      tpu.vector_store_idx %arg12[%get3A_248], %broadcast_in_dim3A_250 {add = true} : memref<10240xf32, #tpu.memory_space<vmem>>[vector<16xi32>], vector<16xf32>,
      %get3A_251 = arith.index_cast %add3A_209 : i32 to index
      %get3A_252 = arith.constant 96 : index
      %get3A_253 = tpu.vector_load %arg10[%get3A_251, %get3A_252] {strides = array<i32>} : memref<16x128xi32, #tpu.memory_space<vmem>>, vector<16xi32>,
      %broadcast_in_dim3A_254 = arith.constant 1.000000e+00 : f32
      %broadcast_in_dim3A_255 = vector.broadcast %broadcast_in_dim3A_254 : f32 to vector<16xf32>
      tpu.vector_store_idx %arg12[%get3A_253], %broadcast_in_dim3A_255 {add = true} : memref<10240xf32, #tpu.memory_space<vmem>>[vector<16xi32>], vector<16xf32>,
      %get3A_256 = arith.index_cast %add3A_209 : i32 to index
      %get3A_257 = arith.constant 112 : index
      %get3A_258 = tpu.vector_load %arg10[%get3A_256, %get3A_257] {strides = array<i32>} : memref<16x128xi32, #tpu.memory_space<vmem>>, vector<16xi32>,
      %broadcast_in_dim3A_259 = arith.constant 1.000000e+00 : f32
      %broadcast_in_dim3A_260 = vector.broadcast %broadcast_in_dim3A_259 : f32 to vector<16xf32>
      tpu.vector_store_idx %arg12[%get3A_258], %broadcast_in_dim3A_260 {add = true} : memref<10240xf32, #tpu.memory_space<vmem>>[vector<16xi32>], vector<16xf32>,
      %dma_wait3A_261 = arith.constant 1 : i32
      %dma_wait3A_262 = arith.constant 0 : i32
      %dma_wait3A_263 = arith.constant 0 : i32
      %dma_wait3A_264 = tpu.memref_slice %arg11[%dma_wait3A_261, %dma_wait3A_262, %dma_wait3A_263] : memref<2x128x128xf32, #tpu.memory_space<vmem>> -> memref<1x128x128xf32, #tpu.memory_space<vmem>>
      %dma_wait3A_265 = tpu.memref_squeeze %dma_wait3A_264 : memref<1x128x128xf32, #tpu.memory_space<vmem>> -> memref<128x128xf32, #tpu.memory_space<vmem>>
      %dma_wait3A_266 = arith.constant 0 : i32
      %dma_wait3A_267 = tpu.memref_slice %arg10[%add3A_209, %dma_wait3A_266] : memref<16x128xi32, #tpu.memory_space<vmem>> -> memref<1x128xi32, #tpu.memory_space<vmem>>
      %dma_wait3A_268 = tpu.memref_squeeze %dma_wait3A_267 : memref<1x128xi32, #tpu.memory_space<vmem>> -> memref<128xi32, #tpu.memory_space<vmem>>
      %dma_wait3A_269 = arith.constant 0 : i32
      %dma_wait3A_270 = arith.constant 0 : i32
      %dma_wait3A_271 = tpu.memref_slice %arg13[%dma_wait3A_269, %dma_wait3A_270] : memref<10112x128xf32, #tpu.memory_space<vmem_shared>> -> memref<10112x128xf32, #tpu.memory_space<vmem_shared>>
      tpu.wait_indirect_dma semaphore(%arg16 : memref<!tpu.dma_semaphore, #tpu.memory_space<semaphore_mem>>) src(%dma_wait3A_265 : memref<128x128xf32, #tpu.memory_space<vmem>>) dst(%dma_wait3A_271 : memref<10112x128xf32, #tpu.memory_space<vmem_shared>>)
    }
    %scan3A_39 = arith.constant 8 : i32
    "tpu.region"() ({
      %run_scoped3A_101 = tpu.sem_alloc : memref<!tpu.dma_semaphore, #tpu.memory_space<semaphore_mem>>
      %dma_start3A_102 = arith.constant 32 : i32
      %dma_start3A_103 = arith.constant 0 : i32
      %dma_start3A_104 = tpu.memref_slice %arg2[%add3A, %dma_start3A_102, %dma_start3A_103] : memref<32x80x128xi32, #tpu.memory_space<hbm>> -> memref<1x16x128xi32, #tpu.memory_space<hbm>>
      %dma_start3A_105 = tpu.memref_squeeze %dma_start3A_104 : memref<1x16x128xi32, #tpu.memory_space<hbm>> -> memref<16x128xi32, #tpu.memory_space<hbm>>
      %dma_start3A_106 = arith.constant 32 : i32
      %dma_start3A_107 = arith.constant 0 : i32
      %dma_start3A_108 = tpu.memref_slice %arg2[%add3A, %dma_start3A_106, %dma_start3A_107] : memref<32x80x128xi32, #tpu.memory_space<hbm>> -> memref<1x16x128xi32, #tpu.memory_space<hbm>>
      %dma_start3A_109 = tpu.memref_squeeze %dma_start3A_108 : memref<1x16x128xi32, #tpu.memory_space<hbm>> -> memref<16x128xi32, #tpu.memory_space<hbm>>
      tpu.enqueue_dma source(%dma_start3A_109 : memref<16x128xi32, #tpu.memory_space<hbm>>) target(%arg9 : memref<16x128xi32, #tpu.memory_space<vmem>>) target_semaphore(%run_scoped3A_101 : memref<!tpu.dma_semaphore, #tpu.memory_space<semaphore_mem>>)
      %dma_wait3A_110 = arith.constant 32 : i32
      %dma_wait3A_111 = arith.constant 0 : i32
      %dma_wait3A_112 = tpu.memref_slice %arg2[%add3A, %dma_wait3A_110, %dma_wait3A_111] : memref<32x80x128xi32, #tpu.memory_space<hbm>> -> memref<1x16x128xi32, #tpu.memory_space<hbm>>
      %dma_wait3A_113 = tpu.memref_squeeze %dma_wait3A_112 : memref<1x16x128xi32, #tpu.memory_space<hbm>> -> memref<16x128xi32, #tpu.memory_space<hbm>>
      %dma_wait3A_114 = arith.constant 32 : i32
      %dma_wait3A_115 = arith.constant 0 : i32
      %dma_wait3A_116 = tpu.memref_slice %arg2[%add3A, %dma_wait3A_114, %dma_wait3A_115] : memref<32x80x128xi32, #tpu.memory_space<hbm>> -> memref<1x16x128xi32, #tpu.memory_space<hbm>>
      %dma_wait3A_117 = tpu.memref_squeeze %dma_wait3A_116 : memref<1x16x128xi32, #tpu.memory_space<hbm>> -> memref<16x128xi32, #tpu.memory_space<hbm>>
      tpu.wait_dma2 semaphore(%run_scoped3A_101 : memref<!tpu.dma_semaphore, #tpu.memory_space<semaphore_mem>>) src(%dma_wait3A_117 : memref<16x128xi32, #tpu.memory_space<hbm>>) dst(%arg9 : memref<16x128xi32, #tpu.memory_space<vmem>>)
      tpu.yield
    }) : () -> ()
    "tpu.region"() ({
      %run_scoped3A_101 = tpu.sem_alloc : memref<!tpu.dma_semaphore, #tpu.memory_space<semaphore_mem>>
      %dma_start3A_102 = arith.constant 32 : i32
      %dma_start3A_103 = arith.constant 0 : i32
      %dma_start3A_104 = tpu.memref_slice %arg3[%add3A, %dma_start3A_102, %dma_start3A_103] : memref<32x80x128xi32, #tpu.memory_space<hbm>> -> memref<1x16x128xi32, #tpu.memory_space<hbm>>
      %dma_start3A_105 = tpu.memref_squeeze %dma_start3A_104 : memref<1x16x128xi32, #tpu.memory_space<hbm>> -> memref<16x128xi32, #tpu.memory_space<hbm>>
      %dma_start3A_106 = arith.constant 32 : i32
      %dma_start3A_107 = arith.constant 0 : i32
      %dma_start3A_108 = tpu.memref_slice %arg3[%add3A, %dma_start3A_106, %dma_start3A_107] : memref<32x80x128xi32, #tpu.memory_space<hbm>> -> memref<1x16x128xi32, #tpu.memory_space<hbm>>
      %dma_start3A_109 = tpu.memref_squeeze %dma_start3A_108 : memref<1x16x128xi32, #tpu.memory_space<hbm>> -> memref<16x128xi32, #tpu.memory_space<hbm>>
      tpu.enqueue_dma source(%dma_start3A_109 : memref<16x128xi32, #tpu.memory_space<hbm>>) target(%arg10 : memref<16x128xi32, #tpu.memory_space<vmem>>) target_semaphore(%run_scoped3A_101 : memref<!tpu.dma_semaphore, #tpu.memory_space<semaphore_mem>>)
      %dma_wait3A_110 = arith.constant 32 : i32
      %dma_wait3A_111 = arith.constant 0 : i32
      %dma_wait3A_112 = tpu.memref_slice %arg3[%add3A, %dma_wait3A_110, %dma_wait3A_111] : memref<32x80x128xi32, #tpu.memory_space<hbm>> -> memref<1x16x128xi32, #tpu.memory_space<hbm>>
      %dma_wait3A_113 = tpu.memref_squeeze %dma_wait3A_112 : memref<1x16x128xi32, #tpu.memory_space<hbm>> -> memref<16x128xi32, #tpu.memory_space<hbm>>
      %dma_wait3A_114 = arith.constant 32 : i32
      %dma_wait3A_115 = arith.constant 0 : i32
      %dma_wait3A_116 = tpu.memref_slice %arg3[%add3A, %dma_wait3A_114, %dma_wait3A_115] : memref<32x80x128xi32, #tpu.memory_space<hbm>> -> memref<1x16x128xi32, #tpu.memory_space<hbm>>
      %dma_wait3A_117 = tpu.memref_squeeze %dma_wait3A_116 : memref<1x16x128xi32, #tpu.memory_space<hbm>> -> memref<16x128xi32, #tpu.memory_space<hbm>>
      tpu.wait_dma2 semaphore(%run_scoped3A_101 : memref<!tpu.dma_semaphore, #tpu.memory_space<semaphore_mem>>) src(%dma_wait3A_117 : memref<16x128xi32, #tpu.memory_space<hbm>>) dst(%arg10 : memref<16x128xi32, #tpu.memory_space<vmem>>)
      tpu.yield
    }) : () -> ()
    %dma_start3A_40 = arith.constant 0 : i32
    %dma_start3A_41 = arith.constant 0 : i32
    %dma_start3A_42 = arith.constant 0 : i32
    %dma_start3A_43 = arith.constant 0 : i32
    %dma_start3A_44 = tpu.memref_slice %arg11[%dma_start3A_41, %dma_start3A_42, %dma_start3A_43] : memref<2x128x128xf32, #tpu.memory_space<vmem>> -> memref<1x128x128xf32, #tpu.memory_space<vmem>>
    %dma_start3A_45 = tpu.memref_squeeze %dma_start3A_44 : memref<1x128x128xf32, #tpu.memory_space<vmem>> -> memref<128x128xf32, #tpu.memory_space<vmem>>
    %dma_start3A_46 = arith.constant 0 : i32
    %dma_start3A_47 = tpu.memref_slice %arg9[%dma_start3A_40, %dma_start3A_46] : memref<16x128xi32, #tpu.memory_space<vmem>> -> memref<1x128xi32, #tpu.memory_space<vmem>>
    %dma_start3A_48 = tpu.memref_squeeze %dma_start3A_47 : memref<1x128xi32, #tpu.memory_space<vmem>> -> memref<128xi32, #tpu.memory_space<vmem>>
    %dma_start3A_49 = arith.constant 0 : i32
    %dma_start3A_50 = arith.constant 0 : i32
    %dma_start3A_51 = tpu.memref_slice %arg4[%dma_start3A_49, %dma_start3A_50] : memref<10000x128xf32, #tpu.memory_space<hbm>> -> memref<10000x128xf32, #tpu.memory_space<hbm>>
    tpu.enqueue_indirect_dma source(%dma_start3A_51 : memref<10000x128xf32, #tpu.memory_space<hbm>>) target(%dma_start3A_45 : memref<128x128xf32, #tpu.memory_space<vmem>>) offsets(%dma_start3A_48 : memref<128xi32, #tpu.memory_space<vmem>>) semaphore(%arg14 : memref<!tpu.dma_semaphore, #tpu.memory_space<semaphore_mem>>)
    %scan3A_52 = arith.constant 0 : i32
    %scan3A_53 = arith.constant 0 : i32
    %scan3A_54 = arith.constant 8 : i32
    %scan3A_55 = arith.addi %scan3A_53, %scan3A_54 : i32
    %scan3A_56 = arith.constant 1 : i32
    scf.for %scan3A_101 = %scan3A_53 to %scan3A_55 step %scan3A_56  : i32 {
      %mul3A_102 = arith.constant 2 : i32
      %mul3A_103 = arith.muli %mul3A_102, %scan3A_101 : i32
      %add3A_104 = arith.constant 1 : i32
      %add3A_105 = arith.addi %mul3A_103, %add3A_104 : i32
      %dma_start3A_106 = arith.constant 1 : i32
      %dma_start3A_107 = arith.constant 0 : i32
      %dma_start3A_108 = arith.constant 0 : i32
      %dma_start3A_109 = tpu.memref_slice %arg11[%dma_start3A_106, %dma_start3A_107, %dma_start3A_108] : memref<2x128x128xf32, #tpu.memory_space<vmem>> -> memref<1x128x128xf32, #tpu.memory_space<vmem>>
      %dma_start3A_110 = tpu.memref_squeeze %dma_start3A_109 : memref<1x128x128xf32, #tpu.memory_space<vmem>> -> memref<128x128xf32, #tpu.memory_space<vmem>>
      %dma_start3A_111 = arith.constant 0 : i32
      %dma_start3A_112 = tpu.memref_slice %arg9[%add3A_105, %dma_start3A_111] : memref<16x128xi32, #tpu.memory_space<vmem>> -> memref<1x128xi32, #tpu.memory_space<vmem>>
      %dma_start3A_113 = tpu.memref_squeeze %dma_start3A_112 : memref<1x128xi32, #tpu.memory_space<vmem>> -> memref<128xi32, #tpu.memory_space<vmem>>
      %dma_start3A_114 = arith.constant 0 : i32
      %dma_start3A_115 = arith.constant 0 : i32
      %dma_start3A_116 = tpu.memref_slice %arg4[%dma_start3A_114, %dma_start3A_115] : memref<10000x128xf32, #tpu.memory_space<hbm>> -> memref<10000x128xf32, #tpu.memory_space<hbm>>
      tpu.enqueue_indirect_dma source(%dma_start3A_116 : memref<10000x128xf32, #tpu.memory_space<hbm>>) target(%dma_start3A_110 : memref<128x128xf32, #tpu.memory_space<vmem>>) offsets(%dma_start3A_113 : memref<128xi32, #tpu.memory_space<vmem>>) semaphore(%arg15 : memref<!tpu.dma_semaphore, #tpu.memory_space<semaphore_mem>>)
      %dma_wait3A_117 = arith.constant 0 : i32
      %dma_wait3A_118 = arith.constant 0 : i32
      %dma_wait3A_119 = arith.constant 0 : i32
      %dma_wait3A_120 = tpu.memref_slice %arg11[%dma_wait3A_117, %dma_wait3A_118, %dma_wait3A_119] : memref<2x128x128xf32, #tpu.memory_space<vmem>> -> memref<1x128x128xf32, #tpu.memory_space<vmem>>
      %dma_wait3A_121 = tpu.memref_squeeze %dma_wait3A_120 : memref<1x128x128xf32, #tpu.memory_space<vmem>> -> memref<128x128xf32, #tpu.memory_space<vmem>>
      %dma_wait3A_122 = arith.constant 0 : i32
      %dma_wait3A_123 = tpu.memref_slice %arg9[%mul3A_103, %dma_wait3A_122] : memref<16x128xi32, #tpu.memory_space<vmem>> -> memref<1x128xi32, #tpu.memory_space<vmem>>
      %dma_wait3A_124 = tpu.memref_squeeze %dma_wait3A_123 : memref<1x128xi32, #tpu.memory_space<vmem>> -> memref<128xi32, #tpu.memory_space<vmem>>
      %dma_wait3A_125 = arith.constant 0 : i32
      %dma_wait3A_126 = arith.constant 0 : i32
      %dma_wait3A_127 = tpu.memref_slice %arg4[%dma_wait3A_125, %dma_wait3A_126] : memref<10000x128xf32, #tpu.memory_space<hbm>> -> memref<10000x128xf32, #tpu.memory_space<hbm>>
      tpu.wait_indirect_dma semaphore(%arg14 : memref<!tpu.dma_semaphore, #tpu.memory_space<semaphore_mem>>) src(%dma_wait3A_127 : memref<10000x128xf32, #tpu.memory_space<hbm>>) dst(%dma_wait3A_121 : memref<128x128xf32, #tpu.memory_space<vmem>>)
      %dma_start3A_128 = arith.constant 0 : i32
      %dma_start3A_129 = arith.constant 0 : i32
      %dma_start3A_130 = arith.constant 0 : i32
      %dma_start3A_131 = tpu.memref_slice %arg11[%dma_start3A_128, %dma_start3A_129, %dma_start3A_130] : memref<2x128x128xf32, #tpu.memory_space<vmem>> -> memref<1x128x128xf32, #tpu.memory_space<vmem>>
      %dma_start3A_132 = tpu.memref_squeeze %dma_start3A_131 : memref<1x128x128xf32, #tpu.memory_space<vmem>> -> memref<128x128xf32, #tpu.memory_space<vmem>>
      %dma_start3A_133 = arith.constant 0 : i32
      %dma_start3A_134 = tpu.memref_slice %arg10[%mul3A_103, %dma_start3A_133] : memref<16x128xi32, #tpu.memory_space<vmem>> -> memref<1x128xi32, #tpu.memory_space<vmem>>
      %dma_start3A_135 = tpu.memref_squeeze %dma_start3A_134 : memref<1x128xi32, #tpu.memory_space<vmem>> -> memref<128xi32, #tpu.memory_space<vmem>>
      %dma_start3A_136 = arith.constant 0 : i32
      %dma_start3A_137 = arith.constant 0 : i32
      %dma_start3A_138 = tpu.memref_slice %arg13[%dma_start3A_136, %dma_start3A_137] : memref<10112x128xf32, #tpu.memory_space<vmem_shared>> -> memref<10112x128xf32, #tpu.memory_space<vmem_shared>>
      tpu.enqueue_indirect_dma source(%dma_start3A_132 : memref<128x128xf32, #tpu.memory_space<vmem>>) target(%dma_start3A_138 : memref<10112x128xf32, #tpu.memory_space<vmem_shared>>) offsets(%dma_start3A_135 : memref<128xi32, #tpu.memory_space<vmem>>) semaphore(%arg16 : memref<!tpu.dma_semaphore, #tpu.memory_space<semaphore_mem>>) {add = true}
      %get3A = arith.index_cast %mul3A_103 : i32 to index
      %get3A_139 = arith.constant 0 : index
      %get3A_140 = tpu.vector_load %arg10[%get3A, %get3A_139] {strides = array<i32>} : memref<16x128xi32, #tpu.memory_space<vmem>>, vector<16xi32>,
      %broadcast_in_dim3A = arith.constant 1.000000e+00 : f32
      %broadcast_in_dim3A_141 = vector.broadcast %broadcast_in_dim3A : f32 to vector<16xf32>
      tpu.vector_store_idx %arg12[%get3A_140], %broadcast_in_dim3A_141 {add = true} : memref<10240xf32, #tpu.memory_space<vmem>>[vector<16xi32>], vector<16xf32>,
      %get3A_142 = arith.index_cast %mul3A_103 : i32 to index
      %get3A_143 = arith.constant 16 : index
      %get3A_144 = tpu.vector_load %arg10[%get3A_142, %get3A_143] {strides = array<i32>} : memref<16x128xi32, #tpu.memory_space<vmem>>, vector<16xi32>,
      %broadcast_in_dim3A_145 = arith.constant 1.000000e+00 : f32
      %broadcast_in_dim3A_146 = vector.broadcast %broadcast_in_dim3A_145 : f32 to vector<16xf32>
      tpu.vector_store_idx %arg12[%get3A_144], %broadcast_in_dim3A_146 {add = true} : memref<10240xf32, #tpu.memory_space<vmem>>[vector<16xi32>], vector<16xf32>,
      %get3A_147 = arith.index_cast %mul3A_103 : i32 to index
      %get3A_148 = arith.constant 32 : index
      %get3A_149 = tpu.vector_load %arg10[%get3A_147, %get3A_148] {strides = array<i32>} : memref<16x128xi32, #tpu.memory_space<vmem>>, vector<16xi32>,
      %broadcast_in_dim3A_150 = arith.constant 1.000000e+00 : f32
      %broadcast_in_dim3A_151 = vector.broadcast %broadcast_in_dim3A_150 : f32 to vector<16xf32>
      tpu.vector_store_idx %arg12[%get3A_149], %broadcast_in_dim3A_151 {add = true} : memref<10240xf32, #tpu.memory_space<vmem>>[vector<16xi32>], vector<16xf32>,
      %get3A_152 = arith.index_cast %mul3A_103 : i32 to index
      %get3A_153 = arith.constant 48 : index
      %get3A_154 = tpu.vector_load %arg10[%get3A_152, %get3A_153] {strides = array<i32>} : memref<16x128xi32, #tpu.memory_space<vmem>>, vector<16xi32>,
      %broadcast_in_dim3A_155 = arith.constant 1.000000e+00 : f32
      %broadcast_in_dim3A_156 = vector.broadcast %broadcast_in_dim3A_155 : f32 to vector<16xf32>
      tpu.vector_store_idx %arg12[%get3A_154], %broadcast_in_dim3A_156 {add = true} : memref<10240xf32, #tpu.memory_space<vmem>>[vector<16xi32>], vector<16xf32>,
      %get3A_157 = arith.index_cast %mul3A_103 : i32 to index
      %get3A_158 = arith.constant 64 : index
      %get3A_159 = tpu.vector_load %arg10[%get3A_157, %get3A_158] {strides = array<i32>} : memref<16x128xi32, #tpu.memory_space<vmem>>, vector<16xi32>,
      %broadcast_in_dim3A_160 = arith.constant 1.000000e+00 : f32
      %broadcast_in_dim3A_161 = vector.broadcast %broadcast_in_dim3A_160 : f32 to vector<16xf32>
      tpu.vector_store_idx %arg12[%get3A_159], %broadcast_in_dim3A_161 {add = true} : memref<10240xf32, #tpu.memory_space<vmem>>[vector<16xi32>], vector<16xf32>,
      %get3A_162 = arith.index_cast %mul3A_103 : i32 to index
      %get3A_163 = arith.constant 80 : index
      %get3A_164 = tpu.vector_load %arg10[%get3A_162, %get3A_163] {strides = array<i32>} : memref<16x128xi32, #tpu.memory_space<vmem>>, vector<16xi32>,
      %broadcast_in_dim3A_165 = arith.constant 1.000000e+00 : f32
      %broadcast_in_dim3A_166 = vector.broadcast %broadcast_in_dim3A_165 : f32 to vector<16xf32>
      tpu.vector_store_idx %arg12[%get3A_164], %broadcast_in_dim3A_166 {add = true} : memref<10240xf32, #tpu.memory_space<vmem>>[vector<16xi32>], vector<16xf32>,
      %get3A_167 = arith.index_cast %mul3A_103 : i32 to index
      %get3A_168 = arith.constant 96 : index
      %get3A_169 = tpu.vector_load %arg10[%get3A_167, %get3A_168] {strides = array<i32>} : memref<16x128xi32, #tpu.memory_space<vmem>>, vector<16xi32>,
      %broadcast_in_dim3A_170 = arith.constant 1.000000e+00 : f32
      %broadcast_in_dim3A_171 = vector.broadcast %broadcast_in_dim3A_170 : f32 to vector<16xf32>
      tpu.vector_store_idx %arg12[%get3A_169], %broadcast_in_dim3A_171 {add = true} : memref<10240xf32, #tpu.memory_space<vmem>>[vector<16xi32>], vector<16xf32>,
      %get3A_172 = arith.index_cast %mul3A_103 : i32 to index
      %get3A_173 = arith.constant 112 : index
      %get3A_174 = tpu.vector_load %arg10[%get3A_172, %get3A_173] {strides = array<i32>} : memref<16x128xi32, #tpu.memory_space<vmem>>, vector<16xi32>,
      %broadcast_in_dim3A_175 = arith.constant 1.000000e+00 : f32
      %broadcast_in_dim3A_176 = vector.broadcast %broadcast_in_dim3A_175 : f32 to vector<16xf32>
      tpu.vector_store_idx %arg12[%get3A_174], %broadcast_in_dim3A_176 {add = true} : memref<10240xf32, #tpu.memory_space<vmem>>[vector<16xi32>], vector<16xf32>,
      %dma_wait3A_177 = arith.constant 0 : i32
      %dma_wait3A_178 = arith.constant 0 : i32
      %dma_wait3A_179 = arith.constant 0 : i32
      %dma_wait3A_180 = tpu.memref_slice %arg11[%dma_wait3A_177, %dma_wait3A_178, %dma_wait3A_179] : memref<2x128x128xf32, #tpu.memory_space<vmem>> -> memref<1x128x128xf32, #tpu.memory_space<vmem>>
      %dma_wait3A_181 = tpu.memref_squeeze %dma_wait3A_180 : memref<1x128x128xf32, #tpu.memory_space<vmem>> -> memref<128x128xf32, #tpu.memory_space<vmem>>
      %dma_wait3A_182 = arith.constant 0 : i32
      %dma_wait3A_183 = tpu.memref_slice %arg10[%mul3A_103, %dma_wait3A_182] : memref<16x128xi32, #tpu.memory_space<vmem>> -> memref<1x128xi32, #tpu.memory_space<vmem>>
      %dma_wait3A_184 = tpu.memref_squeeze %dma_wait3A_183 : memref<1x128xi32, #tpu.memory_space<vmem>> -> memref<128xi32, #tpu.memory_space<vmem>>
      %dma_wait3A_185 = arith.constant 0 : i32
      %dma_wait3A_186 = arith.constant 0 : i32
      %dma_wait3A_187 = tpu.memref_slice %arg13[%dma_wait3A_185, %dma_wait3A_186] : memref<10112x128xf32, #tpu.memory_space<vmem_shared>> -> memref<10112x128xf32, #tpu.memory_space<vmem_shared>>
      tpu.wait_indirect_dma semaphore(%arg16 : memref<!tpu.dma_semaphore, #tpu.memory_space<semaphore_mem>>) src(%dma_wait3A_181 : memref<128x128xf32, #tpu.memory_space<vmem>>) dst(%dma_wait3A_187 : memref<10112x128xf32, #tpu.memory_space<vmem_shared>>)
      %add3A_188 = arith.constant 2 : i32
      %add3A_189 = arith.addi %mul3A_103, %add3A_188 : i32
      %lt3A_190 = arith.constant 16 : i32
      %lt3A_191 = arith.cmpi slt, %add3A_189, %lt3A_190 : i32
      %convert_element_type3A_192 = arith.extui %lt3A_191 : i1 to i32
      %cond3A_193 = arith.constant 0 : i32
      %cond3A_194 = arith.cmpi ne, %convert_element_type3A_192, %cond3A_193 : i32
      scf.if %cond3A_194 {
        %add3A_272 = arith.constant 2 : i32
        %add3A_273 = arith.addi %mul3A_103, %add3A_272 : i32
        %dma_start3A_274 = arith.constant 0 : i32
        %dma_start3A_275 = arith.constant 0 : i32
        %dma_start3A_276 = arith.constant 0 : i32
        %dma_start3A_277 = tpu.memref_slice %arg11[%dma_start3A_274, %dma_start3A_275, %dma_start3A_276] : memref<2x128x128xf32, #tpu.memory_space<vmem>> -> memref<1x128x128xf32, #tpu.memory_space<vmem>>
        %dma_start3A_278 = tpu.memref_squeeze %dma_start3A_277 : memref<1x128x128xf32, #tpu.memory_space<vmem>> -> memref<128x128xf32, #tpu.memory_space<vmem>>
        %dma_start3A_279 = arith.constant 0 : i32
        %dma_start3A_280 = tpu.memref_slice %arg9[%add3A_273, %dma_start3A_279] : memref<16x128xi32, #tpu.memory_space<vmem>> -> memref<1x128xi32, #tpu.memory_space<vmem>>
        %dma_start3A_281 = tpu.memref_squeeze %dma_start3A_280 : memref<1x128xi32, #tpu.memory_space<vmem>> -> memref<128xi32, #tpu.memory_space<vmem>>
        %dma_start3A_282 = arith.constant 0 : i32
        %dma_start3A_283 = arith.constant 0 : i32
        %dma_start3A_284 = tpu.memref_slice %arg4[%dma_start3A_282, %dma_start3A_283] : memref<10000x128xf32, #tpu.memory_space<hbm>> -> memref<10000x128xf32, #tpu.memory_space<hbm>>
        tpu.enqueue_indirect_dma source(%dma_start3A_284 : memref<10000x128xf32, #tpu.memory_space<hbm>>) target(%dma_start3A_278 : memref<128x128xf32, #tpu.memory_space<vmem>>) offsets(%dma_start3A_281 : memref<128xi32, #tpu.memory_space<vmem>>) semaphore(%arg14 : memref<!tpu.dma_semaphore, #tpu.memory_space<semaphore_mem>>)
      } else {
      }
      %add3A_195 = arith.constant 1 : i32
      %add3A_196 = arith.addi %mul3A_103, %add3A_195 : i32
      %dma_wait3A_197 = arith.constant 1 : i32
      %dma_wait3A_198 = arith.constant 0 : i32
      %dma_wait3A_199 = arith.constant 0 : i32
      %dma_wait3A_200 = tpu.memref_slice %arg11[%dma_wait3A_197, %dma_wait3A_198, %dma_wait3A_199] : memref<2x128x128xf32, #tpu.memory_space<vmem>> -> memref<1x128x128xf32, #tpu.memory_space<vmem>>
      %dma_wait3A_201 = tpu.memref_squeeze %dma_wait3A_200 : memref<1x128x128xf32, #tpu.memory_space<vmem>> -> memref<128x128xf32, #tpu.memory_space<vmem>>
      %dma_wait3A_202 = arith.constant 0 : i32
      %dma_wait3A_203 = tpu.memref_slice %arg9[%add3A_196, %dma_wait3A_202] : memref<16x128xi32, #tpu.memory_space<vmem>> -> memref<1x128xi32, #tpu.memory_space<vmem>>
      %dma_wait3A_204 = tpu.memref_squeeze %dma_wait3A_203 : memref<1x128xi32, #tpu.memory_space<vmem>> -> memref<128xi32, #tpu.memory_space<vmem>>
      %dma_wait3A_205 = arith.constant 0 : i32
      %dma_wait3A_206 = arith.constant 0 : i32
      %dma_wait3A_207 = tpu.memref_slice %arg4[%dma_wait3A_205, %dma_wait3A_206] : memref<10000x128xf32, #tpu.memory_space<hbm>> -> memref<10000x128xf32, #tpu.memory_space<hbm>>
      tpu.wait_indirect_dma semaphore(%arg15 : memref<!tpu.dma_semaphore, #tpu.memory_space<semaphore_mem>>) src(%dma_wait3A_207 : memref<10000x128xf32, #tpu.memory_space<hbm>>) dst(%dma_wait3A_201 : memref<128x128xf32, #tpu.memory_space<vmem>>)
      %add3A_208 = arith.constant 1 : i32
      %add3A_209 = arith.addi %mul3A_103, %add3A_208 : i32
      %dma_start3A_210 = arith.constant 1 : i32
      %dma_start3A_211 = arith.constant 0 : i32
      %dma_start3A_212 = arith.constant 0 : i32
      %dma_start3A_213 = tpu.memref_slice %arg11[%dma_start3A_210, %dma_start3A_211, %dma_start3A_212] : memref<2x128x128xf32, #tpu.memory_space<vmem>> -> memref<1x128x128xf32, #tpu.memory_space<vmem>>
      %dma_start3A_214 = tpu.memref_squeeze %dma_start3A_213 : memref<1x128x128xf32, #tpu.memory_space<vmem>> -> memref<128x128xf32, #tpu.memory_space<vmem>>
      %dma_start3A_215 = arith.constant 0 : i32
      %dma_start3A_216 = tpu.memref_slice %arg10[%add3A_209, %dma_start3A_215] : memref<16x128xi32, #tpu.memory_space<vmem>> -> memref<1x128xi32, #tpu.memory_space<vmem>>
      %dma_start3A_217 = tpu.memref_squeeze %dma_start3A_216 : memref<1x128xi32, #tpu.memory_space<vmem>> -> memref<128xi32, #tpu.memory_space<vmem>>
      %dma_start3A_218 = arith.constant 0 : i32
      %dma_start3A_219 = arith.constant 0 : i32
      %dma_start3A_220 = tpu.memref_slice %arg13[%dma_start3A_218, %dma_start3A_219] : memref<10112x128xf32, #tpu.memory_space<vmem_shared>> -> memref<10112x128xf32, #tpu.memory_space<vmem_shared>>
      tpu.enqueue_indirect_dma source(%dma_start3A_214 : memref<128x128xf32, #tpu.memory_space<vmem>>) target(%dma_start3A_220 : memref<10112x128xf32, #tpu.memory_space<vmem_shared>>) offsets(%dma_start3A_217 : memref<128xi32, #tpu.memory_space<vmem>>) semaphore(%arg16 : memref<!tpu.dma_semaphore, #tpu.memory_space<semaphore_mem>>) {add = true}
      %get3A_221 = arith.index_cast %add3A_209 : i32 to index
      %get3A_222 = arith.constant 0 : index
      %get3A_223 = tpu.vector_load %arg10[%get3A_221, %get3A_222] {strides = array<i32>} : memref<16x128xi32, #tpu.memory_space<vmem>>, vector<16xi32>,
      %broadcast_in_dim3A_224 = arith.constant 1.000000e+00 : f32
      %broadcast_in_dim3A_225 = vector.broadcast %broadcast_in_dim3A_224 : f32 to vector<16xf32>
      tpu.vector_store_idx %arg12[%get3A_223], %broadcast_in_dim3A_225 {add = true} : memref<10240xf32, #tpu.memory_space<vmem>>[vector<16xi32>], vector<16xf32>,
      %get3A_226 = arith.index_cast %add3A_209 : i32 to index
      %get3A_227 = arith.constant 16 : index
      %get3A_228 = tpu.vector_load %arg10[%get3A_226, %get3A_227] {strides = array<i32>} : memref<16x128xi32, #tpu.memory_space<vmem>>, vector<16xi32>,
      %broadcast_in_dim3A_229 = arith.constant 1.000000e+00 : f32
      %broadcast_in_dim3A_230 = vector.broadcast %broadcast_in_dim3A_229 : f32 to vector<16xf32>
      tpu.vector_store_idx %arg12[%get3A_228], %broadcast_in_dim3A_230 {add = true} : memref<10240xf32, #tpu.memory_space<vmem>>[vector<16xi32>], vector<16xf32>,
      %get3A_231 = arith.index_cast %add3A_209 : i32 to index
      %get3A_232 = arith.constant 32 : index
      %get3A_233 = tpu.vector_load %arg10[%get3A_231, %get3A_232] {strides = array<i32>} : memref<16x128xi32, #tpu.memory_space<vmem>>, vector<16xi32>,
      %broadcast_in_dim3A_234 = arith.constant 1.000000e+00 : f32
      %broadcast_in_dim3A_235 = vector.broadcast %broadcast_in_dim3A_234 : f32 to vector<16xf32>
      tpu.vector_store_idx %arg12[%get3A_233], %broadcast_in_dim3A_235 {add = true} : memref<10240xf32, #tpu.memory_space<vmem>>[vector<16xi32>], vector<16xf32>,
      %get3A_236 = arith.index_cast %add3A_209 : i32 to index
      %get3A_237 = arith.constant 48 : index
      %get3A_238 = tpu.vector_load %arg10[%get3A_236, %get3A_237] {strides = array<i32>} : memref<16x128xi32, #tpu.memory_space<vmem>>, vector<16xi32>,
      %broadcast_in_dim3A_239 = arith.constant 1.000000e+00 : f32
      %broadcast_in_dim3A_240 = vector.broadcast %broadcast_in_dim3A_239 : f32 to vector<16xf32>
      tpu.vector_store_idx %arg12[%get3A_238], %broadcast_in_dim3A_240 {add = true} : memref<10240xf32, #tpu.memory_space<vmem>>[vector<16xi32>], vector<16xf32>,
      %get3A_241 = arith.index_cast %add3A_209 : i32 to index
      %get3A_242 = arith.constant 64 : index
      %get3A_243 = tpu.vector_load %arg10[%get3A_241, %get3A_242] {strides = array<i32>} : memref<16x128xi32, #tpu.memory_space<vmem>>, vector<16xi32>,
      %broadcast_in_dim3A_244 = arith.constant 1.000000e+00 : f32
      %broadcast_in_dim3A_245 = vector.broadcast %broadcast_in_dim3A_244 : f32 to vector<16xf32>
      tpu.vector_store_idx %arg12[%get3A_243], %broadcast_in_dim3A_245 {add = true} : memref<10240xf32, #tpu.memory_space<vmem>>[vector<16xi32>], vector<16xf32>,
      %get3A_246 = arith.index_cast %add3A_209 : i32 to index
      %get3A_247 = arith.constant 80 : index
      %get3A_248 = tpu.vector_load %arg10[%get3A_246, %get3A_247] {strides = array<i32>} : memref<16x128xi32, #tpu.memory_space<vmem>>, vector<16xi32>,
      %broadcast_in_dim3A_249 = arith.constant 1.000000e+00 : f32
      %broadcast_in_dim3A_250 = vector.broadcast %broadcast_in_dim3A_249 : f32 to vector<16xf32>
      tpu.vector_store_idx %arg12[%get3A_248], %broadcast_in_dim3A_250 {add = true} : memref<10240xf32, #tpu.memory_space<vmem>>[vector<16xi32>], vector<16xf32>,
      %get3A_251 = arith.index_cast %add3A_209 : i32 to index
      %get3A_252 = arith.constant 96 : index
      %get3A_253 = tpu.vector_load %arg10[%get3A_251, %get3A_252] {strides = array<i32>} : memref<16x128xi32, #tpu.memory_space<vmem>>, vector<16xi32>,
      %broadcast_in_dim3A_254 = arith.constant 1.000000e+00 : f32
      %broadcast_in_dim3A_255 = vector.broadcast %broadcast_in_dim3A_254 : f32 to vector<16xf32>
      tpu.vector_store_idx %arg12[%get3A_253], %broadcast_in_dim3A_255 {add = true} : memref<10240xf32, #tpu.memory_space<vmem>>[vector<16xi32>], vector<16xf32>,
      %get3A_256 = arith.index_cast %add3A_209 : i32 to index
      %get3A_257 = arith.constant 112 : index
      %get3A_258 = tpu.vector_load %arg10[%get3A_256, %get3A_257] {strides = array<i32>} : memref<16x128xi32, #tpu.memory_space<vmem>>, vector<16xi32>,
      %broadcast_in_dim3A_259 = arith.constant 1.000000e+00 : f32
      %broadcast_in_dim3A_260 = vector.broadcast %broadcast_in_dim3A_259 : f32 to vector<16xf32>
      tpu.vector_store_idx %arg12[%get3A_258], %broadcast_in_dim3A_260 {add = true} : memref<10240xf32, #tpu.memory_space<vmem>>[vector<16xi32>], vector<16xf32>,
      %dma_wait3A_261 = arith.constant 1 : i32
      %dma_wait3A_262 = arith.constant 0 : i32
      %dma_wait3A_263 = arith.constant 0 : i32
      %dma_wait3A_264 = tpu.memref_slice %arg11[%dma_wait3A_261, %dma_wait3A_262, %dma_wait3A_263] : memref<2x128x128xf32, #tpu.memory_space<vmem>> -> memref<1x128x128xf32, #tpu.memory_space<vmem>>
      %dma_wait3A_265 = tpu.memref_squeeze %dma_wait3A_264 : memref<1x128x128xf32, #tpu.memory_space<vmem>> -> memref<128x128xf32, #tpu.memory_space<vmem>>
      %dma_wait3A_266 = arith.constant 0 : i32
      %dma_wait3A_267 = tpu.memref_slice %arg10[%add3A_209, %dma_wait3A_266] : memref<16x128xi32, #tpu.memory_space<vmem>> -> memref<1x128xi32, #tpu.memory_space<vmem>>
      %dma_wait3A_268 = tpu.memref_squeeze %dma_wait3A_267 : memref<1x128xi32, #tpu.memory_space<vmem>> -> memref<128xi32, #tpu.memory_space<vmem>>
      %dma_wait3A_269 = arith.constant 0 : i32
      %dma_wait3A_270 = arith.constant 0 : i32
      %dma_wait3A_271 = tpu.memref_slice %arg13[%dma_wait3A_269, %dma_wait3A_270] : memref<10112x128xf32, #tpu.memory_space<vmem_shared>> -> memref<10112x128xf32, #tpu.memory_space<vmem_shared>>
      tpu.wait_indirect_dma semaphore(%arg16 : memref<!tpu.dma_semaphore, #tpu.memory_space<semaphore_mem>>) src(%dma_wait3A_265 : memref<128x128xf32, #tpu.memory_space<vmem>>) dst(%dma_wait3A_271 : memref<10112x128xf32, #tpu.memory_space<vmem_shared>>)
    }
    %scan3A_57 = arith.constant 8 : i32
    "tpu.region"() ({
      %run_scoped3A_101 = tpu.sem_alloc : memref<!tpu.dma_semaphore, #tpu.memory_space<semaphore_mem>>
      %dma_start3A_102 = arith.constant 48 : i32
      %dma_start3A_103 = arith.constant 0 : i32
      %dma_start3A_104 = tpu.memref_slice %arg2[%add3A, %dma_start3A_102, %dma_start3A_103] : memref<32x80x128xi32, #tpu.memory_space<hbm>> -> memref<1x16x128xi32, #tpu.memory_space<hbm>>
      %dma_start3A_105 = tpu.memref_squeeze %dma_start3A_104 : memref<1x16x128xi32, #tpu.memory_space<hbm>> -> memref<16x128xi32, #tpu.memory_space<hbm>>
      %dma_start3A_106 = arith.constant 48 : i32
      %dma_start3A_107 = arith.constant 0 : i32
      %dma_start3A_108 = tpu.memref_slice %arg2[%add3A, %dma_start3A_106, %dma_start3A_107] : memref<32x80x128xi32, #tpu.memory_space<hbm>> -> memref<1x16x128xi32, #tpu.memory_space<hbm>>
      %dma_start3A_109 = tpu.memref_squeeze %dma_start3A_108 : memref<1x16x128xi32, #tpu.memory_space<hbm>> -> memref<16x128xi32, #tpu.memory_space<hbm>>
      tpu.enqueue_dma source(%dma_start3A_109 : memref<16x128xi32, #tpu.memory_space<hbm>>) target(%arg9 : memref<16x128xi32, #tpu.memory_space<vmem>>) target_semaphore(%run_scoped3A_101 : memref<!tpu.dma_semaphore, #tpu.memory_space<semaphore_mem>>)
      %dma_wait3A_110 = arith.constant 48 : i32
      %dma_wait3A_111 = arith.constant 0 : i32
      %dma_wait3A_112 = tpu.memref_slice %arg2[%add3A, %dma_wait3A_110, %dma_wait3A_111] : memref<32x80x128xi32, #tpu.memory_space<hbm>> -> memref<1x16x128xi32, #tpu.memory_space<hbm>>
      %dma_wait3A_113 = tpu.memref_squeeze %dma_wait3A_112 : memref<1x16x128xi32, #tpu.memory_space<hbm>> -> memref<16x128xi32, #tpu.memory_space<hbm>>
      %dma_wait3A_114 = arith.constant 48 : i32
      %dma_wait3A_115 = arith.constant 0 : i32
      %dma_wait3A_116 = tpu.memref_slice %arg2[%add3A, %dma_wait3A_114, %dma_wait3A_115] : memref<32x80x128xi32, #tpu.memory_space<hbm>> -> memref<1x16x128xi32, #tpu.memory_space<hbm>>
      %dma_wait3A_117 = tpu.memref_squeeze %dma_wait3A_116 : memref<1x16x128xi32, #tpu.memory_space<hbm>> -> memref<16x128xi32, #tpu.memory_space<hbm>>
      tpu.wait_dma2 semaphore(%run_scoped3A_101 : memref<!tpu.dma_semaphore, #tpu.memory_space<semaphore_mem>>) src(%dma_wait3A_117 : memref<16x128xi32, #tpu.memory_space<hbm>>) dst(%arg9 : memref<16x128xi32, #tpu.memory_space<vmem>>)
      tpu.yield
    }) : () -> ()
    "tpu.region"() ({
      %run_scoped3A_101 = tpu.sem_alloc : memref<!tpu.dma_semaphore, #tpu.memory_space<semaphore_mem>>
      %dma_start3A_102 = arith.constant 48 : i32
      %dma_start3A_103 = arith.constant 0 : i32
      %dma_start3A_104 = tpu.memref_slice %arg3[%add3A, %dma_start3A_102, %dma_start3A_103] : memref<32x80x128xi32, #tpu.memory_space<hbm>> -> memref<1x16x128xi32, #tpu.memory_space<hbm>>
      %dma_start3A_105 = tpu.memref_squeeze %dma_start3A_104 : memref<1x16x128xi32, #tpu.memory_space<hbm>> -> memref<16x128xi32, #tpu.memory_space<hbm>>
      %dma_start3A_106 = arith.constant 48 : i32
      %dma_start3A_107 = arith.constant 0 : i32
      %dma_start3A_108 = tpu.memref_slice %arg3[%add3A, %dma_start3A_106, %dma_start3A_107] : memref<32x80x128xi32, #tpu.memory_space<hbm>> -> memref<1x16x128xi32, #tpu.memory_space<hbm>>
      %dma_start3A_109 = tpu.memref_squeeze %dma_start3A_108 : memref<1x16x128xi32, #tpu.memory_space<hbm>> -> memref<16x128xi32, #tpu.memory_space<hbm>>
      tpu.enqueue_dma source(%dma_start3A_109 : memref<16x128xi32, #tpu.memory_space<hbm>>) target(%arg10 : memref<16x128xi32, #tpu.memory_space<vmem>>) target_semaphore(%run_scoped3A_101 : memref<!tpu.dma_semaphore, #tpu.memory_space<semaphore_mem>>)
      %dma_wait3A_110 = arith.constant 48 : i32
      %dma_wait3A_111 = arith.constant 0 : i32
      %dma_wait3A_112 = tpu.memref_slice %arg3[%add3A, %dma_wait3A_110, %dma_wait3A_111] : memref<32x80x128xi32, #tpu.memory_space<hbm>> -> memref<1x16x128xi32, #tpu.memory_space<hbm>>
      %dma_wait3A_113 = tpu.memref_squeeze %dma_wait3A_112 : memref<1x16x128xi32, #tpu.memory_space<hbm>> -> memref<16x128xi32, #tpu.memory_space<hbm>>
      %dma_wait3A_114 = arith.constant 48 : i32
      %dma_wait3A_115 = arith.constant 0 : i32
      %dma_wait3A_116 = tpu.memref_slice %arg3[%add3A, %dma_wait3A_114, %dma_wait3A_115] : memref<32x80x128xi32, #tpu.memory_space<hbm>> -> memref<1x16x128xi32, #tpu.memory_space<hbm>>
      %dma_wait3A_117 = tpu.memref_squeeze %dma_wait3A_116 : memref<1x16x128xi32, #tpu.memory_space<hbm>> -> memref<16x128xi32, #tpu.memory_space<hbm>>
      tpu.wait_dma2 semaphore(%run_scoped3A_101 : memref<!tpu.dma_semaphore, #tpu.memory_space<semaphore_mem>>) src(%dma_wait3A_117 : memref<16x128xi32, #tpu.memory_space<hbm>>) dst(%arg10 : memref<16x128xi32, #tpu.memory_space<vmem>>)
      tpu.yield
    }) : () -> ()
    %dma_start3A_58 = arith.constant 0 : i32
    %dma_start3A_59 = arith.constant 0 : i32
    %dma_start3A_60 = arith.constant 0 : i32
    %dma_start3A_61 = arith.constant 0 : i32
    %dma_start3A_62 = tpu.memref_slice %arg11[%dma_start3A_59, %dma_start3A_60, %dma_start3A_61] : memref<2x128x128xf32, #tpu.memory_space<vmem>> -> memref<1x128x128xf32, #tpu.memory_space<vmem>>
    %dma_start3A_63 = tpu.memref_squeeze %dma_start3A_62 : memref<1x128x128xf32, #tpu.memory_space<vmem>> -> memref<128x128xf32, #tpu.memory_space<vmem>>
    %dma_start3A_64 = arith.constant 0 : i32
    %dma_start3A_65 = tpu.memref_slice %arg9[%dma_start3A_58, %dma_start3A_64] : memref<16x128xi32, #tpu.memory_space<vmem>> -> memref<1x128xi32, #tpu.memory_space<vmem>>
    %dma_start3A_66 = tpu.memref_squeeze %dma_start3A_65 : memref<1x128xi32, #tpu.memory_space<vmem>> -> memref<128xi32, #tpu.memory_space<vmem>>
    %dma_start3A_67 = arith.constant 0 : i32
    %dma_start3A_68 = arith.constant 0 : i32
    %dma_start3A_69 = tpu.memref_slice %arg4[%dma_start3A_67, %dma_start3A_68] : memref<10000x128xf32, #tpu.memory_space<hbm>> -> memref<10000x128xf32, #tpu.memory_space<hbm>>
    tpu.enqueue_indirect_dma source(%dma_start3A_69 : memref<10000x128xf32, #tpu.memory_space<hbm>>) target(%dma_start3A_63 : memref<128x128xf32, #tpu.memory_space<vmem>>) offsets(%dma_start3A_66 : memref<128xi32, #tpu.memory_space<vmem>>) semaphore(%arg14 : memref<!tpu.dma_semaphore, #tpu.memory_space<semaphore_mem>>)
    %scan3A_70 = arith.constant 0 : i32
    %scan3A_71 = arith.constant 0 : i32
    %scan3A_72 = arith.constant 8 : i32
    %scan3A_73 = arith.addi %scan3A_71, %scan3A_72 : i32
    %scan3A_74 = arith.constant 1 : i32
    scf.for %scan3A_101 = %scan3A_71 to %scan3A_73 step %scan3A_74  : i32 {
      %mul3A_102 = arith.constant 2 : i32
      %mul3A_103 = arith.muli %mul3A_102, %scan3A_101 : i32
      %add3A_104 = arith.constant 1 : i32
      %add3A_105 = arith.addi %mul3A_103, %add3A_104 : i32
      %dma_start3A_106 = arith.constant 1 : i32
      %dma_start3A_107 = arith.constant 0 : i32
      %dma_start3A_108 = arith.constant 0 : i32
      %dma_start3A_109 = tpu.memref_slice %arg11[%dma_start3A_106, %dma_start3A_107, %dma_start3A_108] : memref<2x128x128xf32, #tpu.memory_space<vmem>> -> memref<1x128x128xf32, #tpu.memory_space<vmem>>
      %dma_start3A_110 = tpu.memref_squeeze %dma_start3A_109 : memref<1x128x128xf32, #tpu.memory_space<vmem>> -> memref<128x128xf32, #tpu.memory_space<vmem>>
      %dma_start3A_111 = arith.constant 0 : i32
      %dma_start3A_112 = tpu.memref_slice %arg9[%add3A_105, %dma_start3A_111] : memref<16x128xi32, #tpu.memory_space<vmem>> -> memref<1x128xi32, #tpu.memory_space<vmem>>
      %dma_start3A_113 = tpu.memref_squeeze %dma_start3A_112 : memref<1x128xi32, #tpu.memory_space<vmem>> -> memref<128xi32, #tpu.memory_space<vmem>>
      %dma_start3A_114 = arith.constant 0 : i32
      %dma_start3A_115 = arith.constant 0 : i32
      %dma_start3A_116 = tpu.memref_slice %arg4[%dma_start3A_114, %dma_start3A_115] : memref<10000x128xf32, #tpu.memory_space<hbm>> -> memref<10000x128xf32, #tpu.memory_space<hbm>>
      tpu.enqueue_indirect_dma source(%dma_start3A_116 : memref<10000x128xf32, #tpu.memory_space<hbm>>) target(%dma_start3A_110 : memref<128x128xf32, #tpu.memory_space<vmem>>) offsets(%dma_start3A_113 : memref<128xi32, #tpu.memory_space<vmem>>) semaphore(%arg15 : memref<!tpu.dma_semaphore, #tpu.memory_space<semaphore_mem>>)
      %dma_wait3A_117 = arith.constant 0 : i32
      %dma_wait3A_118 = arith.constant 0 : i32
      %dma_wait3A_119 = arith.constant 0 : i32
      %dma_wait3A_120 = tpu.memref_slice %arg11[%dma_wait3A_117, %dma_wait3A_118, %dma_wait3A_119] : memref<2x128x128xf32, #tpu.memory_space<vmem>> -> memref<1x128x128xf32, #tpu.memory_space<vmem>>
      %dma_wait3A_121 = tpu.memref_squeeze %dma_wait3A_120 : memref<1x128x128xf32, #tpu.memory_space<vmem>> -> memref<128x128xf32, #tpu.memory_space<vmem>>
      %dma_wait3A_122 = arith.constant 0 : i32
      %dma_wait3A_123 = tpu.memref_slice %arg9[%mul3A_103, %dma_wait3A_122] : memref<16x128xi32, #tpu.memory_space<vmem>> -> memref<1x128xi32, #tpu.memory_space<vmem>>
      %dma_wait3A_124 = tpu.memref_squeeze %dma_wait3A_123 : memref<1x128xi32, #tpu.memory_space<vmem>> -> memref<128xi32, #tpu.memory_space<vmem>>
      %dma_wait3A_125 = arith.constant 0 : i32
      %dma_wait3A_126 = arith.constant 0 : i32
      %dma_wait3A_127 = tpu.memref_slice %arg4[%dma_wait3A_125, %dma_wait3A_126] : memref<10000x128xf32, #tpu.memory_space<hbm>> -> memref<10000x128xf32, #tpu.memory_space<hbm>>
      tpu.wait_indirect_dma semaphore(%arg14 : memref<!tpu.dma_semaphore, #tpu.memory_space<semaphore_mem>>) src(%dma_wait3A_127 : memref<10000x128xf32, #tpu.memory_space<hbm>>) dst(%dma_wait3A_121 : memref<128x128xf32, #tpu.memory_space<vmem>>)
      %dma_start3A_128 = arith.constant 0 : i32
      %dma_start3A_129 = arith.constant 0 : i32
      %dma_start3A_130 = arith.constant 0 : i32
      %dma_start3A_131 = tpu.memref_slice %arg11[%dma_start3A_128, %dma_start3A_129, %dma_start3A_130] : memref<2x128x128xf32, #tpu.memory_space<vmem>> -> memref<1x128x128xf32, #tpu.memory_space<vmem>>
      %dma_start3A_132 = tpu.memref_squeeze %dma_start3A_131 : memref<1x128x128xf32, #tpu.memory_space<vmem>> -> memref<128x128xf32, #tpu.memory_space<vmem>>
      %dma_start3A_133 = arith.constant 0 : i32
      %dma_start3A_134 = tpu.memref_slice %arg10[%mul3A_103, %dma_start3A_133] : memref<16x128xi32, #tpu.memory_space<vmem>> -> memref<1x128xi32, #tpu.memory_space<vmem>>
      %dma_start3A_135 = tpu.memref_squeeze %dma_start3A_134 : memref<1x128xi32, #tpu.memory_space<vmem>> -> memref<128xi32, #tpu.memory_space<vmem>>
      %dma_start3A_136 = arith.constant 0 : i32
      %dma_start3A_137 = arith.constant 0 : i32
      %dma_start3A_138 = tpu.memref_slice %arg13[%dma_start3A_136, %dma_start3A_137] : memref<10112x128xf32, #tpu.memory_space<vmem_shared>> -> memref<10112x128xf32, #tpu.memory_space<vmem_shared>>
      tpu.enqueue_indirect_dma source(%dma_start3A_132 : memref<128x128xf32, #tpu.memory_space<vmem>>) target(%dma_start3A_138 : memref<10112x128xf32, #tpu.memory_space<vmem_shared>>) offsets(%dma_start3A_135 : memref<128xi32, #tpu.memory_space<vmem>>) semaphore(%arg16 : memref<!tpu.dma_semaphore, #tpu.memory_space<semaphore_mem>>) {add = true}
      %get3A = arith.index_cast %mul3A_103 : i32 to index
      %get3A_139 = arith.constant 0 : index
      %get3A_140 = tpu.vector_load %arg10[%get3A, %get3A_139] {strides = array<i32>} : memref<16x128xi32, #tpu.memory_space<vmem>>, vector<16xi32>,
      %broadcast_in_dim3A = arith.constant 1.000000e+00 : f32
      %broadcast_in_dim3A_141 = vector.broadcast %broadcast_in_dim3A : f32 to vector<16xf32>
      tpu.vector_store_idx %arg12[%get3A_140], %broadcast_in_dim3A_141 {add = true} : memref<10240xf32, #tpu.memory_space<vmem>>[vector<16xi32>], vector<16xf32>,
      %get3A_142 = arith.index_cast %mul3A_103 : i32 to index
      %get3A_143 = arith.constant 16 : index
      %get3A_144 = tpu.vector_load %arg10[%get3A_142, %get3A_143] {strides = array<i32>} : memref<16x128xi32, #tpu.memory_space<vmem>>, vector<16xi32>,
      %broadcast_in_dim3A_145 = arith.constant 1.000000e+00 : f32
      %broadcast_in_dim3A_146 = vector.broadcast %broadcast_in_dim3A_145 : f32 to vector<16xf32>
      tpu.vector_store_idx %arg12[%get3A_144], %broadcast_in_dim3A_146 {add = true} : memref<10240xf32, #tpu.memory_space<vmem>>[vector<16xi32>], vector<16xf32>,
      %get3A_147 = arith.index_cast %mul3A_103 : i32 to index
      %get3A_148 = arith.constant 32 : index
      %get3A_149 = tpu.vector_load %arg10[%get3A_147, %get3A_148] {strides = array<i32>} : memref<16x128xi32, #tpu.memory_space<vmem>>, vector<16xi32>,
      %broadcast_in_dim3A_150 = arith.constant 1.000000e+00 : f32
      %broadcast_in_dim3A_151 = vector.broadcast %broadcast_in_dim3A_150 : f32 to vector<16xf32>
      tpu.vector_store_idx %arg12[%get3A_149], %broadcast_in_dim3A_151 {add = true} : memref<10240xf32, #tpu.memory_space<vmem>>[vector<16xi32>], vector<16xf32>,
      %get3A_152 = arith.index_cast %mul3A_103 : i32 to index
      %get3A_153 = arith.constant 48 : index
      %get3A_154 = tpu.vector_load %arg10[%get3A_152, %get3A_153] {strides = array<i32>} : memref<16x128xi32, #tpu.memory_space<vmem>>, vector<16xi32>,
      %broadcast_in_dim3A_155 = arith.constant 1.000000e+00 : f32
      %broadcast_in_dim3A_156 = vector.broadcast %broadcast_in_dim3A_155 : f32 to vector<16xf32>
      tpu.vector_store_idx %arg12[%get3A_154], %broadcast_in_dim3A_156 {add = true} : memref<10240xf32, #tpu.memory_space<vmem>>[vector<16xi32>], vector<16xf32>,
      %get3A_157 = arith.index_cast %mul3A_103 : i32 to index
      %get3A_158 = arith.constant 64 : index
      %get3A_159 = tpu.vector_load %arg10[%get3A_157, %get3A_158] {strides = array<i32>} : memref<16x128xi32, #tpu.memory_space<vmem>>, vector<16xi32>,
      %broadcast_in_dim3A_160 = arith.constant 1.000000e+00 : f32
      %broadcast_in_dim3A_161 = vector.broadcast %broadcast_in_dim3A_160 : f32 to vector<16xf32>
      tpu.vector_store_idx %arg12[%get3A_159], %broadcast_in_dim3A_161 {add = true} : memref<10240xf32, #tpu.memory_space<vmem>>[vector<16xi32>], vector<16xf32>,
      %get3A_162 = arith.index_cast %mul3A_103 : i32 to index
      %get3A_163 = arith.constant 80 : index
      %get3A_164 = tpu.vector_load %arg10[%get3A_162, %get3A_163] {strides = array<i32>} : memref<16x128xi32, #tpu.memory_space<vmem>>, vector<16xi32>,
      %broadcast_in_dim3A_165 = arith.constant 1.000000e+00 : f32
      %broadcast_in_dim3A_166 = vector.broadcast %broadcast_in_dim3A_165 : f32 to vector<16xf32>
      tpu.vector_store_idx %arg12[%get3A_164], %broadcast_in_dim3A_166 {add = true} : memref<10240xf32, #tpu.memory_space<vmem>>[vector<16xi32>], vector<16xf32>,
      %get3A_167 = arith.index_cast %mul3A_103 : i32 to index
      %get3A_168 = arith.constant 96 : index
      %get3A_169 = tpu.vector_load %arg10[%get3A_167, %get3A_168] {strides = array<i32>} : memref<16x128xi32, #tpu.memory_space<vmem>>, vector<16xi32>,
      %broadcast_in_dim3A_170 = arith.constant 1.000000e+00 : f32
      %broadcast_in_dim3A_171 = vector.broadcast %broadcast_in_dim3A_170 : f32 to vector<16xf32>
      tpu.vector_store_idx %arg12[%get3A_169], %broadcast_in_dim3A_171 {add = true} : memref<10240xf32, #tpu.memory_space<vmem>>[vector<16xi32>], vector<16xf32>,
      %get3A_172 = arith.index_cast %mul3A_103 : i32 to index
      %get3A_173 = arith.constant 112 : index
      %get3A_174 = tpu.vector_load %arg10[%get3A_172, %get3A_173] {strides = array<i32>} : memref<16x128xi32, #tpu.memory_space<vmem>>, vector<16xi32>,
      %broadcast_in_dim3A_175 = arith.constant 1.000000e+00 : f32
      %broadcast_in_dim3A_176 = vector.broadcast %broadcast_in_dim3A_175 : f32 to vector<16xf32>
      tpu.vector_store_idx %arg12[%get3A_174], %broadcast_in_dim3A_176 {add = true} : memref<10240xf32, #tpu.memory_space<vmem>>[vector<16xi32>], vector<16xf32>,
      %dma_wait3A_177 = arith.constant 0 : i32
      %dma_wait3A_178 = arith.constant 0 : i32
      %dma_wait3A_179 = arith.constant 0 : i32
      %dma_wait3A_180 = tpu.memref_slice %arg11[%dma_wait3A_177, %dma_wait3A_178, %dma_wait3A_179] : memref<2x128x128xf32, #tpu.memory_space<vmem>> -> memref<1x128x128xf32, #tpu.memory_space<vmem>>
      %dma_wait3A_181 = tpu.memref_squeeze %dma_wait3A_180 : memref<1x128x128xf32, #tpu.memory_space<vmem>> -> memref<128x128xf32, #tpu.memory_space<vmem>>
      %dma_wait3A_182 = arith.constant 0 : i32
      %dma_wait3A_183 = tpu.memref_slice %arg10[%mul3A_103, %dma_wait3A_182] : memref<16x128xi32, #tpu.memory_space<vmem>> -> memref<1x128xi32, #tpu.memory_space<vmem>>
      %dma_wait3A_184 = tpu.memref_squeeze %dma_wait3A_183 : memref<1x128xi32, #tpu.memory_space<vmem>> -> memref<128xi32, #tpu.memory_space<vmem>>
      %dma_wait3A_185 = arith.constant 0 : i32
      %dma_wait3A_186 = arith.constant 0 : i32
      %dma_wait3A_187 = tpu.memref_slice %arg13[%dma_wait3A_185, %dma_wait3A_186] : memref<10112x128xf32, #tpu.memory_space<vmem_shared>> -> memref<10112x128xf32, #tpu.memory_space<vmem_shared>>
      tpu.wait_indirect_dma semaphore(%arg16 : memref<!tpu.dma_semaphore, #tpu.memory_space<semaphore_mem>>) src(%dma_wait3A_181 : memref<128x128xf32, #tpu.memory_space<vmem>>) dst(%dma_wait3A_187 : memref<10112x128xf32, #tpu.memory_space<vmem_shared>>)
      %add3A_188 = arith.constant 2 : i32
      %add3A_189 = arith.addi %mul3A_103, %add3A_188 : i32
      %lt3A_190 = arith.constant 16 : i32
      %lt3A_191 = arith.cmpi slt, %add3A_189, %lt3A_190 : i32
      %convert_element_type3A_192 = arith.extui %lt3A_191 : i1 to i32
      %cond3A_193 = arith.constant 0 : i32
      %cond3A_194 = arith.cmpi ne, %convert_element_type3A_192, %cond3A_193 : i32
      scf.if %cond3A_194 {
        %add3A_272 = arith.constant 2 : i32
        %add3A_273 = arith.addi %mul3A_103, %add3A_272 : i32
        %dma_start3A_274 = arith.constant 0 : i32
        %dma_start3A_275 = arith.constant 0 : i32
        %dma_start3A_276 = arith.constant 0 : i32
        %dma_start3A_277 = tpu.memref_slice %arg11[%dma_start3A_274, %dma_start3A_275, %dma_start3A_276] : memref<2x128x128xf32, #tpu.memory_space<vmem>> -> memref<1x128x128xf32, #tpu.memory_space<vmem>>
        %dma_start3A_278 = tpu.memref_squeeze %dma_start3A_277 : memref<1x128x128xf32, #tpu.memory_space<vmem>> -> memref<128x128xf32, #tpu.memory_space<vmem>>
        %dma_start3A_279 = arith.constant 0 : i32
        %dma_start3A_280 = tpu.memref_slice %arg9[%add3A_273, %dma_start3A_279] : memref<16x128xi32, #tpu.memory_space<vmem>> -> memref<1x128xi32, #tpu.memory_space<vmem>>
        %dma_start3A_281 = tpu.memref_squeeze %dma_start3A_280 : memref<1x128xi32, #tpu.memory_space<vmem>> -> memref<128xi32, #tpu.memory_space<vmem>>
        %dma_start3A_282 = arith.constant 0 : i32
        %dma_start3A_283 = arith.constant 0 : i32
        %dma_start3A_284 = tpu.memref_slice %arg4[%dma_start3A_282, %dma_start3A_283] : memref<10000x128xf32, #tpu.memory_space<hbm>> -> memref<10000x128xf32, #tpu.memory_space<hbm>>
        tpu.enqueue_indirect_dma source(%dma_start3A_284 : memref<10000x128xf32, #tpu.memory_space<hbm>>) target(%dma_start3A_278 : memref<128x128xf32, #tpu.memory_space<vmem>>) offsets(%dma_start3A_281 : memref<128xi32, #tpu.memory_space<vmem>>) semaphore(%arg14 : memref<!tpu.dma_semaphore, #tpu.memory_space<semaphore_mem>>)
      } else {
      }
      %add3A_195 = arith.constant 1 : i32
      %add3A_196 = arith.addi %mul3A_103, %add3A_195 : i32
      %dma_wait3A_197 = arith.constant 1 : i32
      %dma_wait3A_198 = arith.constant 0 : i32
      %dma_wait3A_199 = arith.constant 0 : i32
      %dma_wait3A_200 = tpu.memref_slice %arg11[%dma_wait3A_197, %dma_wait3A_198, %dma_wait3A_199] : memref<2x128x128xf32, #tpu.memory_space<vmem>> -> memref<1x128x128xf32, #tpu.memory_space<vmem>>
      %dma_wait3A_201 = tpu.memref_squeeze %dma_wait3A_200 : memref<1x128x128xf32, #tpu.memory_space<vmem>> -> memref<128x128xf32, #tpu.memory_space<vmem>>
      %dma_wait3A_202 = arith.constant 0 : i32
      %dma_wait3A_203 = tpu.memref_slice %arg9[%add3A_196, %dma_wait3A_202] : memref<16x128xi32, #tpu.memory_space<vmem>> -> memref<1x128xi32, #tpu.memory_space<vmem>>
      %dma_wait3A_204 = tpu.memref_squeeze %dma_wait3A_203 : memref<1x128xi32, #tpu.memory_space<vmem>> -> memref<128xi32, #tpu.memory_space<vmem>>
      %dma_wait3A_205 = arith.constant 0 : i32
      %dma_wait3A_206 = arith.constant 0 : i32
      %dma_wait3A_207 = tpu.memref_slice %arg4[%dma_wait3A_205, %dma_wait3A_206] : memref<10000x128xf32, #tpu.memory_space<hbm>> -> memref<10000x128xf32, #tpu.memory_space<hbm>>
      tpu.wait_indirect_dma semaphore(%arg15 : memref<!tpu.dma_semaphore, #tpu.memory_space<semaphore_mem>>) src(%dma_wait3A_207 : memref<10000x128xf32, #tpu.memory_space<hbm>>) dst(%dma_wait3A_201 : memref<128x128xf32, #tpu.memory_space<vmem>>)
      %add3A_208 = arith.constant 1 : i32
      %add3A_209 = arith.addi %mul3A_103, %add3A_208 : i32
      %dma_start3A_210 = arith.constant 1 : i32
      %dma_start3A_211 = arith.constant 0 : i32
      %dma_start3A_212 = arith.constant 0 : i32
      %dma_start3A_213 = tpu.memref_slice %arg11[%dma_start3A_210, %dma_start3A_211, %dma_start3A_212] : memref<2x128x128xf32, #tpu.memory_space<vmem>> -> memref<1x128x128xf32, #tpu.memory_space<vmem>>
      %dma_start3A_214 = tpu.memref_squeeze %dma_start3A_213 : memref<1x128x128xf32, #tpu.memory_space<vmem>> -> memref<128x128xf32, #tpu.memory_space<vmem>>
      %dma_start3A_215 = arith.constant 0 : i32
      %dma_start3A_216 = tpu.memref_slice %arg10[%add3A_209, %dma_start3A_215] : memref<16x128xi32, #tpu.memory_space<vmem>> -> memref<1x128xi32, #tpu.memory_space<vmem>>
      %dma_start3A_217 = tpu.memref_squeeze %dma_start3A_216 : memref<1x128xi32, #tpu.memory_space<vmem>> -> memref<128xi32, #tpu.memory_space<vmem>>
      %dma_start3A_218 = arith.constant 0 : i32
      %dma_start3A_219 = arith.constant 0 : i32
      %dma_start3A_220 = tpu.memref_slice %arg13[%dma_start3A_218, %dma_start3A_219] : memref<10112x128xf32, #tpu.memory_space<vmem_shared>> -> memref<10112x128xf32, #tpu.memory_space<vmem_shared>>
      tpu.enqueue_indirect_dma source(%dma_start3A_214 : memref<128x128xf32, #tpu.memory_space<vmem>>) target(%dma_start3A_220 : memref<10112x128xf32, #tpu.memory_space<vmem_shared>>) offsets(%dma_start3A_217 : memref<128xi32, #tpu.memory_space<vmem>>) semaphore(%arg16 : memref<!tpu.dma_semaphore, #tpu.memory_space<semaphore_mem>>) {add = true}
      %get3A_221 = arith.index_cast %add3A_209 : i32 to index
      %get3A_222 = arith.constant 0 : index
      %get3A_223 = tpu.vector_load %arg10[%get3A_221, %get3A_222] {strides = array<i32>} : memref<16x128xi32, #tpu.memory_space<vmem>>, vector<16xi32>,
      %broadcast_in_dim3A_224 = arith.constant 1.000000e+00 : f32
      %broadcast_in_dim3A_225 = vector.broadcast %broadcast_in_dim3A_224 : f32 to vector<16xf32>
      tpu.vector_store_idx %arg12[%get3A_223], %broadcast_in_dim3A_225 {add = true} : memref<10240xf32, #tpu.memory_space<vmem>>[vector<16xi32>], vector<16xf32>,
      %get3A_226 = arith.index_cast %add3A_209 : i32 to index
      %get3A_227 = arith.constant 16 : index
      %get3A_228 = tpu.vector_load %arg10[%get3A_226, %get3A_227] {strides = array<i32>} : memref<16x128xi32, #tpu.memory_space<vmem>>, vector<16xi32>,
      %broadcast_in_dim3A_229 = arith.constant 1.000000e+00 : f32
      %broadcast_in_dim3A_230 = vector.broadcast %broadcast_in_dim3A_229 : f32 to vector<16xf32>
      tpu.vector_store_idx %arg12[%get3A_228], %broadcast_in_dim3A_230 {add = true} : memref<10240xf32, #tpu.memory_space<vmem>>[vector<16xi32>], vector<16xf32>,
      %get3A_231 = arith.index_cast %add3A_209 : i32 to index
      %get3A_232 = arith.constant 32 : index
      %get3A_233 = tpu.vector_load %arg10[%get3A_231, %get3A_232] {strides = array<i32>} : memref<16x128xi32, #tpu.memory_space<vmem>>, vector<16xi32>,
      %broadcast_in_dim3A_234 = arith.constant 1.000000e+00 : f32
      %broadcast_in_dim3A_235 = vector.broadcast %broadcast_in_dim3A_234 : f32 to vector<16xf32>
      tpu.vector_store_idx %arg12[%get3A_233], %broadcast_in_dim3A_235 {add = true} : memref<10240xf32, #tpu.memory_space<vmem>>[vector<16xi32>], vector<16xf32>,
      %get3A_236 = arith.index_cast %add3A_209 : i32 to index
      %get3A_237 = arith.constant 48 : index
      %get3A_238 = tpu.vector_load %arg10[%get3A_236, %get3A_237] {strides = array<i32>} : memref<16x128xi32, #tpu.memory_space<vmem>>, vector<16xi32>,
      %broadcast_in_dim3A_239 = arith.constant 1.000000e+00 : f32
      %broadcast_in_dim3A_240 = vector.broadcast %broadcast_in_dim3A_239 : f32 to vector<16xf32>
      tpu.vector_store_idx %arg12[%get3A_238], %broadcast_in_dim3A_240 {add = true} : memref<10240xf32, #tpu.memory_space<vmem>>[vector<16xi32>], vector<16xf32>,
      %get3A_241 = arith.index_cast %add3A_209 : i32 to index
      %get3A_242 = arith.constant 64 : index
      %get3A_243 = tpu.vector_load %arg10[%get3A_241, %get3A_242] {strides = array<i32>} : memref<16x128xi32, #tpu.memory_space<vmem>>, vector<16xi32>,
      %broadcast_in_dim3A_244 = arith.constant 1.000000e+00 : f32
      %broadcast_in_dim3A_245 = vector.broadcast %broadcast_in_dim3A_244 : f32 to vector<16xf32>
      tpu.vector_store_idx %arg12[%get3A_243], %broadcast_in_dim3A_245 {add = true} : memref<10240xf32, #tpu.memory_space<vmem>>[vector<16xi32>], vector<16xf32>,
      %get3A_246 = arith.index_cast %add3A_209 : i32 to index
      %get3A_247 = arith.constant 80 : index
      %get3A_248 = tpu.vector_load %arg10[%get3A_246, %get3A_247] {strides = array<i32>} : memref<16x128xi32, #tpu.memory_space<vmem>>, vector<16xi32>,
      %broadcast_in_dim3A_249 = arith.constant 1.000000e+00 : f32
      %broadcast_in_dim3A_250 = vector.broadcast %broadcast_in_dim3A_249 : f32 to vector<16xf32>
      tpu.vector_store_idx %arg12[%get3A_248], %broadcast_in_dim3A_250 {add = true} : memref<10240xf32, #tpu.memory_space<vmem>>[vector<16xi32>], vector<16xf32>,
      %get3A_251 = arith.index_cast %add3A_209 : i32 to index
      %get3A_252 = arith.constant 96 : index
      %get3A_253 = tpu.vector_load %arg10[%get3A_251, %get3A_252] {strides = array<i32>} : memref<16x128xi32, #tpu.memory_space<vmem>>, vector<16xi32>,
      %broadcast_in_dim3A_254 = arith.constant 1.000000e+00 : f32
      %broadcast_in_dim3A_255 = vector.broadcast %broadcast_in_dim3A_254 : f32 to vector<16xf32>
      tpu.vector_store_idx %arg12[%get3A_253], %broadcast_in_dim3A_255 {add = true} : memref<10240xf32, #tpu.memory_space<vmem>>[vector<16xi32>], vector<16xf32>,
      %get3A_256 = arith.index_cast %add3A_209 : i32 to index
      %get3A_257 = arith.constant 112 : index
      %get3A_258 = tpu.vector_load %arg10[%get3A_256, %get3A_257] {strides = array<i32>} : memref<16x128xi32, #tpu.memory_space<vmem>>, vector<16xi32>,
      %broadcast_in_dim3A_259 = arith.constant 1.000000e+00 : f32
      %broadcast_in_dim3A_260 = vector.broadcast %broadcast_in_dim3A_259 : f32 to vector<16xf32>
      tpu.vector_store_idx %arg12[%get3A_258], %broadcast_in_dim3A_260 {add = true} : memref<10240xf32, #tpu.memory_space<vmem>>[vector<16xi32>], vector<16xf32>,
      %dma_wait3A_261 = arith.constant 1 : i32
      %dma_wait3A_262 = arith.constant 0 : i32
      %dma_wait3A_263 = arith.constant 0 : i32
      %dma_wait3A_264 = tpu.memref_slice %arg11[%dma_wait3A_261, %dma_wait3A_262, %dma_wait3A_263] : memref<2x128x128xf32, #tpu.memory_space<vmem>> -> memref<1x128x128xf32, #tpu.memory_space<vmem>>
      %dma_wait3A_265 = tpu.memref_squeeze %dma_wait3A_264 : memref<1x128x128xf32, #tpu.memory_space<vmem>> -> memref<128x128xf32, #tpu.memory_space<vmem>>
      %dma_wait3A_266 = arith.constant 0 : i32
      %dma_wait3A_267 = tpu.memref_slice %arg10[%add3A_209, %dma_wait3A_266] : memref<16x128xi32, #tpu.memory_space<vmem>> -> memref<1x128xi32, #tpu.memory_space<vmem>>
      %dma_wait3A_268 = tpu.memref_squeeze %dma_wait3A_267 : memref<1x128xi32, #tpu.memory_space<vmem>> -> memref<128xi32, #tpu.memory_space<vmem>>
      %dma_wait3A_269 = arith.constant 0 : i32
      %dma_wait3A_270 = arith.constant 0 : i32
      %dma_wait3A_271 = tpu.memref_slice %arg13[%dma_wait3A_269, %dma_wait3A_270] : memref<10112x128xf32, #tpu.memory_space<vmem_shared>> -> memref<10112x128xf32, #tpu.memory_space<vmem_shared>>
      tpu.wait_indirect_dma semaphore(%arg16 : memref<!tpu.dma_semaphore, #tpu.memory_space<semaphore_mem>>) src(%dma_wait3A_265 : memref<128x128xf32, #tpu.memory_space<vmem>>) dst(%dma_wait3A_271 : memref<10112x128xf32, #tpu.memory_space<vmem_shared>>)
    }
    %scan3A_75 = arith.constant 8 : i32
    "tpu.region"() ({
      %run_scoped3A_101 = tpu.sem_alloc : memref<!tpu.dma_semaphore, #tpu.memory_space<semaphore_mem>>
      %dma_start3A_102 = arith.constant 64 : i32
      %dma_start3A_103 = arith.constant 0 : i32
      %dma_start3A_104 = tpu.memref_slice %arg2[%add3A, %dma_start3A_102, %dma_start3A_103] : memref<32x80x128xi32, #tpu.memory_space<hbm>> -> memref<1x16x128xi32, #tpu.memory_space<hbm>>
      %dma_start3A_105 = tpu.memref_squeeze %dma_start3A_104 : memref<1x16x128xi32, #tpu.memory_space<hbm>> -> memref<16x128xi32, #tpu.memory_space<hbm>>
      %dma_start3A_106 = arith.constant 64 : i32
      %dma_start3A_107 = arith.constant 0 : i32
      %dma_start3A_108 = tpu.memref_slice %arg2[%add3A, %dma_start3A_106, %dma_start3A_107] : memref<32x80x128xi32, #tpu.memory_space<hbm>> -> memref<1x16x128xi32, #tpu.memory_space<hbm>>
      %dma_start3A_109 = tpu.memref_squeeze %dma_start3A_108 : memref<1x16x128xi32, #tpu.memory_space<hbm>> -> memref<16x128xi32, #tpu.memory_space<hbm>>
      tpu.enqueue_dma source(%dma_start3A_109 : memref<16x128xi32, #tpu.memory_space<hbm>>) target(%arg9 : memref<16x128xi32, #tpu.memory_space<vmem>>) target_semaphore(%run_scoped3A_101 : memref<!tpu.dma_semaphore, #tpu.memory_space<semaphore_mem>>)
      %dma_wait3A_110 = arith.constant 64 : i32
      %dma_wait3A_111 = arith.constant 0 : i32
      %dma_wait3A_112 = tpu.memref_slice %arg2[%add3A, %dma_wait3A_110, %dma_wait3A_111] : memref<32x80x128xi32, #tpu.memory_space<hbm>> -> memref<1x16x128xi32, #tpu.memory_space<hbm>>
      %dma_wait3A_113 = tpu.memref_squeeze %dma_wait3A_112 : memref<1x16x128xi32, #tpu.memory_space<hbm>> -> memref<16x128xi32, #tpu.memory_space<hbm>>
      %dma_wait3A_114 = arith.constant 64 : i32
      %dma_wait3A_115 = arith.constant 0 : i32
      %dma_wait3A_116 = tpu.memref_slice %arg2[%add3A, %dma_wait3A_114, %dma_wait3A_115] : memref<32x80x128xi32, #tpu.memory_space<hbm>> -> memref<1x16x128xi32, #tpu.memory_space<hbm>>
      %dma_wait3A_117 = tpu.memref_squeeze %dma_wait3A_116 : memref<1x16x128xi32, #tpu.memory_space<hbm>> -> memref<16x128xi32, #tpu.memory_space<hbm>>
      tpu.wait_dma2 semaphore(%run_scoped3A_101 : memref<!tpu.dma_semaphore, #tpu.memory_space<semaphore_mem>>) src(%dma_wait3A_117 : memref<16x128xi32, #tpu.memory_space<hbm>>) dst(%arg9 : memref<16x128xi32, #tpu.memory_space<vmem>>)
      tpu.yield
    }) : () -> ()
    "tpu.region"() ({
      %run_scoped3A_101 = tpu.sem_alloc : memref<!tpu.dma_semaphore, #tpu.memory_space<semaphore_mem>>
      %dma_start3A_102 = arith.constant 64 : i32
      %dma_start3A_103 = arith.constant 0 : i32
      %dma_start3A_104 = tpu.memref_slice %arg3[%add3A, %dma_start3A_102, %dma_start3A_103] : memref<32x80x128xi32, #tpu.memory_space<hbm>> -> memref<1x16x128xi32, #tpu.memory_space<hbm>>
      %dma_start3A_105 = tpu.memref_squeeze %dma_start3A_104 : memref<1x16x128xi32, #tpu.memory_space<hbm>> -> memref<16x128xi32, #tpu.memory_space<hbm>>
      %dma_start3A_106 = arith.constant 64 : i32
      %dma_start3A_107 = arith.constant 0 : i32
      %dma_start3A_108 = tpu.memref_slice %arg3[%add3A, %dma_start3A_106, %dma_start3A_107] : memref<32x80x128xi32, #tpu.memory_space<hbm>> -> memref<1x16x128xi32, #tpu.memory_space<hbm>>
      %dma_start3A_109 = tpu.memref_squeeze %dma_start3A_108 : memref<1x16x128xi32, #tpu.memory_space<hbm>> -> memref<16x128xi32, #tpu.memory_space<hbm>>
      tpu.enqueue_dma source(%dma_start3A_109 : memref<16x128xi32, #tpu.memory_space<hbm>>) target(%arg10 : memref<16x128xi32, #tpu.memory_space<vmem>>) target_semaphore(%run_scoped3A_101 : memref<!tpu.dma_semaphore, #tpu.memory_space<semaphore_mem>>)
      %dma_wait3A_110 = arith.constant 64 : i32
      %dma_wait3A_111 = arith.constant 0 : i32
      %dma_wait3A_112 = tpu.memref_slice %arg3[%add3A, %dma_wait3A_110, %dma_wait3A_111] : memref<32x80x128xi32, #tpu.memory_space<hbm>> -> memref<1x16x128xi32, #tpu.memory_space<hbm>>
      %dma_wait3A_113 = tpu.memref_squeeze %dma_wait3A_112 : memref<1x16x128xi32, #tpu.memory_space<hbm>> -> memref<16x128xi32, #tpu.memory_space<hbm>>
      %dma_wait3A_114 = arith.constant 64 : i32
      %dma_wait3A_115 = arith.constant 0 : i32
      %dma_wait3A_116 = tpu.memref_slice %arg3[%add3A, %dma_wait3A_114, %dma_wait3A_115] : memref<32x80x128xi32, #tpu.memory_space<hbm>> -> memref<1x16x128xi32, #tpu.memory_space<hbm>>
      %dma_wait3A_117 = tpu.memref_squeeze %dma_wait3A_116 : memref<1x16x128xi32, #tpu.memory_space<hbm>> -> memref<16x128xi32, #tpu.memory_space<hbm>>
      tpu.wait_dma2 semaphore(%run_scoped3A_101 : memref<!tpu.dma_semaphore, #tpu.memory_space<semaphore_mem>>) src(%dma_wait3A_117 : memref<16x128xi32, #tpu.memory_space<hbm>>) dst(%arg10 : memref<16x128xi32, #tpu.memory_space<vmem>>)
      tpu.yield
    }) : () -> ()
    %dma_start3A_76 = arith.constant 0 : i32
    %dma_start3A_77 = arith.constant 0 : i32
    %dma_start3A_78 = arith.constant 0 : i32
    %dma_start3A_79 = arith.constant 0 : i32
    %dma_start3A_80 = tpu.memref_slice %arg11[%dma_start3A_77, %dma_start3A_78, %dma_start3A_79] : memref<2x128x128xf32, #tpu.memory_space<vmem>> -> memref<1x128x128xf32, #tpu.memory_space<vmem>>
    %dma_start3A_81 = tpu.memref_squeeze %dma_start3A_80 : memref<1x128x128xf32, #tpu.memory_space<vmem>> -> memref<128x128xf32, #tpu.memory_space<vmem>>
    %dma_start3A_82 = arith.constant 0 : i32
    %dma_start3A_83 = tpu.memref_slice %arg9[%dma_start3A_76, %dma_start3A_82] : memref<16x128xi32, #tpu.memory_space<vmem>> -> memref<1x128xi32, #tpu.memory_space<vmem>>
    %dma_start3A_84 = tpu.memref_squeeze %dma_start3A_83 : memref<1x128xi32, #tpu.memory_space<vmem>> -> memref<128xi32, #tpu.memory_space<vmem>>
    %dma_start3A_85 = arith.constant 0 : i32
    %dma_start3A_86 = arith.constant 0 : i32
    %dma_start3A_87 = tpu.memref_slice %arg4[%dma_start3A_85, %dma_start3A_86] : memref<10000x128xf32, #tpu.memory_space<hbm>> -> memref<10000x128xf32, #tpu.memory_space<hbm>>
    tpu.enqueue_indirect_dma source(%dma_start3A_87 : memref<10000x128xf32, #tpu.memory_space<hbm>>) target(%dma_start3A_81 : memref<128x128xf32, #tpu.memory_space<vmem>>) offsets(%dma_start3A_84 : memref<128xi32, #tpu.memory_space<vmem>>) semaphore(%arg14 : memref<!tpu.dma_semaphore, #tpu.memory_space<semaphore_mem>>)
    %scan3A_88 = arith.constant 0 : i32
    %scan3A_89 = arith.constant 0 : i32
    %scan3A_90 = arith.constant 8 : i32
    %scan3A_91 = arith.addi %scan3A_89, %scan3A_90 : i32
    %scan3A_92 = arith.constant 1 : i32
    scf.for %scan3A_101 = %scan3A_89 to %scan3A_91 step %scan3A_92  : i32 {
      %mul3A_102 = arith.constant 2 : i32
      %mul3A_103 = arith.muli %mul3A_102, %scan3A_101 : i32
      %add3A_104 = arith.constant 1 : i32
      %add3A_105 = arith.addi %mul3A_103, %add3A_104 : i32
      %dma_start3A_106 = arith.constant 1 : i32
      %dma_start3A_107 = arith.constant 0 : i32
      %dma_start3A_108 = arith.constant 0 : i32
      %dma_start3A_109 = tpu.memref_slice %arg11[%dma_start3A_106, %dma_start3A_107, %dma_start3A_108] : memref<2x128x128xf32, #tpu.memory_space<vmem>> -> memref<1x128x128xf32, #tpu.memory_space<vmem>>
      %dma_start3A_110 = tpu.memref_squeeze %dma_start3A_109 : memref<1x128x128xf32, #tpu.memory_space<vmem>> -> memref<128x128xf32, #tpu.memory_space<vmem>>
      %dma_start3A_111 = arith.constant 0 : i32
      %dma_start3A_112 = tpu.memref_slice %arg9[%add3A_105, %dma_start3A_111] : memref<16x128xi32, #tpu.memory_space<vmem>> -> memref<1x128xi32, #tpu.memory_space<vmem>>
      %dma_start3A_113 = tpu.memref_squeeze %dma_start3A_112 : memref<1x128xi32, #tpu.memory_space<vmem>> -> memref<128xi32, #tpu.memory_space<vmem>>
      %dma_start3A_114 = arith.constant 0 : i32
      %dma_start3A_115 = arith.constant 0 : i32
      %dma_start3A_116 = tpu.memref_slice %arg4[%dma_start3A_114, %dma_start3A_115] : memref<10000x128xf32, #tpu.memory_space<hbm>> -> memref<10000x128xf32, #tpu.memory_space<hbm>>
      tpu.enqueue_indirect_dma source(%dma_start3A_116 : memref<10000x128xf32, #tpu.memory_space<hbm>>) target(%dma_start3A_110 : memref<128x128xf32, #tpu.memory_space<vmem>>) offsets(%dma_start3A_113 : memref<128xi32, #tpu.memory_space<vmem>>) semaphore(%arg15 : memref<!tpu.dma_semaphore, #tpu.memory_space<semaphore_mem>>)
      %dma_wait3A_117 = arith.constant 0 : i32
      %dma_wait3A_118 = arith.constant 0 : i32
      %dma_wait3A_119 = arith.constant 0 : i32
      %dma_wait3A_120 = tpu.memref_slice %arg11[%dma_wait3A_117, %dma_wait3A_118, %dma_wait3A_119] : memref<2x128x128xf32, #tpu.memory_space<vmem>> -> memref<1x128x128xf32, #tpu.memory_space<vmem>>
      %dma_wait3A_121 = tpu.memref_squeeze %dma_wait3A_120 : memref<1x128x128xf32, #tpu.memory_space<vmem>> -> memref<128x128xf32, #tpu.memory_space<vmem>>
      %dma_wait3A_122 = arith.constant 0 : i32
      %dma_wait3A_123 = tpu.memref_slice %arg9[%mul3A_103, %dma_wait3A_122] : memref<16x128xi32, #tpu.memory_space<vmem>> -> memref<1x128xi32, #tpu.memory_space<vmem>>
      %dma_wait3A_124 = tpu.memref_squeeze %dma_wait3A_123 : memref<1x128xi32, #tpu.memory_space<vmem>> -> memref<128xi32, #tpu.memory_space<vmem>>
      %dma_wait3A_125 = arith.constant 0 : i32
      %dma_wait3A_126 = arith.constant 0 : i32
      %dma_wait3A_127 = tpu.memref_slice %arg4[%dma_wait3A_125, %dma_wait3A_126] : memref<10000x128xf32, #tpu.memory_space<hbm>> -> memref<10000x128xf32, #tpu.memory_space<hbm>>
      tpu.wait_indirect_dma semaphore(%arg14 : memref<!tpu.dma_semaphore, #tpu.memory_space<semaphore_mem>>) src(%dma_wait3A_127 : memref<10000x128xf32, #tpu.memory_space<hbm>>) dst(%dma_wait3A_121 : memref<128x128xf32, #tpu.memory_space<vmem>>)
      %dma_start3A_128 = arith.constant 0 : i32
      %dma_start3A_129 = arith.constant 0 : i32
      %dma_start3A_130 = arith.constant 0 : i32
      %dma_start3A_131 = tpu.memref_slice %arg11[%dma_start3A_128, %dma_start3A_129, %dma_start3A_130] : memref<2x128x128xf32, #tpu.memory_space<vmem>> -> memref<1x128x128xf32, #tpu.memory_space<vmem>>
      %dma_start3A_132 = tpu.memref_squeeze %dma_start3A_131 : memref<1x128x128xf32, #tpu.memory_space<vmem>> -> memref<128x128xf32, #tpu.memory_space<vmem>>
      %dma_start3A_133 = arith.constant 0 : i32
      %dma_start3A_134 = tpu.memref_slice %arg10[%mul3A_103, %dma_start3A_133] : memref<16x128xi32, #tpu.memory_space<vmem>> -> memref<1x128xi32, #tpu.memory_space<vmem>>
      %dma_start3A_135 = tpu.memref_squeeze %dma_start3A_134 : memref<1x128xi32, #tpu.memory_space<vmem>> -> memref<128xi32, #tpu.memory_space<vmem>>
      %dma_start3A_136 = arith.constant 0 : i32
      %dma_start3A_137 = arith.constant 0 : i32
      %dma_start3A_138 = tpu.memref_slice %arg13[%dma_start3A_136, %dma_start3A_137] : memref<10112x128xf32, #tpu.memory_space<vmem_shared>> -> memref<10112x128xf32, #tpu.memory_space<vmem_shared>>
      tpu.enqueue_indirect_dma source(%dma_start3A_132 : memref<128x128xf32, #tpu.memory_space<vmem>>) target(%dma_start3A_138 : memref<10112x128xf32, #tpu.memory_space<vmem_shared>>) offsets(%dma_start3A_135 : memref<128xi32, #tpu.memory_space<vmem>>) semaphore(%arg16 : memref<!tpu.dma_semaphore, #tpu.memory_space<semaphore_mem>>) {add = true}
      %get3A = arith.index_cast %mul3A_103 : i32 to index
      %get3A_139 = arith.constant 0 : index
      %get3A_140 = tpu.vector_load %arg10[%get3A, %get3A_139] {strides = array<i32>} : memref<16x128xi32, #tpu.memory_space<vmem>>, vector<16xi32>,
      %broadcast_in_dim3A = arith.constant 1.000000e+00 : f32
      %broadcast_in_dim3A_141 = vector.broadcast %broadcast_in_dim3A : f32 to vector<16xf32>
      tpu.vector_store_idx %arg12[%get3A_140], %broadcast_in_dim3A_141 {add = true} : memref<10240xf32, #tpu.memory_space<vmem>>[vector<16xi32>], vector<16xf32>,
      %get3A_142 = arith.index_cast %mul3A_103 : i32 to index
      %get3A_143 = arith.constant 16 : index
      %get3A_144 = tpu.vector_load %arg10[%get3A_142, %get3A_143] {strides = array<i32>} : memref<16x128xi32, #tpu.memory_space<vmem>>, vector<16xi32>,
      %broadcast_in_dim3A_145 = arith.constant 1.000000e+00 : f32
      %broadcast_in_dim3A_146 = vector.broadcast %broadcast_in_dim3A_145 : f32 to vector<16xf32>
      tpu.vector_store_idx %arg12[%get3A_144], %broadcast_in_dim3A_146 {add = true} : memref<10240xf32, #tpu.memory_space<vmem>>[vector<16xi32>], vector<16xf32>,
      %get3A_147 = arith.index_cast %mul3A_103 : i32 to index
      %get3A_148 = arith.constant 32 : index
      %get3A_149 = tpu.vector_load %arg10[%get3A_147, %get3A_148] {strides = array<i32>} : memref<16x128xi32, #tpu.memory_space<vmem>>, vector<16xi32>,
      %broadcast_in_dim3A_150 = arith.constant 1.000000e+00 : f32
      %broadcast_in_dim3A_151 = vector.broadcast %broadcast_in_dim3A_150 : f32 to vector<16xf32>
      tpu.vector_store_idx %arg12[%get3A_149], %broadcast_in_dim3A_151 {add = true} : memref<10240xf32, #tpu.memory_space<vmem>>[vector<16xi32>], vector<16xf32>,
      %get3A_152 = arith.index_cast %mul3A_103 : i32 to index
      %get3A_153 = arith.constant 48 : index
      %get3A_154 = tpu.vector_load %arg10[%get3A_152, %get3A_153] {strides = array<i32>} : memref<16x128xi32, #tpu.memory_space<vmem>>, vector<16xi32>,
      %broadcast_in_dim3A_155 = arith.constant 1.000000e+00 : f32
      %broadcast_in_dim3A_156 = vector.broadcast %broadcast_in_dim3A_155 : f32 to vector<16xf32>
      tpu.vector_store_idx %arg12[%get3A_154], %broadcast_in_dim3A_156 {add = true} : memref<10240xf32, #tpu.memory_space<vmem>>[vector<16xi32>], vector<16xf32>,
      %get3A_157 = arith.index_cast %mul3A_103 : i32 to index
      %get3A_158 = arith.constant 64 : index
      %get3A_159 = tpu.vector_load %arg10[%get3A_157, %get3A_158] {strides = array<i32>} : memref<16x128xi32, #tpu.memory_space<vmem>>, vector<16xi32>,
      %broadcast_in_dim3A_160 = arith.constant 1.000000e+00 : f32
      %broadcast_in_dim3A_161 = vector.broadcast %broadcast_in_dim3A_160 : f32 to vector<16xf32>
      tpu.vector_store_idx %arg12[%get3A_159], %broadcast_in_dim3A_161 {add = true} : memref<10240xf32, #tpu.memory_space<vmem>>[vector<16xi32>], vector<16xf32>,
      %get3A_162 = arith.index_cast %mul3A_103 : i32 to index
      %get3A_163 = arith.constant 80 : index
      %get3A_164 = tpu.vector_load %arg10[%get3A_162, %get3A_163] {strides = array<i32>} : memref<16x128xi32, #tpu.memory_space<vmem>>, vector<16xi32>,
      %broadcast_in_dim3A_165 = arith.constant 1.000000e+00 : f32
      %broadcast_in_dim3A_166 = vector.broadcast %broadcast_in_dim3A_165 : f32 to vector<16xf32>
      tpu.vector_store_idx %arg12[%get3A_164], %broadcast_in_dim3A_166 {add = true} : memref<10240xf32, #tpu.memory_space<vmem>>[vector<16xi32>], vector<16xf32>,
      %get3A_167 = arith.index_cast %mul3A_103 : i32 to index
      %get3A_168 = arith.constant 96 : index
      %get3A_169 = tpu.vector_load %arg10[%get3A_167, %get3A_168] {strides = array<i32>} : memref<16x128xi32, #tpu.memory_space<vmem>>, vector<16xi32>,
      %broadcast_in_dim3A_170 = arith.constant 1.000000e+00 : f32
      %broadcast_in_dim3A_171 = vector.broadcast %broadcast_in_dim3A_170 : f32 to vector<16xf32>
      tpu.vector_store_idx %arg12[%get3A_169], %broadcast_in_dim3A_171 {add = true} : memref<10240xf32, #tpu.memory_space<vmem>>[vector<16xi32>], vector<16xf32>,
      %get3A_172 = arith.index_cast %mul3A_103 : i32 to index
      %get3A_173 = arith.constant 112 : index
      %get3A_174 = tpu.vector_load %arg10[%get3A_172, %get3A_173] {strides = array<i32>} : memref<16x128xi32, #tpu.memory_space<vmem>>, vector<16xi32>,
      %broadcast_in_dim3A_175 = arith.constant 1.000000e+00 : f32
      %broadcast_in_dim3A_176 = vector.broadcast %broadcast_in_dim3A_175 : f32 to vector<16xf32>
      tpu.vector_store_idx %arg12[%get3A_174], %broadcast_in_dim3A_176 {add = true} : memref<10240xf32, #tpu.memory_space<vmem>>[vector<16xi32>], vector<16xf32>,
      %dma_wait3A_177 = arith.constant 0 : i32
      %dma_wait3A_178 = arith.constant 0 : i32
      %dma_wait3A_179 = arith.constant 0 : i32
      %dma_wait3A_180 = tpu.memref_slice %arg11[%dma_wait3A_177, %dma_wait3A_178, %dma_wait3A_179] : memref<2x128x128xf32, #tpu.memory_space<vmem>> -> memref<1x128x128xf32, #tpu.memory_space<vmem>>
      %dma_wait3A_181 = tpu.memref_squeeze %dma_wait3A_180 : memref<1x128x128xf32, #tpu.memory_space<vmem>> -> memref<128x128xf32, #tpu.memory_space<vmem>>
      %dma_wait3A_182 = arith.constant 0 : i32
      %dma_wait3A_183 = tpu.memref_slice %arg10[%mul3A_103, %dma_wait3A_182] : memref<16x128xi32, #tpu.memory_space<vmem>> -> memref<1x128xi32, #tpu.memory_space<vmem>>
      %dma_wait3A_184 = tpu.memref_squeeze %dma_wait3A_183 : memref<1x128xi32, #tpu.memory_space<vmem>> -> memref<128xi32, #tpu.memory_space<vmem>>
      %dma_wait3A_185 = arith.constant 0 : i32
      %dma_wait3A_186 = arith.constant 0 : i32
      %dma_wait3A_187 = tpu.memref_slice %arg13[%dma_wait3A_185, %dma_wait3A_186] : memref<10112x128xf32, #tpu.memory_space<vmem_shared>> -> memref<10112x128xf32, #tpu.memory_space<vmem_shared>>
      tpu.wait_indirect_dma semaphore(%arg16 : memref<!tpu.dma_semaphore, #tpu.memory_space<semaphore_mem>>) src(%dma_wait3A_181 : memref<128x128xf32, #tpu.memory_space<vmem>>) dst(%dma_wait3A_187 : memref<10112x128xf32, #tpu.memory_space<vmem_shared>>)
      %add3A_188 = arith.constant 2 : i32
      %add3A_189 = arith.addi %mul3A_103, %add3A_188 : i32
      %lt3A_190 = arith.constant 16 : i32
      %lt3A_191 = arith.cmpi slt, %add3A_189, %lt3A_190 : i32
      %convert_element_type3A_192 = arith.extui %lt3A_191 : i1 to i32
      %cond3A_193 = arith.constant 0 : i32
      %cond3A_194 = arith.cmpi ne, %convert_element_type3A_192, %cond3A_193 : i32
      scf.if %cond3A_194 {
        %add3A_272 = arith.constant 2 : i32
        %add3A_273 = arith.addi %mul3A_103, %add3A_272 : i32
        %dma_start3A_274 = arith.constant 0 : i32
        %dma_start3A_275 = arith.constant 0 : i32
        %dma_start3A_276 = arith.constant 0 : i32
        %dma_start3A_277 = tpu.memref_slice %arg11[%dma_start3A_274, %dma_start3A_275, %dma_start3A_276] : memref<2x128x128xf32, #tpu.memory_space<vmem>> -> memref<1x128x128xf32, #tpu.memory_space<vmem>>
        %dma_start3A_278 = tpu.memref_squeeze %dma_start3A_277 : memref<1x128x128xf32, #tpu.memory_space<vmem>> -> memref<128x128xf32, #tpu.memory_space<vmem>>
        %dma_start3A_279 = arith.constant 0 : i32
        %dma_start3A_280 = tpu.memref_slice %arg9[%add3A_273, %dma_start3A_279] : memref<16x128xi32, #tpu.memory_space<vmem>> -> memref<1x128xi32, #tpu.memory_space<vmem>>
        %dma_start3A_281 = tpu.memref_squeeze %dma_start3A_280 : memref<1x128xi32, #tpu.memory_space<vmem>> -> memref<128xi32, #tpu.memory_space<vmem>>
        %dma_start3A_282 = arith.constant 0 : i32
        %dma_start3A_283 = arith.constant 0 : i32
        %dma_start3A_284 = tpu.memref_slice %arg4[%dma_start3A_282, %dma_start3A_283] : memref<10000x128xf32, #tpu.memory_space<hbm>> -> memref<10000x128xf32, #tpu.memory_space<hbm>>
        tpu.enqueue_indirect_dma source(%dma_start3A_284 : memref<10000x128xf32, #tpu.memory_space<hbm>>) target(%dma_start3A_278 : memref<128x128xf32, #tpu.memory_space<vmem>>) offsets(%dma_start3A_281 : memref<128xi32, #tpu.memory_space<vmem>>) semaphore(%arg14 : memref<!tpu.dma_semaphore, #tpu.memory_space<semaphore_mem>>)
      } else {
      }
      %add3A_195 = arith.constant 1 : i32
      %add3A_196 = arith.addi %mul3A_103, %add3A_195 : i32
      %dma_wait3A_197 = arith.constant 1 : i32
      %dma_wait3A_198 = arith.constant 0 : i32
      %dma_wait3A_199 = arith.constant 0 : i32
      %dma_wait3A_200 = tpu.memref_slice %arg11[%dma_wait3A_197, %dma_wait3A_198, %dma_wait3A_199] : memref<2x128x128xf32, #tpu.memory_space<vmem>> -> memref<1x128x128xf32, #tpu.memory_space<vmem>>
      %dma_wait3A_201 = tpu.memref_squeeze %dma_wait3A_200 : memref<1x128x128xf32, #tpu.memory_space<vmem>> -> memref<128x128xf32, #tpu.memory_space<vmem>>
      %dma_wait3A_202 = arith.constant 0 : i32
      %dma_wait3A_203 = tpu.memref_slice %arg9[%add3A_196, %dma_wait3A_202] : memref<16x128xi32, #tpu.memory_space<vmem>> -> memref<1x128xi32, #tpu.memory_space<vmem>>
      %dma_wait3A_204 = tpu.memref_squeeze %dma_wait3A_203 : memref<1x128xi32, #tpu.memory_space<vmem>> -> memref<128xi32, #tpu.memory_space<vmem>>
      %dma_wait3A_205 = arith.constant 0 : i32
      %dma_wait3A_206 = arith.constant 0 : i32
      %dma_wait3A_207 = tpu.memref_slice %arg4[%dma_wait3A_205, %dma_wait3A_206] : memref<10000x128xf32, #tpu.memory_space<hbm>> -> memref<10000x128xf32, #tpu.memory_space<hbm>>
      tpu.wait_indirect_dma semaphore(%arg15 : memref<!tpu.dma_semaphore, #tpu.memory_space<semaphore_mem>>) src(%dma_wait3A_207 : memref<10000x128xf32, #tpu.memory_space<hbm>>) dst(%dma_wait3A_201 : memref<128x128xf32, #tpu.memory_space<vmem>>)
      %add3A_208 = arith.constant 1 : i32
      %add3A_209 = arith.addi %mul3A_103, %add3A_208 : i32
      %dma_start3A_210 = arith.constant 1 : i32
      %dma_start3A_211 = arith.constant 0 : i32
      %dma_start3A_212 = arith.constant 0 : i32
      %dma_start3A_213 = tpu.memref_slice %arg11[%dma_start3A_210, %dma_start3A_211, %dma_start3A_212] : memref<2x128x128xf32, #tpu.memory_space<vmem>> -> memref<1x128x128xf32, #tpu.memory_space<vmem>>
      %dma_start3A_214 = tpu.memref_squeeze %dma_start3A_213 : memref<1x128x128xf32, #tpu.memory_space<vmem>> -> memref<128x128xf32, #tpu.memory_space<vmem>>
      %dma_start3A_215 = arith.constant 0 : i32
      %dma_start3A_216 = tpu.memref_slice %arg10[%add3A_209, %dma_start3A_215] : memref<16x128xi32, #tpu.memory_space<vmem>> -> memref<1x128xi32, #tpu.memory_space<vmem>>
      %dma_start3A_217 = tpu.memref_squeeze %dma_start3A_216 : memref<1x128xi32, #tpu.memory_space<vmem>> -> memref<128xi32, #tpu.memory_space<vmem>>
      %dma_start3A_218 = arith.constant 0 : i32
      %dma_start3A_219 = arith.constant 0 : i32
      %dma_start3A_220 = tpu.memref_slice %arg13[%dma_start3A_218, %dma_start3A_219] : memref<10112x128xf32, #tpu.memory_space<vmem_shared>> -> memref<10112x128xf32, #tpu.memory_space<vmem_shared>>
      tpu.enqueue_indirect_dma source(%dma_start3A_214 : memref<128x128xf32, #tpu.memory_space<vmem>>) target(%dma_start3A_220 : memref<10112x128xf32, #tpu.memory_space<vmem_shared>>) offsets(%dma_start3A_217 : memref<128xi32, #tpu.memory_space<vmem>>) semaphore(%arg16 : memref<!tpu.dma_semaphore, #tpu.memory_space<semaphore_mem>>) {add = true}
      %get3A_221 = arith.index_cast %add3A_209 : i32 to index
      %get3A_222 = arith.constant 0 : index
      %get3A_223 = tpu.vector_load %arg10[%get3A_221, %get3A_222] {strides = array<i32>} : memref<16x128xi32, #tpu.memory_space<vmem>>, vector<16xi32>,
      %broadcast_in_dim3A_224 = arith.constant 1.000000e+00 : f32
      %broadcast_in_dim3A_225 = vector.broadcast %broadcast_in_dim3A_224 : f32 to vector<16xf32>
      tpu.vector_store_idx %arg12[%get3A_223], %broadcast_in_dim3A_225 {add = true} : memref<10240xf32, #tpu.memory_space<vmem>>[vector<16xi32>], vector<16xf32>,
      %get3A_226 = arith.index_cast %add3A_209 : i32 to index
      %get3A_227 = arith.constant 16 : index
      %get3A_228 = tpu.vector_load %arg10[%get3A_226, %get3A_227] {strides = array<i32>} : memref<16x128xi32, #tpu.memory_space<vmem>>, vector<16xi32>,
      %broadcast_in_dim3A_229 = arith.constant 1.000000e+00 : f32
      %broadcast_in_dim3A_230 = vector.broadcast %broadcast_in_dim3A_229 : f32 to vector<16xf32>
      tpu.vector_store_idx %arg12[%get3A_228], %broadcast_in_dim3A_230 {add = true} : memref<10240xf32, #tpu.memory_space<vmem>>[vector<16xi32>], vector<16xf32>,
      %get3A_231 = arith.index_cast %add3A_209 : i32 to index
      %get3A_232 = arith.constant 32 : index
      %get3A_233 = tpu.vector_load %arg10[%get3A_231, %get3A_232] {strides = array<i32>} : memref<16x128xi32, #tpu.memory_space<vmem>>, vector<16xi32>,
      %broadcast_in_dim3A_234 = arith.constant 1.000000e+00 : f32
      %broadcast_in_dim3A_235 = vector.broadcast %broadcast_in_dim3A_234 : f32 to vector<16xf32>
      tpu.vector_store_idx %arg12[%get3A_233], %broadcast_in_dim3A_235 {add = true} : memref<10240xf32, #tpu.memory_space<vmem>>[vector<16xi32>], vector<16xf32>,
      %get3A_236 = arith.index_cast %add3A_209 : i32 to index
      %get3A_237 = arith.constant 48 : index
      %get3A_238 = tpu.vector_load %arg10[%get3A_236, %get3A_237] {strides = array<i32>} : memref<16x128xi32, #tpu.memory_space<vmem>>, vector<16xi32>,
      %broadcast_in_dim3A_239 = arith.constant 1.000000e+00 : f32
      %broadcast_in_dim3A_240 = vector.broadcast %broadcast_in_dim3A_239 : f32 to vector<16xf32>
      tpu.vector_store_idx %arg12[%get3A_238], %broadcast_in_dim3A_240 {add = true} : memref<10240xf32, #tpu.memory_space<vmem>>[vector<16xi32>], vector<16xf32>,
      %get3A_241 = arith.index_cast %add3A_209 : i32 to index
      %get3A_242 = arith.constant 64 : index
      %get3A_243 = tpu.vector_load %arg10[%get3A_241, %get3A_242] {strides = array<i32>} : memref<16x128xi32, #tpu.memory_space<vmem>>, vector<16xi32>,
      %broadcast_in_dim3A_244 = arith.constant 1.000000e+00 : f32
      %broadcast_in_dim3A_245 = vector.broadcast %broadcast_in_dim3A_244 : f32 to vector<16xf32>
      tpu.vector_store_idx %arg12[%get3A_243], %broadcast_in_dim3A_245 {add = true} : memref<10240xf32, #tpu.memory_space<vmem>>[vector<16xi32>], vector<16xf32>,
      %get3A_246 = arith.index_cast %add3A_209 : i32 to index
      %get3A_247 = arith.constant 80 : index
      %get3A_248 = tpu.vector_load %arg10[%get3A_246, %get3A_247] {strides = array<i32>} : memref<16x128xi32, #tpu.memory_space<vmem>>, vector<16xi32>,
      %broadcast_in_dim3A_249 = arith.constant 1.000000e+00 : f32
      %broadcast_in_dim3A_250 = vector.broadcast %broadcast_in_dim3A_249 : f32 to vector<16xf32>
      tpu.vector_store_idx %arg12[%get3A_248], %broadcast_in_dim3A_250 {add = true} : memref<10240xf32, #tpu.memory_space<vmem>>[vector<16xi32>], vector<16xf32>,
      %get3A_251 = arith.index_cast %add3A_209 : i32 to index
      %get3A_252 = arith.constant 96 : index
      %get3A_253 = tpu.vector_load %arg10[%get3A_251, %get3A_252] {strides = array<i32>} : memref<16x128xi32, #tpu.memory_space<vmem>>, vector<16xi32>,
      %broadcast_in_dim3A_254 = arith.constant 1.000000e+00 : f32
      %broadcast_in_dim3A_255 = vector.broadcast %broadcast_in_dim3A_254 : f32 to vector<16xf32>
      tpu.vector_store_idx %arg12[%get3A_253], %broadcast_in_dim3A_255 {add = true} : memref<10240xf32, #tpu.memory_space<vmem>>[vector<16xi32>], vector<16xf32>,
      %get3A_256 = arith.index_cast %add3A_209 : i32 to index
      %get3A_257 = arith.constant 112 : index
      %get3A_258 = tpu.vector_load %arg10[%get3A_256, %get3A_257] {strides = array<i32>} : memref<16x128xi32, #tpu.memory_space<vmem>>, vector<16xi32>,
      %broadcast_in_dim3A_259 = arith.constant 1.000000e+00 : f32
      %broadcast_in_dim3A_260 = vector.broadcast %broadcast_in_dim3A_259 : f32 to vector<16xf32>
      tpu.vector_store_idx %arg12[%get3A_258], %broadcast_in_dim3A_260 {add = true} : memref<10240xf32, #tpu.memory_space<vmem>>[vector<16xi32>], vector<16xf32>,
      %dma_wait3A_261 = arith.constant 1 : i32
      %dma_wait3A_262 = arith.constant 0 : i32
      %dma_wait3A_263 = arith.constant 0 : i32
      %dma_wait3A_264 = tpu.memref_slice %arg11[%dma_wait3A_261, %dma_wait3A_262, %dma_wait3A_263] : memref<2x128x128xf32, #tpu.memory_space<vmem>> -> memref<1x128x128xf32, #tpu.memory_space<vmem>>
      %dma_wait3A_265 = tpu.memref_squeeze %dma_wait3A_264 : memref<1x128x128xf32, #tpu.memory_space<vmem>> -> memref<128x128xf32, #tpu.memory_space<vmem>>
      %dma_wait3A_266 = arith.constant 0 : i32
      %dma_wait3A_267 = tpu.memref_slice %arg10[%add3A_209, %dma_wait3A_266] : memref<16x128xi32, #tpu.memory_space<vmem>> -> memref<1x128xi32, #tpu.memory_space<vmem>>
      %dma_wait3A_268 = tpu.memref_squeeze %dma_wait3A_267 : memref<1x128xi32, #tpu.memory_space<vmem>> -> memref<128xi32, #tpu.memory_space<vmem>>
      %dma_wait3A_269 = arith.constant 0 : i32
      %dma_wait3A_270 = arith.constant 0 : i32
      %dma_wait3A_271 = tpu.memref_slice %arg13[%dma_wait3A_269, %dma_wait3A_270] : memref<10112x128xf32, #tpu.memory_space<vmem_shared>> -> memref<10112x128xf32, #tpu.memory_space<vmem_shared>>
      tpu.wait_indirect_dma semaphore(%arg16 : memref<!tpu.dma_semaphore, #tpu.memory_space<semaphore_mem>>) src(%dma_wait3A_265 : memref<128x128xf32, #tpu.memory_space<vmem>>) dst(%dma_wait3A_271 : memref<10112x128xf32, #tpu.memory_space<vmem_shared>>)
    }
    %scan3A_93 = arith.constant 8 : i32
    %barrier3A_94 = arith.constant 0 : index
    tpu.barrier barrier_id(%barrier3A_94)
    %lt3A = arith.constant 15 : i32
    %lt3A_95 = arith.cmpi slt, %arg1, %lt3A : i32
    %convert_element_type3A = arith.extui %lt3A_95 : i1 to i32
    %cond3A = arith.constant 0 : i32
    %cond3A_96 = arith.cmpi ne, %convert_element_type3A, %cond3A : i32
    scf.if %cond3A_96 {
      "tpu.region"() ({
        %run_scoped3A_101 = tpu.sem_alloc : memref<!tpu.dma_semaphore, #tpu.memory_space<semaphore_mem>>
        %dma_start3A_102 = arith.constant 0 : i32
        %dma_start3A_103 = tpu.memref_slice %arg7[%arg0, %multiple_of3A, %dma_start3A_102] : memref<2x10000x128xf32, #tpu.memory_space<hbm>> -> memref<1x632x128xf32, #tpu.memory_space<hbm>>
        %dma_start3A_104 = tpu.memref_squeeze %dma_start3A_103 : memref<1x632x128xf32, #tpu.memory_space<hbm>> -> memref<632x128xf32, #tpu.memory_space<hbm>>
        %dma_start3A_105 = arith.constant 0 : i32
        %dma_start3A_106 = tpu.memref_slice %arg13[%multiple_of3A, %dma_start3A_105] : memref<10112x128xf32, #tpu.memory_space<vmem_shared>> -> memref<632x128xf32, #tpu.memory_space<vmem_shared>>
        tpu.enqueue_dma source(%dma_start3A_106 : memref<632x128xf32, #tpu.memory_space<vmem_shared>>) target(%dma_start3A_104 : memref<632x128xf32, #tpu.memory_space<hbm>>) target_semaphore(%run_scoped3A_101 : memref<!tpu.dma_semaphore, #tpu.memory_space<semaphore_mem>>)
        %dma_wait3A_107 = arith.constant 0 : i32
        %dma_wait3A_108 = tpu.memref_slice %arg7[%arg0, %multiple_of3A, %dma_wait3A_107] : memref<2x10000x128xf32, #tpu.memory_space<hbm>> -> memref<1x632x128xf32, #tpu.memory_space<hbm>>
        %dma_wait3A_109 = tpu.memref_squeeze %dma_wait3A_108 : memref<1x632x128xf32, #tpu.memory_space<hbm>> -> memref<632x128xf32, #tpu.memory_space<hbm>>
        %dma_wait3A_110 = arith.constant 0 : i32
        %dma_wait3A_111 = tpu.memref_slice %arg13[%multiple_of3A, %dma_wait3A_110] : memref<10112x128xf32, #tpu.memory_space<vmem_shared>> -> memref<632x128xf32, #tpu.memory_space<vmem_shared>>
        tpu.wait_dma2 semaphore(%run_scoped3A_101 : memref<!tpu.dma_semaphore, #tpu.memory_space<semaphore_mem>>) src(%dma_wait3A_111 : memref<632x128xf32, #tpu.memory_space<vmem_shared>>) dst(%dma_wait3A_109 : memref<632x128xf32, #tpu.memory_space<hbm>>)
        tpu.yield
      }) : () -> ()
    } else {
    }
    %eq3A = arith.constant 15 : i32
    %eq3A_97 = arith.cmpi eq, %arg1, %eq3A : i32
    %convert_element_type3A_98 = arith.extui %eq3A_97 : i1 to i32
    %cond3A_99 = arith.constant 0 : i32
    %cond3A_100 = arith.cmpi ne, %convert_element_type3A_98, %cond3A_99 : i32
    scf.if %cond3A_100 {
      "tpu.region"() ({
        %run_scoped3A_101 = tpu.sem_alloc : memref<!tpu.dma_semaphore, #tpu.memory_space<semaphore_mem>>
        %dma_start3A_102 = arith.constant 9480 : i32
        %dma_start3A_103 = arith.constant 0 : i32
        %dma_start3A_104 = tpu.memref_slice %arg7[%arg0, %dma_start3A_102, %dma_start3A_103] : memref<2x10000x128xf32, #tpu.memory_space<hbm>> -> memref<1x520x128xf32, #tpu.memory_space<hbm>>
        %dma_start3A_105 = tpu.memref_squeeze %dma_start3A_104 : memref<1x520x128xf32, #tpu.memory_space<hbm>> -> memref<520x128xf32, #tpu.memory_space<hbm>>
        %dma_start3A_106 = arith.constant 9480 : i32
        %dma_start3A_107 = arith.constant 0 : i32
        %dma_start3A_108 = tpu.memref_slice %arg13[%dma_start3A_106, %dma_start3A_107] : memref<10112x128xf32, #tpu.memory_space<vmem_shared>> -> memref<520x128xf32, #tpu.memory_space<vmem_shared>>
        tpu.enqueue_dma source(%dma_start3A_108 : memref<520x128xf32, #tpu.memory_space<vmem_shared>>) target(%dma_start3A_105 : memref<520x128xf32, #tpu.memory_space<hbm>>) target_semaphore(%run_scoped3A_101 : memref<!tpu.dma_semaphore, #tpu.memory_space<semaphore_mem>>)
        %dma_wait3A_109 = arith.constant 9480 : i32
        %dma_wait3A_110 = arith.constant 0 : i32
        %dma_wait3A_111 = tpu.memref_slice %arg7[%arg0, %dma_wait3A_109, %dma_wait3A_110] : memref<2x10000x128xf32, #tpu.memory_space<hbm>> -> memref<1x520x128xf32, #tpu.memory_space<hbm>>
        %dma_wait3A_112 = tpu.memref_squeeze %dma_wait3A_111 : memref<1x520x128xf32, #tpu.memory_space<hbm>> -> memref<520x128xf32, #tpu.memory_space<hbm>>
        %dma_wait3A_113 = arith.constant 9480 : i32
        %dma_wait3A_114 = arith.constant 0 : i32
        %dma_wait3A_115 = tpu.memref_slice %arg13[%dma_wait3A_113, %dma_wait3A_114] : memref<10112x128xf32, #tpu.memory_space<vmem_shared>> -> memref<520x128xf32, #tpu.memory_space<vmem_shared>>
        tpu.wait_dma2 semaphore(%run_scoped3A_101 : memref<!tpu.dma_semaphore, #tpu.memory_space<semaphore_mem>>) src(%dma_wait3A_115 : memref<520x128xf32, #tpu.memory_space<vmem_shared>>) dst(%dma_wait3A_112 : memref<520x128xf32, #tpu.memory_space<hbm>>)
        tpu.yield
      }) : () -> ()
    } else {
    }
    %run_scoped3A = arith.constant 0 : i32
    "tpu.region"() ({
      %run_scoped3A_101 = tpu.sem_alloc : memref<!tpu.dma_semaphore, #tpu.memory_space<semaphore_mem>>
      %dma_start3A_102 = arith.constant 0 : i32
      %dma_start3A_103 = tpu.memref_slice %arg8[%add3A, %run_scoped3A, %dma_start3A_102] : memref<32x1x10240xf32, #tpu.memory_space<hbm>> -> memref<1x1x10240xf32, #tpu.memory_space<hbm>>
      %dma_start3A_104 = tpu.memref_squeeze %dma_start3A_103 : memref<1x1x10240xf32, #tpu.memory_space<hbm>> -> memref<10240xf32, #tpu.memory_space<hbm>>
      %dma_start3A_105 = arith.constant 0 : i32
      %dma_start3A_106 = tpu.memref_slice %arg8[%add3A, %run_scoped3A, %dma_start3A_105] : memref<32x1x10240xf32, #tpu.memory_space<hbm>> -> memref<1x1x10240xf32, #tpu.memory_space<hbm>>
      %dma_start3A_107 = tpu.memref_squeeze %dma_start3A_106 : memref<1x1x10240xf32, #tpu.memory_space<hbm>> -> memref<10240xf32, #tpu.memory_space<hbm>>
      tpu.enqueue_dma source(%arg12 : memref<10240xf32, #tpu.memory_space<vmem>>) target(%dma_start3A_107 : memref<10240xf32, #tpu.memory_space<hbm>>) target_semaphore(%run_scoped3A_101 : memref<!tpu.dma_semaphore, #tpu.memory_space<semaphore_mem>>)
      %dma_wait3A_108 = arith.constant 0 : i32
      %dma_wait3A_109 = tpu.memref_slice %arg8[%add3A, %run_scoped3A, %dma_wait3A_108] : memref<32x1x10240xf32, #tpu.memory_space<hbm>> -> memref<1x1x10240xf32, #tpu.memory_space<hbm>>
      %dma_wait3A_110 = tpu.memref_squeeze %dma_wait3A_109 : memref<1x1x10240xf32, #tpu.memory_space<hbm>> -> memref<10240xf32, #tpu.memory_space<hbm>>
      %dma_wait3A_111 = arith.constant 0 : i32
      %dma_wait3A_112 = tpu.memref_slice %arg8[%add3A, %run_scoped3A, %dma_wait3A_111] : memref<32x1x10240xf32, #tpu.memory_space<hbm>> -> memref<1x1x10240xf32, #tpu.memory_space<hbm>>
      %dma_wait3A_113 = tpu.memref_squeeze %dma_wait3A_112 : memref<1x1x10240xf32, #tpu.memory_space<hbm>> -> memref<10240xf32, #tpu.memory_space<hbm>>
      tpu.wait_dma2 semaphore(%run_scoped3A_101 : memref<!tpu.dma_semaphore, #tpu.memory_space<semaphore_mem>>) src(%arg12 : memref<10240xf32, #tpu.memory_space<vmem>>) dst(%dma_wait3A_113 : memref<10240xf32, #tpu.memory_space<hbm>>)
      tpu.yield
    }) : () -> ()
    return
  }
}

module attributes {stable_mosaic.version = 14 : i64} {
  func.func @_tc_body(%arg0: i32, %arg1: memref<2x10000x128xf32, #tpu.memory_space<vmem>>, %arg2: memref<32x10240xf32, #tpu.memory_space<vmem>>, %arg3: memref<10000x128xf32, #tpu.memory_space<vmem>>, %arg4: memref<128x128xf32, #tpu.memory_space<vmem>>, %arg5: memref<128x128xf32, #tpu.memory_space<vmem>>, %arg6: memref<1x128xf32, #tpu.memory_space<vmem>>, %arg7: memref<10000x128xf32, #tpu.memory_space<vmem>>) attributes {dimension_semantics = [#tpu.dimension_semantics<arbitrary>], iteration_bounds = array<i64: 1>, scalar_prefetch = 0 : i64, scratch_operands = 0 : i64, tpu.core_type = #tpu.core_type<tc>, window_params = [{pipeline_mode = #tpu.pipeline_mode<synchronous>, transform_indices = @transform_0, window_bounds = array<i64: 2, 10000, 128>}, {pipeline_mode = #tpu.pipeline_mode<synchronous>, transform_indices = @transform_1, window_bounds = array<i64: 32, 10240>}, {pipeline_mode = #tpu.pipeline_mode<synchronous>, transform_indices = @transform_2, window_bounds = array<i64: 10000, 128>}, {pipeline_mode = #tpu.pipeline_mode<synchronous>, transform_indices = @transform_3, window_bounds = array<i64: 128, 128>}, {pipeline_mode = #tpu.pipeline_mode<synchronous>, transform_indices = @transform_4, window_bounds = array<i64: 128, 128>}, {pipeline_mode = #tpu.pipeline_mode<synchronous>, transform_indices = @transform_5, window_bounds = array<i64: 1, 128>}, {pipeline_mode = #tpu.pipeline_mode<synchronous>, transform_indices = @transform_6, window_bounds = array<i64: 10000, 128>}]} {
    %get3A = arith.constant 0 : index
    %get3A_0 = arith.constant 0 : index
    %get3A_1 = arith.constant 0 : index
    %get3A_2 = vector.load %arg1[%get3A, %get3A_0, %get3A_1] : memref<2x10000x128xf32, #tpu.memory_space<vmem>>, vector<1x10000x128xf32>
    %get3A_3 = vector.shape_cast %get3A_2 : vector<1x10000x128xf32> to vector<10000x128xf32>
    %get3A_4 = arith.constant 1 : index
    %get3A_5 = arith.constant 0 : index
    %get3A_6 = arith.constant 0 : index
    %get3A_7 = vector.load %arg1[%get3A_4, %get3A_5, %get3A_6] : memref<2x10000x128xf32, #tpu.memory_space<vmem>>, vector<1x10000x128xf32>
    %get3A_8 = vector.shape_cast %get3A_7 : vector<1x10000x128xf32> to vector<10000x128xf32>
    %add3A = arith.addf %get3A_3, %get3A_8 : vector<10000x128xf32>
    %broadcast_in_dim3A = arith.constant 1.000000e+00 : f32
    %broadcast_in_dim3A_9 = vector.broadcast %broadcast_in_dim3A : f32 to vector<32x1xf32>
    %get3A_10 = arith.constant 0 : index
    %get3A_11 = arith.constant 0 : index
    %get3A_12 = vector.load %arg2[%get3A_10, %get3A_11] : memref<32x10240xf32, #tpu.memory_space<vmem>>, vector<32x10240xf32>
    %dot_general3A = arith.constant dense<0.000000e+00> : vector<10240x1xf32>
    %dot_general3A_13 = tpu.matmul %get3A_12, %broadcast_in_dim3A_9, %dot_general3A {dimension_numbers = #tpu.dot_dimension_numbers<[0], [0], [1], [1], [0, 1, 1, 1], [], []>, transpose_lhs_hint = false} : vector<32x10240xf32>, vector<32x1xf32>, vector<10240x1xf32> -> vector<10240x1xf32>
    %slice3A = vector.extract_strided_slice %dot_general3A_13 {offsets = [0, 0], sizes = [10000, 1], strides = [1, 1]} : vector<10240x1xf32> to vector<10000x1xf32>
    %max3A = arith.constant 1.000000e+00 : f32
    %max3A_14 = vector.broadcast %max3A : f32 to vector<10000x1xf32>
    %max3A_15 = arith.maximumf %slice3A, %max3A_14 : vector<10000x1xf32>
    %div3A = vector.broadcast %max3A_15 : vector<10000x1xf32> to vector<10000x128xf32>
    %div3A_16 = arith.divf %add3A, %div3A : vector<10000x128xf32>
    %get3A_17 = arith.constant 0 : index
    %get3A_18 = arith.constant 0 : index
    %get3A_19 = vector.load %arg4[%get3A_17, %get3A_18] : memref<128x128xf32, #tpu.memory_space<vmem>>, vector<128x128xf32>
    %dot_general3A_20 = arith.constant dense<0.000000e+00> : vector<10000x128xf32>
    %dot_general3A_21 = tpu.matmul %div3A_16, %get3A_19, %dot_general3A_20 {dimension_numbers = #tpu.dot_dimension_numbers<[1], [0], [0], [1], [0, 0, 1, 1], [], []>, transpose_lhs_hint = false} : vector<10000x128xf32>, vector<128x128xf32>, vector<10000x128xf32> -> vector<10000x128xf32>
    %get3A_22 = arith.constant 0 : index
    %get3A_23 = arith.constant 0 : index
    %get3A_24 = vector.load %arg3[%get3A_22, %get3A_23] : memref<10000x128xf32, #tpu.memory_space<vmem>>, vector<10000x128xf32>
    %get3A_25 = arith.constant 0 : index
    %get3A_26 = arith.constant 0 : index
    %get3A_27 = vector.load %arg5[%get3A_25, %get3A_26] : memref<128x128xf32, #tpu.memory_space<vmem>>, vector<128x128xf32>
    %dot_general3A_28 = arith.constant dense<0.000000e+00> : vector<10000x128xf32>
    %dot_general3A_29 = tpu.matmul %get3A_24, %get3A_27, %dot_general3A_28 {dimension_numbers = #tpu.dot_dimension_numbers<[1], [0], [0], [1], [0, 0, 1, 1], [], []>, transpose_lhs_hint = false} : vector<10000x128xf32>, vector<128x128xf32>, vector<10000x128xf32> -> vector<10000x128xf32>
    %add3A_30 = arith.addf %dot_general3A_21, %dot_general3A_29 : vector<10000x128xf32>
    %get3A_31 = arith.constant 0 : index
    %get3A_32 = arith.constant 0 : index
    %get3A_33 = vector.load %arg6[%get3A_31, %get3A_32] : memref<1x128xf32, #tpu.memory_space<vmem>>, vector<1x128xf32>
    %add3A_34 = vector.broadcast %get3A_33 : vector<1x128xf32> to vector<10000x128xf32>
    %add3A_35 = arith.addf %add3A_30, %add3A_34 : vector<10000x128xf32>
    %swap3A = arith.constant 0 : index
    %swap3A_36 = arith.constant 0 : index
    %swap3A_37 = vector.load %arg7[%swap3A, %swap3A_36] : memref<10000x128xf32, #tpu.memory_space<vmem>>, vector<10000x128xf32>
    tpu.vector_store %arg7[%swap3A, %swap3A_36], %add3A_35 {strides = array<i32>} : memref<10000x128xf32, #tpu.memory_space<vmem>>, vector<10000x128xf32>,
    return
  }
  func.func @transform_0(%arg0: i32) -> (i32, i32, i32) {
    %c0_i32 = arith.constant 0 : i32
    %c0_i32_0 = arith.constant 0 : i32
    %c0_i32_1 = arith.constant 0 : i32
    %c0_i32_2 = arith.constant 0 : i32
    return %c0_i32, %c0_i32_0, %c0_i32_1 : i32, i32, i32
  }
  func.func @transform_1(%arg0: i32) -> (i32, i32) {
    %c0_i32 = arith.constant 0 : i32
    %c0_i32_0 = arith.constant 0 : i32
    %c0_i32_1 = arith.constant 0 : i32
    return %c0_i32, %c0_i32_0 : i32, i32
  }
  func.func @transform_2(%arg0: i32) -> (i32, i32) {
    %c0_i32 = arith.constant 0 : i32
    %c0_i32_0 = arith.constant 0 : i32
    %c0_i32_1 = arith.constant 0 : i32
    return %c0_i32, %c0_i32_0 : i32, i32
  }
  func.func @transform_3(%arg0: i32) -> (i32, i32) {
    %c0_i32 = arith.constant 0 : i32
    %c0_i32_0 = arith.constant 0 : i32
    %c0_i32_1 = arith.constant 0 : i32
    return %c0_i32, %c0_i32_0 : i32, i32
  }
  func.func @transform_4(%arg0: i32) -> (i32, i32) {
    %c0_i32 = arith.constant 0 : i32
    %c0_i32_0 = arith.constant 0 : i32
    %c0_i32_1 = arith.constant 0 : i32
    return %c0_i32, %c0_i32_0 : i32, i32
  }
  func.func @transform_5(%arg0: i32) -> (i32, i32) {
    %c0_i32 = arith.constant 0 : i32
    %c0_i32_0 = arith.constant 0 : i32
    %c0_i32_1 = arith.constant 0 : i32
    return %c0_i32, %c0_i32_0 : i32, i32
  }
  func.func @transform_6(%arg0: i32) -> (i32, i32) {
    %c0_i32 = arith.constant 0 : i32
    %c0_i32_0 = arith.constant 0 : i32
    %c0_i32_1 = arith.constant 0 : i32
    return %c0_i32, %c0_i32_0 : i32, i32
  }
}

</mosaic_0001>

<sc_bundles>
// kernel: kernel.4.cloned.1.call-start
scs
__scs_entry_jumppad:
0x0: {  	(pc) =	sbr.rel $0x88, $3  }
0x1: {  	(tag) =	ssettag $0x0;
	lr =	simm.s32 $0x1  }
0x2: {  	[smem:$0x3F9C] =	sst lr;
	_ =	strace $0xD0000000  }
0x3: {  	_ = 	snop  }
0x4: {  	_ = 	snop  }
0x5: {  	_ = 	snop  }
0x6: {  	_ = 	snop  }
0x7: {  	_ = 	snop  }
__scs_overlays_trampoline_lowered:
0x8: {  	[smem:$0x3FAB] =	sst s0  }
0x9: {  	[smem:$0x3FAC] =	sst s1  }
0xa: {  	[smem:$0x3FAD] =	sst s2  }
0xb: {  	[smem:$0x3FAE] =	sst s3  }
0xc: {  	[smem:$0x3FAF] =	sst s4  }
0xd: {  	[smem:$0x3FB0] =	sst s5  }
0xe: {  	[smem:$0x3FB1] =	sst s6  }
0xf: {  	[smem:$0x3FB2] =	sst s7  }
0x10: {  	[smem:$0x3FB3] =	sst s8  }
0x11: {  	[smem:$0x3FB4] =	sst s9;
	s0 =	simm.s32 @!p0 $0x0  }
0x12: {  	s1 =	sld [smem:$0x3F9A];
	s0 =	simm.s32 @p0 $0x1  }
0x13: {  	[smem:$0x3FB5] =	sst s0;
	s0 =	simm.s32 @!p1 $0x0  }
0x14: {  	s2 =	sld [smem:$0x3F99];
	s0 =	simm.s32 @p1 $0x1  }
0x15: {  	[smem:$0x3FB6] =	sst s0;
	s0 =	simm.s32 @!p2 $0x0  }
0x16: {  	s3 =	sld [smem:$0x3FDB];
	s0 =	simm.s32 @p2 $0x1  }
0x17: {  	s4 =	simm.s32 $0x1BF5;
	[smem:$0x3FB8] =	sst s0  }
0x18: {  	s0 =	sld [smem:$0x3F9B];
	_ =	swait.ge [sflag:s4], $0x0  }
0x19: {  	s7 =	sld [smem:$0x3F9C]  }
0x1a: {  	s8 =	sadd.s32 $0xFFFFE003, lr  }
0x1b: {  	s9 =	sadd.s32 $0xFFFFFEF7, lr;
	s5 =	simm.s32 $0xFFFFFFFF;
	p2 =	slt.u32 s8, $0xFFFFF086  }
0x1c: {  	p1 =	slt.u32 s9, $0xF7A;
	s5 =	simm.s32 @!p2 $0x0  }
0x1d: {  	s5 =	simm.s32 @p1 $0x1;
	p0 =	seq.s32 s7, s2  }
0x1e: {  	s7 =	smul.u32 @!p0 $0xF7A, s2;
	p2 =	seq.s32 @!p0 s5, $0x0  }
0x1f: {  	s9 =	smul.u32 $0xF7A, s1;
	s8 =	simm.s32 @!p0 $0x1BF5;
	p2 =	por !p2, p0  }
0x20: {  	[sflag:s8] =	ssyncset.s32 @!p0 $0xFFFFF086;
	s6 =	sadd.s32 @!p0 s3, s7;
	s7 =	simm.s32 @!p0 $0x108  }
0x21: {  	s3 =	sadd.s32 s3, s9;
	s6 =	sadd.s32 @!p0 $0x88, s6;
	s7 =	simm.s32 @p2 $0x1082  }
0x22: {  	[simem:s7], [sflag:s8] =	dma.local @!p0 [hbm:s6], $0xF7A  }
0x23: {  	s9 =	sor.u32 $0xD0000000, s2;
	s6 =	simm.s32 $0x108;
	_ =	swait.ge @!p0 [sflag:s8], $0x0  }
0x24: {  	s3 =	sadd.s32 $0x88, s3;
	s6 =	simm.s32 @!p1 $0x1082;
	[sflag:s4] =	ssyncset.s32 $0xFFFFF086  }
0x25: {  	[simem:s6], [sflag:s4] =	dma.local [hbm:s3], $0xF7A  }
0x26: {  	[smem:$0x3F9C] =	sst s1;
	(tag) =	ssettag s2;
	_ =	strace s9  }
0x27: {  	s1 =	sld [smem:$0x3FAC]  }
0x28: {  	s2 =	sld [smem:$0x3FAD]  }
0x29: {  	s4 =	sld [smem:$0x3FAF]  }
0x2a: {  	p0 =	seq.s32 s5, $0x0;
	s5 =	sld [smem:$0x3FB0]  }
0x2b: {  	s6 =	sld [smem:$0x3FB1]  }
0x2c: {  	s7 =	sld [smem:$0x3FB2]  }
0x2d: {  	s3 =	simm.s32 $0x108;
	s8 =	sld [smem:$0x3FB3]  }
0x2e: {  	s3 =	simm.s32 @!p0 $0x1082;
	s9 =	sld [smem:$0x3FB4]  }
0x2f: {  	lr =	sadd.s32 s0, s3;
	s0 =	sld [smem:$0x3FAB]  }
0x30: {  	s3 =	sld [smem:$0x3FAE]  }
0x31: {  	[smem:$0x3FB7] =	sst s10  }
0x32: {  	s10 =	sld [smem:$0x3FB5];
	_ =	sdelay $0x3  }
0x33: {  	p0 =	seq.s32 s10, $0x1;
	s10 =	sld [smem:$0x3FB7];
	_ =	sdelay $0x3  }
0x34: {  	[smem:$0x3FB7] =	sst s10  }
0x35: {  	s10 =	sld [smem:$0x3FB6];
	_ =	sdelay $0x3  }
0x36: {  	p1 =	seq.s32 s10, $0x1;
	s10 =	sld [smem:$0x3FB7];
	_ =	sdelay $0x3  }
0x37: {  	[smem:$0x3FB7] =	sst s10  }
0x38: {  	s10 =	sld [smem:$0x3FB8]  }
0x39: {  	_ = 	snop;
	(pc) =	sbr.ind lr, $3  }
0x3a: {  	_ = 	snop  }
0x3b: {  	_ = 	snop  }
0x3c: {  	p2 =	seq.s32 s10, $0x1;
	s10 =	sld [smem:$0x3FB7]  }
0x3d: {  	_ =	shalt  }
0x3e: {  	_ =	shalt  }
0x3f: {  	_ =	shalt  }
0x40: {  	_ =	shalt  }
0x41: {  	_ =	shalt  }
0x42: {  	_ =	shalt  }
0x43: {  	_ =	shalt  }
0x44: {  	_ =	shalt  }
0x45: {  	_ =	shalt  }
0x46: {  	_ =	shalt  }
0x47: {  	_ =	shalt  }
0x48: {  	_ =	shalt  }
0x49: {  	_ =	shalt  }
0x4a: {  	_ =	shalt  }
0x4b: {  	_ =	shalt  }
0x4c: {  	_ =	shalt  }
0x4d: {  	_ =	shalt  }
0x4e: {  	_ =	shalt  }
0x4f: {  	_ =	shalt  }
0x50: {  	_ =	shalt  }
0x51: {  	_ =	shalt  }
0x52: {  	_ =	shalt  }
0x53: {  	_ =	shalt  }
0x54: {  	_ =	shalt  }
0x55: {  	_ =	shalt  }
0x56: {  	_ =	shalt  }
0x57: {  	_ =	shalt  }
0x58: {  	_ =	shalt  }
0x59: {  	_ =	shalt  }
0x5a: {  	_ =	shalt  }
0x5b: {  	_ =	shalt  }
0x5c: {  	_ =	shalt  }
0x5d: {  	_ =	shalt  }
0x5e: {  	_ =	shalt  }
0x5f: {  	_ =	shalt  }
0x60: {  	_ =	shalt  }
0x61: {  	_ =	shalt  }
0x62: {  	_ =	shalt  }
0x63: {  	_ =	shalt  }
0x64: {  	_ =	shalt  }
0x65: {  	_ =	shalt  }
0x66: {  	_ =	shalt  }
0x67: {  	_ =	shalt  }
0x68: {  	_ =	shalt  }
0x69: {  	_ =	shalt  }
0x6a: {  	_ =	shalt  }
0x6b: {  	_ =	shalt  }
0x6c: {  	_ =	shalt  }
0x6d: {  	_ =	shalt  }
0x6e: {  	_ =	shalt  }
0x6f: {  	_ =	shalt  }
0x70: {  	_ =	shalt  }
0x71: {  	_ =	shalt  }
0x72: {  	_ =	shalt  }
0x73: {  	_ =	shalt  }
0x74: {  	_ =	shalt  }
0x75: {  	_ =	shalt  }
0x76: {  	_ =	shalt  }
0x77: {  	_ =	shalt  }
0x78: {  	_ =	shalt  }
0x79: {  	_ =	shalt  }
0x7a: {  	_ =	shalt  }
0x7b: {  	_ =	shalt  }
0x7c: {  	_ =	shalt  }
0x7d: {  	_ =	shalt  }
0x7e: {  	_ =	shalt  }
0x7f: {  	_ =	shalt  }
0x80: {  	_ =	shalt  }
0x81: {  	_ =	shalt  }
0x82: {  	_ =	shalt  }
0x83: {  	_ =	shalt  }
0x84: {  	_ =	shalt  }
0x85: {  	_ =	shalt  }
0x86: {  	_ =	shalt  }
0x87: {  	_ =	shalt  }
.Lfunc_end0:
.L_simem_size_0:
called_computation_lowered:
.L_overlay_start_0:
0x88: {  	s2 =	sld [smem:$0x3FD9]  }
0x89: {  	s3 =	sld [smem:$0x3FFE];
	_ =	sdelay $0x1  }
0x8a: {  	s1 =	srdreg.scid  }
0x8b: {  	s0 =	sand.u32 $0x1, s1  }
0x8c: {  	s17 =	sshll.u32 s0, $0xA;
	s2 =	sadd.s32 s3, s2  }
0x8d: {  	s2 =	sadd.s32 s2, s17  }
0x8e: {  	[smem:$0x3FC3] =	sst s2  }
0x8f: {  	_ = 	snop  }
0x90: {  	s2 =	sld [smem:$0x3FC9]  }
0x91: {  	s18 =	sld [smem:$0x3FD0];
	(tm) =	ssettm $0x1  }
0x92: {  	s4 =	sld [smem:$0x3FFB];
	_ =	sdelay $0x3  }
0x93: {  	_ =	strace s4  }
0x94: {  	s4 =	sld [smem:$0x3FFC];
	_ =	sdelay $0x3  }
0x95: {  	_ =	strace s4  }
0x96: {  	s4 =	sld [smem:$0x3FFD];
	_ =	sdelay $0x3  }
0x97: {  	_ =	strace s4  }
0x98: {  	_ =	strace $0x8FFFFFFF  }
0x99: {  	s19 =	sld [smem:$0x3FDB];
	_ =	sdelay $0x1  }
0x9a: {  	s5 =	simm.s32 $_scs_section_size  }
0x9b: {  	s6 =	simm.s32 $_size__tile_overlayer_lowered;
	s7 =	simm.s32 $_tile_overlayer_lowered  }
0x9c: {  	s22 =	simm.s32 $0x1BFF;
	s21 =	sshll.u32 s7, $0x1;
	s4 =	sadd.s32 s5, s19  }
0x9d: {  	s8 =	simm.s32 $0x0;
	s20 =	sshll.u32 s6, $0x1;
	s6 =	sadd.s32 s21, s4  }
0x9e: {  	[timem:s8], [sflag:s22] =	dma.local [hbm:s6], s20  }
0x9f: {  	_ =	swait.ge [sflag:s22], s20  }
0xa0: {  	s5 =	ssub.s32 $0x0, s20;
	[sflag:s22] =	ssyncset.done $0x0  }
0xa1: {  	[sflag:s22] =	ssyncadd.s32 s5;
	_ =	sdelay $0x1  }
0xa2: {  	s23 =	simm.s32 $0x1B8B  }
0xa3: {  	_ =	swait.ge [sflag:s23], $0x1  }
0xa4: {  	[sflag:s23] =	ssyncset.done $0x0  }
0xa5: {  	s25 =	simm.s32 $0x1B8E;
	s24 =	sld [smem:$0x3FFE];
	[sflag:s23] =	ssyncadd.s32 $0xFFFFFFFF  }
0xa6: {  	s26 =	simm.s32 $execute0_lowered;
	[smem:$0x3FD2] =	sst s25  }
0xa7: {  	s6 =	sshll.u32 s26, $0x1;
	_ =	strace $0x80000046;
	[dreg:$0x1] =	wrdreg $0xFFFFFFFF  }
0xa8: {  	s28 =	simm.s32 $_size_execute0_lowered;
	s4 =	sadd.s32 s4, s6;
	[dreg:$0x0] =	wrdreg $0x0  }
0xa9: {  	s6 =	sshll.u32 s28, $0x1;
	[dreg:$0x2] =	wrdreg s4  }
0xaa: {  	[dreg:$0x3] =	wrdreg s6  }
0xab: {  	[dreg:$0x4] =	wrdreg $0xC0  }
0xac: {  	_ =	task [dreg:s8], $0x5FFFF  }
0xad: {  	[dreg:$0x1] =	wrdreg $0xFFFFFFFF  }
0xae: {  	[dreg:$0x0] =	wrdreg $0x60  }
0xaf: {  	[dreg:$0x2] =	wrdreg s24  }
0xb0: {  	[dreg:$0x3] =	wrdreg s18  }
0xb1: {  	[dreg:$0x4] =	wrdreg s2  }
0xb2: {  	[dreg:$0x5] =	wrdreg $0xB8000  }
0xb3: {  	[dreg:$0x6] =	wrdreg $0x9  }
0xb4: {  	_ =	task.clear_ibuf [dreg:s8], $0x7FFFF;
	_ =	strace $0x90000046  }
0xb5: {  	s29 =	simm.s32 $0x9;
	_ =	strace $0x80000048  }
0xb6: {  	_ =	swait.ge [sflag:s29], $0x1  }
0xb7: {  	[sflag:s29] =	ssyncadd.s32 $0xFFFFFFFF  }
0xb8: {  	_ =	strace $0x90000048  }
0xb9: {  	_ =	sfence  }
0xba: {  	s30 =	sld [smem:$0x0];
	_ =	sdelay $0x2  }
0xbb: {  	s31 =	sshll.u32 s1, $0xD;
	s1 =	sshrl.u32 s1, $0x2  }
0xbc: {  	s3 =	sand.u32 $0x4000, s31;
	s1 =	sadd.s32 s1, s30  }
0xbd: {  	s0 =	sor.u32 s3, s0;
	s1 =	sshll.u32 s1, $0x11  }
0xbe: {  	s0 =	sor.u32 s1, s0  }
0xbf: {  	s0 =	sadd.s32 $0x8F2B, s0  }
0xc0: {  	[sflag:s0] =	ssyncadd.remote.s32 $0x1  }
0xc1: {  	_ =	sfence.sel $0xFFFF  }
0xc2: {  	[dreg:$0x0] =	wrdreg $0xFFFFFFFF;
	(pc) =	sbr.abs _section_cstart, $3  }
0xc3: {  	[dreg:$0x1] =	wrdreg $0xFFFFFFFF  }
0xc4: {  	_ =	task.clear_ibuf [dreg:s8], $0x2FFFF;
	_ =	strace $0x9FFFFFFF  }
0xc5: {  	(tm) =	ssettm $0x7FFFFFFF  }
tec
execute0_lowered:
.L_overlay_start_1:
0x0: {  	(tag) =	ssettag $0x1  }
0x1: {  	s0 =	rddreg [dreg:$0x0]  }
0x2: {  	s3 =	rddreg [dreg:$0x1]  }
0x3: {  	s1 =	rddreg [dreg:$0x2]  }
0x4: {  	s2 =	rddreg [dreg:$0x3];
	s4 =	srdreg.scid  }
0x5: {  	s12 =	stileid.u32;
	s28 =	simm.s32 $0x80;
	s29 =	simm.s32 $0x1000  }
0x6: {  	s30 =	simm.s32 $0x3;
	s31 =	simm.s32 $0x5000;
	s5 =	sand.u32 $0x1, s4  }
0x7: {  	s4 =	simm.s32 $0x0;
	s8 =	sadd.s32 $0x1C00, s0;
	s7 =	sadd.s32 $0xC200, s0  }
0x8: {  	s15 =	sadd.s32 $0xBC00, s0;
	s9 =	smul.u32 $0x4F000, s12;
	s10 =	sadd.s32 $0x18A00, s0  }
0x9: {  	s18 =	sshll.u32 s12, $0x6;
	s6 =	sshll.u32 s5, $0x4;
	[smem:$0x7FF] =	sst s4  }
0xa: {  	s16 =	ssub.s32 $0x2, s5;
	_ =	strace $0x80000047;
	[dreg:$0x5] =	wrdreg s7  }
0xb: {  	s5 =	smul.u32 $0x138800, s5;
	s6 =	sor.u32 s12, s6;
	[dreg:$0x6] =	wrdreg s15  }
0xc: {  	s11 =	sshrl.u32 s16, $0x1;
	s17 =	sshrl.u32 s9, $0x2;
	s6 =	smul.u32 $0x2800, s6  }
0xd: {  	s9 =	sor.u32 $0x1C03, s18;
	s7 =	sadd.s32 s17, s2;
	s17 =	smul.u32 $0x13C00, s12  }
0xe: {  	p0 =	seq.s32 s12, $0xF;
	s22 =	ssub.s32 s16, s11;
	[dreg:$0x7] =	wrdreg s9  }
0xf: {  	s22 =	smax.u32 s22, $0x1;
	s6 =	sshrl.u32 s6, $0x3;
	s25 =	sadd.s32 s17, s5  }
0x10: {  	s5 =	sshrl.u32 s5, $0x3;
	s0 =	sadd.s32 s6, s0;
	s19 =	sadd.s32 $0x100, s6  }
0x11: {  	s20 =	sadd.s32 s8, s6;
	s21 =	sadd.s32 s3, s6;
	s24 =	sadd.s32 $0x200, s6  }
0x12: {  	s16 =	sadd.s32 $0x300, s6;
	s6 =	sadd.s32 $0x400, s6;
	[dreg:$0x8] =	wrdreg s20  }
0x13: {  	s26 =	sshrl.u32 s25, $0x3;
	s5 =	sadd.s32 s10, s5;
	[dreg:$0x9] =	wrdreg s21  }
0x14: {  	s23 =	sadd.s32 s8, s19;
	s9 =	sadd.s32 s3, s19;
	s13 =	sadd.s32 s8, s24  }
0x15: {  	s14 =	sadd.s32 s3, s24;
	s15 =	sadd.s32 s8, s16;
	s16 =	sadd.s32 s3, s16  }
0x16: {  	s17 =	sadd.s32 s8, s6;
	s18 =	sadd.s32 s3, s6;
	s19 =	sadd.s32 s10, s26  }
0x17: {  	s20 =	sadd.s32 $0x25080, s5;
	s3 =	sadd.s32 $0x128400, s2;
	s21 =	sadd.s32 $0xEA00, s0  }
0x18: {  	s24 =	simm.s32 $0x4;
	s26 =	simm.s32 $0x800;
	s0 =	simm.s32 $0x1  }
0x19: {  	s5 =	simm.s32 $0x780;
	s6 =	simm.s32 $0xF00;
	[dreg:$0xa] =	wrdreg s23  }
0x1a: {  	s8 =	simm.s32 $0xF80;
	[dreg:$0xb] =	wrdreg s9;
	s23 =	simm.s32 $0x9000  }
0x1b: {  	v0 =	vimm.f32 $1.000000000e+00;
	s25 =	sshrl.u32 @p0 s3, $0x3;
	s3 =	simm.s32 $0x2;
	s9 =	simm.s32 $0x0  }
.LBB2_1:
0x1c: {  	s11 =	rddreg [dreg:$0x5]  }
0x1d: {  	s10 =	sshrl.u32 s7, $0x3;
	s12 =	rddreg [dreg:$0x7]  }
0x1e: {  	[spmem:s10], [sflag:s12] =	dma.local [hbm:s11], $0x2780  }
0x1f: {  	s10 =	rddreg [dreg:$0x6]  }
0x20: {  	[tilespmem:s23], [sflag:$0x4] =	stream.linear.gather [hbm4b:s10+s4], $0x2800, $0x38;
	[tilespmem:$0x1F400] =	vst v63  }
0x21: {  	_ =	swait.ge [sflag:s24], $0x2800  }
0x22: {  	[sflag:s24] =	ssyncset.done $0x0  }
0x23: {  	s11 =	rddreg [dreg:$0x8];
	[sflag:s24] =	ssyncadd.s32 $0xFFFFD800  }
0x24: {  	[tilespmem:s4], [sflag:$0x4] =	stream.linear.gather [hbm4b:s11+s4], $0x800, $0x38;
	[tilespmem:$0x1F400] =	vst v63  }
0x25: {  	_ =	swait.ge [sflag:s24], $0x800  }
0x26: {  	[sflag:s24] =	ssyncset.done $0x0  }
0x27: {  	s12 =	rddreg [dreg:$0x9];
	[sflag:s24] =	ssyncadd.s32 $0xFFFFF800  }
0x28: {  	[tilespmem:s26], [sflag:$0x4] =	stream.linear.gather [hbm4b:s12+s4], $0x800, $0x38;
	[tilespmem:$0x1F400] =	vst v63  }
0x29: {  	_ =	swait.ge [sflag:s24], $0x800  }
0x2a: {  	[sflag:s24] =	ssyncset.done $0x0  }
0x2b: {  	[sflag:s24] =	ssyncadd.s32 $0xFFFFF800  }
0x2c: {  	[tilespmem:s29], [sflag:$0x1] =	stream.indirect.gather [hbm4b:s1+s28], $0x80, s4, s28, $0xb8;
	[tilespmem:$0x1F400] =	vst v63  }
0x2d: {  	_ =	swait.ge [sflag:s30], $0x2780  }
0x2e: {  	[sflag:s30] =	ssyncset.done $0x0  }
0x2f: {  	[sflag:s30] =	ssyncadd.s32 $0xFFFFD880  }
0x30: {  	s10 =	simm.s32 $0x0;
	[bflag:$0x0] =	sbarrier.arrive $0xFFFF  }
.LBB2_2:
0x31: {  	s11 =	sshra.s32 s10, $0x2  }
0x32: {  	s12 =	sadd.s32 $0x80, s11  }
0x33: {  	[tilespmem:s31], [sflag:$0x2] =	stream.indirect.gather [hbm4b:s1+s28], $0x80, s12, s28, $0xb8;
	[tilespmem:$0x1F400] =	vst v63  }
0x34: {  	_ =	swait.ge [sflag:s0], $0x4000  }
0x35: {  	[sflag:s0] =	ssyncset.done $0x0  }
0x36: {  	s12 =	sadd.s32 $0x800, s11;
	[sflag:s0] =	ssyncadd.s32 $0xFFFFC000  }
0x37: {  	[spmem:s2] =	stream.indirect.scatter.add.f32 [tilespmem:s29], [sflag:$0x3], $0x80, s12, s28, $0xb8;
	[tilespmem:$0x1F400] =	vst v63  }
0x38: {  	v1 =	vld [tilespmem:s11+$0x800];
	_ =	sdelay $0x7  }
0x39: {  	[tilespmem:v1+s23+$0x0] =	vst.idx.add.f32.msk $0xffff, v0  }
0x3a: {  	v1 =	vld [tilespmem:s11+$0x810];
	_ =	sdelay $0x7  }
0x3b: {  	[tilespmem:v1+s23+$0x0] =	vst.idx.add.f32.msk $0xffff, v0  }
0x3c: {  	v1 =	vld [tilespmem:s11+$0x820];
	_ =	sdelay $0x7  }
0x3d: {  	[tilespmem:v1+s23+$0x0] =	vst.idx.add.f32.msk $0xffff, v0  }
0x3e: {  	v1 =	vld [tilespmem:s11+$0x830];
	_ =	sdelay $0x7  }
0x3f: {  	[tilespmem:v1+s23+$0x0] =	vst.idx.add.f32.msk $0xffff, v0  }
0x40: {  	v1 =	vld [tilespmem:s11+$0x840];
	_ =	sdelay $0x7  }
0x41: {  	[tilespmem:v1+s23+$0x0] =	vst.idx.add.f32.msk $0xffff, v0  }
0x42: {  	v1 =	vld [tilespmem:s11+$0x850];
	_ =	sdelay $0x7  }
0x43: {  	[tilespmem:v1+s23+$0x0] =	vst.idx.add.f32.msk $0xffff, v0  }
0x44: {  	v1 =	vld [tilespmem:s11+$0x860];
	_ =	sdelay $0x7  }
0x45: {  	[tilespmem:v1+s23+$0x0] =	vst.idx.add.f32.msk $0xffff, v0  }
0x46: {  	v1 =	vld [tilespmem:s11+$0x870];
	_ =	sdelay $0x7  }
0x47: {  	[tilespmem:v1+s23+$0x0] =	vst.idx.add.f32.msk $0xffff, v0  }
0x48: {  	_ =	swait.ge [sflag:s30], $0x4000  }
0x49: {  	[sflag:s30] =	ssyncset.done $0x0  }
0x4a: {  	s12 =	sadd.s32 $0x100, s11;
	[sflag:s30] =	ssyncadd.s32 $0xFFFFC000  }
0x4b: {  	[tilespmem:s29], [sflag:$0x1] =	stream.indirect.gather [hbm4b:s1+s28], $0x80, s12, s28, $0xb8;
	[tilespmem:$0x1F400] =	vst v63  }
0x4c: {  	_ =	swait.ge [sflag:s3], $0x4000  }
0x4d: {  	[sflag:s3] =	ssyncset.done $0x0  }
0x4e: {  	s12 =	sadd.s32 $0x880, s11;
	[sflag:s3] =	ssyncadd.s32 $0xFFFFC000  }
0x4f: {  	[spmem:s2] =	stream.indirect.scatter.add.f32 [tilespmem:s31], [sflag:$0x3], $0x80, s12, s28, $0xb8;
	[tilespmem:$0x1F400] =	vst v63  }
0x50: {  	v1 =	vld [tilespmem:s11+$0x880];
	_ =	sdelay $0x7  }
0x51: {  	[tilespmem:v1+s23+$0x0] =	vst.idx.add.f32.msk $0xffff, v0  }
0x52: {  	v1 =	vld [tilespmem:s11+$0x890];
	_ =	sdelay $0x7  }
0x53: {  	[tilespmem:v1+s23+$0x0] =	vst.idx.add.f32.msk $0xffff, v0  }
0x54: {  	v1 =	vld [tilespmem:s11+$0x8A0];
	_ =	sdelay $0x7  }
0x55: {  	[tilespmem:v1+s23+$0x0] =	vst.idx.add.f32.msk $0xffff, v0  }
0x56: {  	v1 =	vld [tilespmem:s11+$0x8B0];
	_ =	sdelay $0x7  }
0x57: {  	[tilespmem:v1+s23+$0x0] =	vst.idx.add.f32.msk $0xffff, v0  }
0x58: {  	v1 =	vld [tilespmem:s11+$0x8C0];
	_ =	sdelay $0x7  }
0x59: {  	[tilespmem:v1+s23+$0x0] =	vst.idx.add.f32.msk $0xffff, v0  }
0x5a: {  	v1 =	vld [tilespmem:s11+$0x8D0];
	_ =	sdelay $0x7  }
0x5b: {  	[tilespmem:v1+s23+$0x0] =	vst.idx.add.f32.msk $0xffff, v0  }
0x5c: {  	v1 =	vld [tilespmem:s11+$0x8E0];
	_ =	sdelay $0x7  }
0x5d: {  	[tilespmem:v1+s23+$0x0] =	vst.idx.add.f32.msk $0xffff, v0  }
0x5e: {  	v1 =	vld [tilespmem:s11+$0x8F0];
	_ =	sdelay $0x5  }
0x5f: {  	p1 =	sne.s32 s10, $0x1800  }
.Ltmp0:
0x60: {  	_ = 	snop;
	(pc) =	sbr.rel @p1 .LBB2_2-.Ltmp0, $4  }
0x61: {  	[tilespmem:v1+s23+$0x0] =	vst.idx.add.f32.msk $0xffff, v0  }
0x62: {  	_ =	swait.ge [sflag:s30], $0x4000  }
0x63: {  	[sflag:s30] =	ssyncset.done $0x0  }
0x64: {  	s10 =	sadd.s32 $0x400, s10;
	[sflag:s30] =	ssyncadd.s32 $0xFFFFC000  }
0x65: {  	[tilespmem:s31], [sflag:$0x2] =	stream.indirect.gather [hbm4b:s1+s28], $0x80, s5, s28, $0xb8;
	[tilespmem:$0x1F400] =	vst v63  }
0x66: {  	_ =	swait.ge [sflag:s0], $0x4000  }
0x67: {  	[sflag:s0] =	ssyncset.done $0x0  }
0x68: {  	[sflag:s0] =	ssyncadd.s32 $0xFFFFC000  }
0x69: {  	[spmem:s2] =	stream.indirect.scatter.add.f32 [tilespmem:s29], [sflag:$0x3], $0x80, s6, s28, $0xb8;
	[tilespmem:$0x1F400] =	vst v63  }
0x6a: {  	v1 =	vld [tilespmem:$0xF00];
	_ =	sdelay $0x7  }
0x6b: {  	[tilespmem:v1+s23+$0x0] =	vst.idx.add.f32.msk $0xffff, v0  }
0x6c: {  	v1 =	vld [tilespmem:$0xF10];
	_ =	sdelay $0x7  }
0x6d: {  	[tilespmem:v1+s23+$0x0] =	vst.idx.add.f32.msk $0xffff, v0  }
0x6e: {  	v1 =	vld [tilespmem:$0xF20];
	_ =	sdelay $0x7  }
0x6f: {  	[tilespmem:v1+s23+$0x0] =	vst.idx.add.f32.msk $0xffff, v0  }
0x70: {  	v1 =	vld [tilespmem:$0xF30];
	_ =	sdelay $0x7  }
0x71: {  	[tilespmem:v1+s23+$0x0] =	vst.idx.add.f32.msk $0xffff, v0  }
0x72: {  	v1 =	vld [tilespmem:$0xF40];
	_ =	sdelay $0x7  }
0x73: {  	[tilespmem:v1+s23+$0x0] =	vst.idx.add.f32.msk $0xffff, v0  }
0x74: {  	v1 =	vld [tilespmem:$0xF50];
	_ =	sdelay $0x7  }
0x75: {  	[tilespmem:v1+s23+$0x0] =	vst.idx.add.f32.msk $0xffff, v0  }
0x76: {  	v1 =	vld [tilespmem:$0xF60];
	_ =	sdelay $0x7  }
0x77: {  	[tilespmem:v1+s23+$0x0] =	vst.idx.add.f32.msk $0xffff, v0  }
0x78: {  	v1 =	vld [tilespmem:$0xF70];
	_ =	sdelay $0x7  }
0x79: {  	[tilespmem:v1+s23+$0x0] =	vst.idx.add.f32.msk $0xffff, v0  }
0x7a: {  	_ =	swait.ge [sflag:s30], $0x4000  }
0x7b: {  	[sflag:s30] =	ssyncset.done $0x0  }
0x7c: {  	[sflag:s30] =	ssyncadd.s32 $0xFFFFC000  }
0x7d: {  	_ =	swait.ge [sflag:s3], $0x4000  }
0x7e: {  	[sflag:s3] =	ssyncset.done $0x0  }
0x7f: {  	[sflag:s3] =	ssyncadd.s32 $0xFFFFC000  }
0x80: {  	[spmem:s2] =	stream.indirect.scatter.add.f32 [tilespmem:s31], [sflag:$0x3], $0x80, s8, s28, $0xb8;
	[tilespmem:$0x1F400] =	vst v63  }
0x81: {  	v1 =	vld [tilespmem:$0xF80];
	_ =	sdelay $0x7  }
0x82: {  	[tilespmem:v1+s23+$0x0] =	vst.idx.add.f32.msk $0xffff, v0  }
0x83: {  	v1 =	vld [tilespmem:$0xF90];
	_ =	sdelay $0x7  }
0x84: {  	[tilespmem:v1+s23+$0x0] =	vst.idx.add.f32.msk $0xffff, v0  }
0x85: {  	v1 =	vld [tilespmem:$0xFA0];
	_ =	sdelay $0x7  }
0x86: {  	[tilespmem:v1+s23+$0x0] =	vst.idx.add.f32.msk $0xffff, v0  }
0x87: {  	v1 =	vld [tilespmem:$0xFB0];
	_ =	sdelay $0x7  }
0x88: {  	[tilespmem:v1+s23+$0x0] =	vst.idx.add.f32.msk $0xffff, v0  }
0x89: {  	v1 =	vld [tilespmem:$0xFC0];
	_ =	sdelay $0x7  }
0x8a: {  	[tilespmem:v1+s23+$0x0] =	vst.idx.add.f32.msk $0xffff, v0  }
0x8b: {  	v1 =	vld [tilespmem:$0xFD0];
	_ =	sdelay $0x7  }
0x8c: {  	[tilespmem:v1+s23+$0x0] =	vst.idx.add.f32.msk $0xffff, v0  }
0x8d: {  	v1 =	vld [tilespmem:$0xFE0];
	_ =	sdelay $0x7  }
0x8e: {  	[tilespmem:v1+s23+$0x0] =	vst.idx.add.f32.msk $0xffff, v0  }
0x8f: {  	v1 =	vld [tilespmem:$0xFF0];
	_ =	sdelay $0x7  }
0x90: {  	[tilespmem:v1+s23+$0x0] =	vst.idx.add.f32.msk $0xffff, v0  }
0x91: {  	_ =	swait.ge [sflag:s30], $0x4000  }
0x92: {  	[sflag:s30] =	ssyncset.done $0x0  }
0x93: {  	s10 =	simm.s32 $0x0;
	s11 =	rddreg [dreg:$0xa];
	[sflag:s30] =	ssyncadd.s32 $0xFFFFC000  }
0x94: {  	[tilespmem:s10], [sflag:$0x4] =	stream.linear.gather [hbm4b:s11+s10], $0x800, $0x38;
	[tilespmem:$0x1F400] =	vst v63  }
0x95: {  	_ =	swait.ge [sflag:s24], $0x800  }
0x96: {  	[sflag:s24] =	ssyncset.done $0x0  }
0x97: {  	s12 =	rddreg [dreg:$0xb];
	[sflag:s24] =	ssyncadd.s32 $0xFFFFF800  }
0x98: {  	[tilespmem:s26], [sflag:$0x4] =	stream.linear.gather [hbm4b:s12+s10], $0x800, $0x38;
	[tilespmem:$0x1F400] =	vst v63  }
0x99: {  	_ =	swait.ge [sflag:s24], $0x800  }
0x9a: {  	[sflag:s24] =	ssyncset.done $0x0  }
0x9b: {  	[sflag:s24] =	ssyncadd.s32 $0xFFFFF800  }
0x9c: {  	[tilespmem:s29], [sflag:$0x1] =	stream.indirect.gather [hbm4b:s1+s28], $0x80, s10, s28, $0xb8;
	[tilespmem:$0x1F400] =	vst v63  }
.LBB2_4:
0x9d: {  	s11 =	sshra.s32 s10, $0x2  }
0x9e: {  	s12 =	sadd.s32 $0x80, s11  }
0x9f: {  	[tilespmem:s31], [sflag:$0x2] =	stream.indirect.gather [hbm4b:s1+s28], $0x80, s12, s28, $0xb8;
	[tilespmem:$0x1F400] =	vst v63  }
0xa0: {  	_ =	swait.ge [sflag:s0], $0x4000  }
0xa1: {  	[sflag:s0] =	ssyncset.done $0x0  }
0xa2: {  	s12 =	sadd.s32 $0x800, s11;
	[sflag:s0] =	ssyncadd.s32 $0xFFFFC000  }
0xa3: {  	[spmem:s2] =	stream.indirect.scatter.add.f32 [tilespmem:s29], [sflag:$0x3], $0x80, s12, s28, $0xb8;
	[tilespmem:$0x1F400] =	vst v63  }
0xa4: {  	v1 =	vld [tilespmem:s11+$0x800];
	_ =	sdelay $0x7  }
0xa5: {  	[tilespmem:v1+s23+$0x0] =	vst.idx.add.f32.msk $0xffff, v0  }
0xa6: {  	v1 =	vld [tilespmem:s11+$0x810];
	_ =	sdelay $0x7  }
0xa7: {  	[tilespmem:v1+s23+$0x0] =	vst.idx.add.f32.msk $0xffff, v0  }
0xa8: {  	v1 =	vld [tilespmem:s11+$0x820];
	_ =	sdelay $0x7  }
0xa9: {  	[tilespmem:v1+s23+$0x0] =	vst.idx.add.f32.msk $0xffff, v0  }
0xaa: {  	v1 =	vld [tilespmem:s11+$0x830];
	_ =	sdelay $0x7  }
0xab: {  	[tilespmem:v1+s23+$0x0] =	vst.idx.add.f32.msk $0xffff, v0  }
0xac: {  	v1 =	vld [tilespmem:s11+$0x840];
	_ =	sdelay $0x7  }
0xad: {  	[tilespmem:v1+s23+$0x0] =	vst.idx.add.f32.msk $0xffff, v0  }
0xae: {  	v1 =	vld [tilespmem:s11+$0x850];
	_ =	sdelay $0x7  }
0xaf: {  	[tilespmem:v1+s23+$0x0] =	vst.idx.add.f32.msk $0xffff, v0  }
0xb0: {  	v1 =	vld [tilespmem:s11+$0x860];
	_ =	sdelay $0x7  }
0xb1: {  	[tilespmem:v1+s23+$0x0] =	vst.idx.add.f32.msk $0xffff, v0  }
0xb2: {  	v1 =	vld [tilespmem:s11+$0x870];
	_ =	sdelay $0x7  }
0xb3: {  	[tilespmem:v1+s23+$0x0] =	vst.idx.add.f32.msk $0xffff, v0  }
0xb4: {  	_ =	swait.ge [sflag:s30], $0x4000  }
0xb5: {  	[sflag:s30] =	ssyncset.done $0x0  }
0xb6: {  	s12 =	sadd.s32 $0x100, s11;
	[sflag:s30] =	ssyncadd.s32 $0xFFFFC000  }
0xb7: {  	[tilespmem:s29], [sflag:$0x1] =	stream.indirect.gather [hbm4b:s1+s28], $0x80, s12, s28, $0xb8;
	[tilespmem:$0x1F400] =	vst v63  }
0xb8: {  	_ =	swait.ge [sflag:s3], $0x4000  }
0xb9: {  	[sflag:s3] =	ssyncset.done $0x0  }
0xba: {  	s12 =	sadd.s32 $0x880, s11;
	[sflag:s3] =	ssyncadd.s32 $0xFFFFC000  }
0xbb: {  	[spmem:s2] =	stream.indirect.scatter.add.f32 [tilespmem:s31], [sflag:$0x3], $0x80, s12, s28, $0xb8;
	[tilespmem:$0x1F400] =	vst v63  }
0xbc: {  	v1 =	vld [tilespmem:s11+$0x880];
	_ =	sdelay $0x7  }
0xbd: {  	[tilespmem:v1+s23+$0x0] =	vst.idx.add.f32.msk $0xffff, v0  }
0xbe: {  	v1 =	vld [tilespmem:s11+$0x890];
	_ =	sdelay $0x7  }
0xbf: {  	[tilespmem:v1+s23+$0x0] =	vst.idx.add.f32.msk $0xffff, v0  }
0xc0: {  	v1 =	vld [tilespmem:s11+$0x8A0];
	_ =	sdelay $0x7  }
0xc1: {  	[tilespmem:v1+s23+$0x0] =	vst.idx.add.f32.msk $0xffff, v0  }
0xc2: {  	v1 =	vld [tilespmem:s11+$0x8B0];
	_ =	sdelay $0x7  }
0xc3: {  	[tilespmem:v1+s23+$0x0] =	vst.idx.add.f32.msk $0xffff, v0  }
0xc4: {  	v1 =	vld [tilespmem:s11+$0x8C0];
	_ =	sdelay $0x7  }
0xc5: {  	[tilespmem:v1+s23+$0x0] =	vst.idx.add.f32.msk $0xffff, v0  }
0xc6: {  	v1 =	vld [tilespmem:s11+$0x8D0];
	_ =	sdelay $0x7  }
0xc7: {  	[tilespmem:v1+s23+$0x0] =	vst.idx.add.f32.msk $0xffff, v0  }
0xc8: {  	v1 =	vld [tilespmem:s11+$0x8E0];
	_ =	sdelay $0x7  }
0xc9: {  	[tilespmem:v1+s23+$0x0] =	vst.idx.add.f32.msk $0xffff, v0  }
0xca: {  	v1 =	vld [tilespmem:s11+$0x8F0];
	_ =	sdelay $0x5  }
0xcb: {  	p1 =	sne.s32 s10, $0x1800  }
.Ltmp1:
0xcc: {  	_ = 	snop;
	(pc) =	sbr.rel @p1 .LBB2_4-.Ltmp1, $4  }
0xcd: {  	[tilespmem:v1+s23+$0x0] =	vst.idx.add.f32.msk $0xffff, v0  }
0xce: {  	_ =	swait.ge [sflag:s30], $0x4000  }
0xcf: {  	[sflag:s30] =	ssyncset.done $0x0  }
0xd0: {  	s10 =	sadd.s32 $0x400, s10;
	[sflag:s30] =	ssyncadd.s32 $0xFFFFC000  }
0xd1: {  	[tilespmem:s31], [sflag:$0x2] =	stream.indirect.gather [hbm4b:s1+s28], $0x80, s5, s28, $0xb8;
	[tilespmem:$0x1F400] =	vst v63  }
0xd2: {  	_ =	swait.ge [sflag:s0], $0x4000  }
0xd3: {  	[sflag:s0] =	ssyncset.done $0x0  }
0xd4: {  	[sflag:s0] =	ssyncadd.s32 $0xFFFFC000  }
0xd5: {  	[spmem:s2] =	stream.indirect.scatter.add.f32 [tilespmem:s29], [sflag:$0x3], $0x80, s6, s28, $0xb8;
	[tilespmem:$0x1F400] =	vst v63  }
0xd6: {  	v1 =	vld [tilespmem:$0xF00];
	_ =	sdelay $0x7  }
0xd7: {  	[tilespmem:v1+s23+$0x0] =	vst.idx.add.f32.msk $0xffff, v0  }
0xd8: {  	v1 =	vld [tilespmem:$0xF10];
	_ =	sdelay $0x7  }
0xd9: {  	[tilespmem:v1+s23+$0x0] =	vst.idx.add.f32.msk $0xffff, v0  }
0xda: {  	v1 =	vld [tilespmem:$0xF20];
	_ =	sdelay $0x7  }
0xdb: {  	[tilespmem:v1+s23+$0x0] =	vst.idx.add.f32.msk $0xffff, v0  }
0xdc: {  	v1 =	vld [tilespmem:$0xF30];
	_ =	sdelay $0x7  }
0xdd: {  	[tilespmem:v1+s23+$0x0] =	vst.idx.add.f32.msk $0xffff, v0  }
0xde: {  	v1 =	vld [tilespmem:$0xF40];
	_ =	sdelay $0x7  }
0xdf: {  	[tilespmem:v1+s23+$0x0] =	vst.idx.add.f32.msk $0xffff, v0  }
0xe0: {  	v1 =	vld [tilespmem:$0xF50];
	_ =	sdelay $0x7  }
0xe1: {  	[tilespmem:v1+s23+$0x0] =	vst.idx.add.f32.msk $0xffff, v0  }
0xe2: {  	v1 =	vld [tilespmem:$0xF60];
	_ =	sdelay $0x7  }
0xe3: {  	[tilespmem:v1+s23+$0x0] =	vst.idx.add.f32.msk $0xffff, v0  }
0xe4: {  	v1 =	vld [tilespmem:$0xF70];
	_ =	sdelay $0x7  }
0xe5: {  	[tilespmem:v1+s23+$0x0] =	vst.idx.add.f32.msk $0xffff, v0  }
0xe6: {  	_ =	swait.ge [sflag:s30], $0x4000  }
0xe7: {  	[sflag:s30] =	ssyncset.done $0x0  }
0xe8: {  	[sflag:s30] =	ssyncadd.s32 $0xFFFFC000  }
0xe9: {  	_ =	swait.ge [sflag:s3], $0x4000  }
0xea: {  	[sflag:s3] =	ssyncset.done $0x0  }
0xeb: {  	[sflag:s3] =	ssyncadd.s32 $0xFFFFC000  }
0xec: {  	[spmem:s2] =	stream.indirect.scatter.add.f32 [tilespmem:s31], [sflag:$0x3], $0x80, s8, s28, $0xb8;
	[tilespmem:$0x1F400] =	vst v63  }
0xed: {  	v1 =	vld [tilespmem:$0xF80];
	_ =	sdelay $0x7  }
0xee: {  	[tilespmem:v1+s23+$0x0] =	vst.idx.add.f32.msk $0xffff, v0  }
0xef: {  	v1 =	vld [tilespmem:$0xF90];
	_ =	sdelay $0x7  }
0xf0: {  	[tilespmem:v1+s23+$0x0] =	vst.idx.add.f32.msk $0xffff, v0  }
0xf1: {  	v1 =	vld [tilespmem:$0xFA0];
	_ =	sdelay $0x7  }
0xf2: {  	[tilespmem:v1+s23+$0x0] =	vst.idx.add.f32.msk $0xffff, v0  }
0xf3: {  	v1 =	vld [tilespmem:$0xFB0];
	_ =	sdelay $0x7  }
0xf4: {  	[tilespmem:v1+s23+$0x0] =	vst.idx.add.f32.msk $0xffff, v0  }
0xf5: {  	v1 =	vld [tilespmem:$0xFC0];
	_ =	sdelay $0x7  }
0xf6: {  	[tilespmem:v1+s23+$0x0] =	vst.idx.add.f32.msk $0xffff, v0  }
0xf7: {  	v1 =	vld [tilespmem:$0xFD0];
	_ =	sdelay $0x7  }
0xf8: {  	[tilespmem:v1+s23+$0x0] =	vst.idx.add.f32.msk $0xffff, v0  }
0xf9: {  	v1 =	vld [tilespmem:$0xFE0];
	_ =	sdelay $0x7  }
0xfa: {  	[tilespmem:v1+s23+$0x0] =	vst.idx.add.f32.msk $0xffff, v0  }
0xfb: {  	v1 =	vld [tilespmem:$0xFF0];
	_ =	sdelay $0x7  }
0xfc: {  	[tilespmem:v1+s23+$0x0] =	vst.idx.add.f32.msk $0xffff, v0  }
0xfd: {  	_ =	swait.ge [sflag:s30], $0x4000  }
0xfe: {  	[sflag:s30] =	ssyncset.done $0x0  }
0xff: {  	s10 =	simm.s32 $0x0;
	[sflag:s30] =	ssyncadd.s32 $0xFFFFC000  }
0x100: {  	[tilespmem:s10], [sflag:$0x4] =	stream.linear.gather [hbm4b:s13+s10], $0x800, $0x38;
	[tilespmem:$0x1F400] =	vst v63  }
0x101: {  	_ =	swait.ge [sflag:s24], $0x800  }
0x102: {  	[sflag:s24] =	ssyncset.done $0x0  }
0x103: {  	[sflag:s24] =	ssyncadd.s32 $0xFFFFF800  }
0x104: {  	[tilespmem:s26], [sflag:$0x4] =	stream.linear.gather [hbm4b:s14+s10], $0x800, $0x38;
	[tilespmem:$0x1F400] =	vst v63  }
0x105: {  	_ =	swait.ge [sflag:s24], $0x800  }
0x106: {  	[sflag:s24] =	ssyncset.done $0x0  }
0x107: {  	[sflag:s24] =	ssyncadd.s32 $0xFFFFF800  }
0x108: {  	[tilespmem:s29], [sflag:$0x1] =	stream.indirect.gather [hbm4b:s1+s28], $0x80, s10, s28, $0xb8;
	[tilespmem:$0x1F400] =	vst v63  }
.LBB2_6:
0x109: {  	s11 =	sshra.s32 s10, $0x2  }
0x10a: {  	s12 =	sadd.s32 $0x80, s11  }
0x10b: {  	[tilespmem:s31], [sflag:$0x2] =	stream.indirect.gather [hbm4b:s1+s28], $0x80, s12, s28, $0xb8;
	[tilespmem:$0x1F400] =	vst v63  }
0x10c: {  	_ =	swait.ge [sflag:s0], $0x4000  }
0x10d: {  	[sflag:s0] =	ssyncset.done $0x0  }
0x10e: {  	s12 =	sadd.s32 $0x800, s11;
	[sflag:s0] =	ssyncadd.s32 $0xFFFFC000  }
0x10f: {  	[spmem:s2] =	stream.indirect.scatter.add.f32 [tilespmem:s29], [sflag:$0x3], $0x80, s12, s28, $0xb8;
	[tilespmem:$0x1F400] =	vst v63  }
0x110: {  	v1 =	vld [tilespmem:s11+$0x800];
	_ =	sdelay $0x7  }
0x111: {  	[tilespmem:v1+s23+$0x0] =	vst.idx.add.f32.msk $0xffff, v0  }
0x112: {  	v1 =	vld [tilespmem:s11+$0x810];
	_ =	sdelay $0x7  }
0x113: {  	[tilespmem:v1+s23+$0x0] =	vst.idx.add.f32.msk $0xffff, v0  }
0x114: {  	v1 =	vld [tilespmem:s11+$0x820];
	_ =	sdelay $0x7  }
0x115: {  	[tilespmem:v1+s23+$0x0] =	vst.idx.add.f32.msk $0xffff, v0  }
0x116: {  	v1 =	vld [tilespmem:s11+$0x830];
	_ =	sdelay $0x7  }
0x117: {  	[tilespmem:v1+s23+$0x0] =	vst.idx.add.f32.msk $0xffff, v0  }
0x118: {  	v1 =	vld [tilespmem:s11+$0x840];
	_ =	sdelay $0x7  }
0x119: {  	[tilespmem:v1+s23+$0x0] =	vst.idx.add.f32.msk $0xffff, v0  }
0x11a: {  	v1 =	vld [tilespmem:s11+$0x850];
	_ =	sdelay $0x7  }
0x11b: {  	[tilespmem:v1+s23+$0x0] =	vst.idx.add.f32.msk $0xffff, v0  }
0x11c: {  	v1 =	vld [tilespmem:s11+$0x860];
	_ =	sdelay $0x7  }
0x11d: {  	[tilespmem:v1+s23+$0x0] =	vst.idx.add.f32.msk $0xffff, v0  }
0x11e: {  	v1 =	vld [tilespmem:s11+$0x870];
	_ =	sdelay $0x7  }
0x11f: {  	[tilespmem:v1+s23+$0x0] =	vst.idx.add.f32.msk $0xffff, v0  }
0x120: {  	_ =	swait.ge [sflag:s30], $0x4000  }
0x121: {  	[sflag:s30] =	ssyncset.done $0x0  }
0x122: {  	s12 =	sadd.s32 $0x100, s11;
	[sflag:s30] =	ssyncadd.s32 $0xFFFFC000  }
0x123: {  	[tilespmem:s29], [sflag:$0x1] =	stream.indirect.gather [hbm4b:s1+s28], $0x80, s12, s28, $0xb8;
	[tilespmem:$0x1F400] =	vst v63  }
0x124: {  	_ =	swait.ge [sflag:s3], $0x4000  }
0x125: {  	[sflag:s3] =	ssyncset.done $0x0  }
0x126: {  	s12 =	sadd.s32 $0x880, s11;
	[sflag:s3] =	ssyncadd.s32 $0xFFFFC000  }
0x127: {  	[spmem:s2] =	stream.indirect.scatter.add.f32 [tilespmem:s31], [sflag:$0x3], $0x80, s12, s28, $0xb8;
	[tilespmem:$0x1F400] =	vst v63  }
0x128: {  	v1 =	vld [tilespmem:s11+$0x880];
	_ =	sdelay $0x7  }
0x129: {  	[tilespmem:v1+s23+$0x0] =	vst.idx.add.f32.msk $0xffff, v0  }
0x12a: {  	v1 =	vld [tilespmem:s11+$0x890];
	_ =	sdelay $0x7  }
0x12b: {  	[tilespmem:v1+s23+$0x0] =	vst.idx.add.f32.msk $0xffff, v0  }
0x12c: {  	v1 =	vld [tilespmem:s11+$0x8A0];
	_ =	sdelay $0x7  }
0x12d: {  	[tilespmem:v1+s23+$0x0] =	vst.idx.add.f32.msk $0xffff, v0  }
0x12e: {  	v1 =	vld [tilespmem:s11+$0x8B0];
	_ =	sdelay $0x7  }
0x12f: {  	[tilespmem:v1+s23+$0x0] =	vst.idx.add.f32.msk $0xffff, v0  }
0x130: {  	v1 =	vld [tilespmem:s11+$0x8C0];
	_ =	sdelay $0x7  }
0x131: {  	[tilespmem:v1+s23+$0x0] =	vst.idx.add.f32.msk $0xffff, v0  }
0x132: {  	v1 =	vld [tilespmem:s11+$0x8D0];
	_ =	sdelay $0x7  }
0x133: {  	[tilespmem:v1+s23+$0x0] =	vst.idx.add.f32.msk $0xffff, v0  }
0x134: {  	v1 =	vld [tilespmem:s11+$0x8E0];
	_ =	sdelay $0x7  }
0x135: {  	[tilespmem:v1+s23+$0x0] =	vst.idx.add.f32.msk $0xffff, v0  }
0x136: {  	v1 =	vld [tilespmem:s11+$0x8F0];
	_ =	sdelay $0x5  }
0x137: {  	p1 =	sne.s32 s10, $0x1800  }
.Ltmp2:
0x138: {  	_ = 	snop;
	(pc) =	sbr.rel @p1 .LBB2_6-.Ltmp2, $4  }
0x139: {  	[tilespmem:v1+s23+$0x0] =	vst.idx.add.f32.msk $0xffff, v0  }
0x13a: {  	_ =	swait.ge [sflag:s30], $0x4000  }
0x13b: {  	[sflag:s30] =	ssyncset.done $0x0  }
0x13c: {  	s10 =	sadd.s32 $0x400, s10;
	[sflag:s30] =	ssyncadd.s32 $0xFFFFC000  }
0x13d: {  	[tilespmem:s31], [sflag:$0x2] =	stream.indirect.gather [hbm4b:s1+s28], $0x80, s5, s28, $0xb8;
	[tilespmem:$0x1F400] =	vst v63  }
0x13e: {  	_ =	swait.ge [sflag:s0], $0x4000  }
0x13f: {  	[sflag:s0] =	ssyncset.done $0x0  }
0x140: {  	[sflag:s0] =	ssyncadd.s32 $0xFFFFC000  }
0x141: {  	[spmem:s2] =	stream.indirect.scatter.add.f32 [tilespmem:s29], [sflag:$0x3], $0x80, s6, s28, $0xb8;
	[tilespmem:$0x1F400] =	vst v63  }
0x142: {  	v1 =	vld [tilespmem:$0xF00];
	_ =	sdelay $0x7  }
0x143: {  	[tilespmem:v1+s23+$0x0] =	vst.idx.add.f32.msk $0xffff, v0  }
0x144: {  	v1 =	vld [tilespmem:$0xF10];
	_ =	sdelay $0x7  }
0x145: {  	[tilespmem:v1+s23+$0x0] =	vst.idx.add.f32.msk $0xffff, v0  }
0x146: {  	v1 =	vld [tilespmem:$0xF20];
	_ =	sdelay $0x7  }
0x147: {  	[tilespmem:v1+s23+$0x0] =	vst.idx.add.f32.msk $0xffff, v0  }
0x148: {  	v1 =	vld [tilespmem:$0xF30];
	_ =	sdelay $0x7  }
0x149: {  	[tilespmem:v1+s23+$0x0] =	vst.idx.add.f32.msk $0xffff, v0  }
0x14a: {  	v1 =	vld [tilespmem:$0xF40];
	_ =	sdelay $0x7  }
0x14b: {  	[tilespmem:v1+s23+$0x0] =	vst.idx.add.f32.msk $0xffff, v0  }
0x14c: {  	v1 =	vld [tilespmem:$0xF50];
	_ =	sdelay $0x7  }
0x14d: {  	[tilespmem:v1+s23+$0x0] =	vst.idx.add.f32.msk $0xffff, v0  }
0x14e: {  	v1 =	vld [tilespmem:$0xF60];
	_ =	sdelay $0x7  }
0x14f: {  	[tilespmem:v1+s23+$0x0] =	vst.idx.add.f32.msk $0xffff, v0  }
0x150: {  	v1 =	vld [tilespmem:$0xF70];
	_ =	sdelay $0x7  }
0x151: {  	[tilespmem:v1+s23+$0x0] =	vst.idx.add.f32.msk $0xffff, v0  }
0x152: {  	_ =	swait.ge [sflag:s30], $0x4000  }
0x153: {  	[sflag:s30] =	ssyncset.done $0x0  }
0x154: {  	[sflag:s30] =	ssyncadd.s32 $0xFFFFC000  }
0x155: {  	_ =	swait.ge [sflag:s3], $0x4000  }
0x156: {  	[sflag:s3] =	ssyncset.done $0x0  }
0x157: {  	[sflag:s3] =	ssyncadd.s32 $0xFFFFC000  }
0x158: {  	[spmem:s2] =	stream.indirect.scatter.add.f32 [tilespmem:s31], [sflag:$0x3], $0x80, s8, s28, $0xb8;
	[tilespmem:$0x1F400] =	vst v63  }
0x159: {  	v1 =	vld [tilespmem:$0xF80];
	_ =	sdelay $0x7  }
0x15a: {  	[tilespmem:v1+s23+$0x0] =	vst.idx.add.f32.msk $0xffff, v0  }
0x15b: {  	v1 =	vld [tilespmem:$0xF90];
	_ =	sdelay $0x7  }
0x15c: {  	[tilespmem:v1+s23+$0x0] =	vst.idx.add.f32.msk $0xffff, v0  }
0x15d: {  	v1 =	vld [tilespmem:$0xFA0];
	_ =	sdelay $0x7  }
0x15e: {  	[tilespmem:v1+s23+$0x0] =	vst.idx.add.f32.msk $0xffff, v0  }
0x15f: {  	v1 =	vld [tilespmem:$0xFB0];
	_ =	sdelay $0x7  }
0x160: {  	[tilespmem:v1+s23+$0x0] =	vst.idx.add.f32.msk $0xffff, v0  }
0x161: {  	v1 =	vld [tilespmem:$0xFC0];
	_ =	sdelay $0x7  }
0x162: {  	[tilespmem:v1+s23+$0x0] =	vst.idx.add.f32.msk $0xffff, v0  }
0x163: {  	v1 =	vld [tilespmem:$0xFD0];
	_ =	sdelay $0x7  }
0x164: {  	[tilespmem:v1+s23+$0x0] =	vst.idx.add.f32.msk $0xffff, v0  }
0x165: {  	v1 =	vld [tilespmem:$0xFE0];
	_ =	sdelay $0x7  }
0x166: {  	[tilespmem:v1+s23+$0x0] =	vst.idx.add.f32.msk $0xffff, v0  }
0x167: {  	v1 =	vld [tilespmem:$0xFF0];
	_ =	sdelay $0x7  }
0x168: {  	[tilespmem:v1+s23+$0x0] =	vst.idx.add.f32.msk $0xffff, v0  }
0x169: {  	_ =	swait.ge [sflag:s30], $0x4000  }
0x16a: {  	[sflag:s30] =	ssyncset.done $0x0  }
0x16b: {  	s10 =	simm.s32 $0x0;
	[sflag:s30] =	ssyncadd.s32 $0xFFFFC000  }
0x16c: {  	[tilespmem:s10], [sflag:$0x4] =	stream.linear.gather [hbm4b:s15+s10], $0x800, $0x38;
	[tilespmem:$0x1F400] =	vst v63  }
0x16d: {  	_ =	swait.ge [sflag:s24], $0x800  }
0x16e: {  	[sflag:s24] =	ssyncset.done $0x0  }
0x16f: {  	[sflag:s24] =	ssyncadd.s32 $0xFFFFF800  }
0x170: {  	[tilespmem:s26], [sflag:$0x4] =	stream.linear.gather [hbm4b:s16+s10], $0x800, $0x38;
	[tilespmem:$0x1F400] =	vst v63  }
0x171: {  	_ =	swait.ge [sflag:s24], $0x800  }
0x172: {  	[sflag:s24] =	ssyncset.done $0x0  }
0x173: {  	[sflag:s24] =	ssyncadd.s32 $0xFFFFF800  }
0x174: {  	[tilespmem:s29], [sflag:$0x1] =	stream.indirect.gather [hbm4b:s1+s28], $0x80, s10, s28, $0xb8;
	[tilespmem:$0x1F400] =	vst v63  }
.LBB2_8:
0x175: {  	s11 =	sshra.s32 s10, $0x2  }
0x176: {  	s12 =	sadd.s32 $0x80, s11  }
0x177: {  	[tilespmem:s31], [sflag:$0x2] =	stream.indirect.gather [hbm4b:s1+s28], $0x80, s12, s28, $0xb8;
	[tilespmem:$0x1F400] =	vst v63  }
0x178: {  	_ =	swait.ge [sflag:s0], $0x4000  }
0x179: {  	[sflag:s0] =	ssyncset.done $0x0  }
0x17a: {  	s12 =	sadd.s32 $0x800, s11;
	[sflag:s0] =	ssyncadd.s32 $0xFFFFC000  }
0x17b: {  	[spmem:s2] =	stream.indirect.scatter.add.f32 [tilespmem:s29], [sflag:$0x3], $0x80, s12, s28, $0xb8;
	[tilespmem:$0x1F400] =	vst v63  }
0x17c: {  	v1 =	vld [tilespmem:s11+$0x800];
	_ =	sdelay $0x7  }
0x17d: {  	[tilespmem:v1+s23+$0x0] =	vst.idx.add.f32.msk $0xffff, v0  }
0x17e: {  	v1 =	vld [tilespmem:s11+$0x810];
	_ =	sdelay $0x7  }
0x17f: {  	[tilespmem:v1+s23+$0x0] =	vst.idx.add.f32.msk $0xffff, v0  }
0x180: {  	v1 =	vld [tilespmem:s11+$0x820];
	_ =	sdelay $0x7  }
0x181: {  	[tilespmem:v1+s23+$0x0] =	vst.idx.add.f32.msk $0xffff, v0  }
0x182: {  	v1 =	vld [tilespmem:s11+$0x830];
	_ =	sdelay $0x7  }
0x183: {  	[tilespmem:v1+s23+$0x0] =	vst.idx.add.f32.msk $0xffff, v0  }
0x184: {  	v1 =	vld [tilespmem:s11+$0x840];
	_ =	sdelay $0x7  }
0x185: {  	[tilespmem:v1+s23+$0x0] =	vst.idx.add.f32.msk $0xffff, v0  }
0x186: {  	v1 =	vld [tilespmem:s11+$0x850];
	_ =	sdelay $0x7  }
0x187: {  	[tilespmem:v1+s23+$0x0] =	vst.idx.add.f32.msk $0xffff, v0  }
0x188: {  	v1 =	vld [tilespmem:s11+$0x860];
	_ =	sdelay $0x7  }
0x189: {  	[tilespmem:v1+s23+$0x0] =	vst.idx.add.f32.msk $0xffff, v0  }
0x18a: {  	v1 =	vld [tilespmem:s11+$0x870];
	_ =	sdelay $0x7  }
0x18b: {  	[tilespmem:v1+s23+$0x0] =	vst.idx.add.f32.msk $0xffff, v0  }
0x18c: {  	_ =	swait.ge [sflag:s30], $0x4000  }
0x18d: {  	[sflag:s30] =	ssyncset.done $0x0  }
0x18e: {  	s12 =	sadd.s32 $0x100, s11;
	[sflag:s30] =	ssyncadd.s32 $0xFFFFC000  }
0x18f: {  	[tilespmem:s29], [sflag:$0x1] =	stream.indirect.gather [hbm4b:s1+s28], $0x80, s12, s28, $0xb8;
	[tilespmem:$0x1F400] =	vst v63  }
0x190: {  	_ =	swait.ge [sflag:s3], $0x4000  }
0x191: {  	[sflag:s3] =	ssyncset.done $0x0  }
0x192: {  	s12 =	sadd.s32 $0x880, s11;
	[sflag:s3] =	ssyncadd.s32 $0xFFFFC000  }
0x193: {  	[spmem:s2] =	stream.indirect.scatter.add.f32 [tilespmem:s31], [sflag:$0x3], $0x80, s12, s28, $0xb8;
	[tilespmem:$0x1F400] =	vst v63  }
0x194: {  	v1 =	vld [tilespmem:s11+$0x880];
	_ =	sdelay $0x7  }
0x195: {  	[tilespmem:v1+s23+$0x0] =	vst.idx.add.f32.msk $0xffff, v0  }
0x196: {  	v1 =	vld [tilespmem:s11+$0x890];
	_ =	sdelay $0x7  }
0x197: {  	[tilespmem:v1+s23+$0x0] =	vst.idx.add.f32.msk $0xffff, v0  }
0x198: {  	v1 =	vld [tilespmem:s11+$0x8A0];
	_ =	sdelay $0x7  }
0x199: {  	[tilespmem:v1+s23+$0x0] =	vst.idx.add.f32.msk $0xffff, v0  }
0x19a: {  	v1 =	vld [tilespmem:s11+$0x8B0];
	_ =	sdelay $0x7  }
0x19b: {  	[tilespmem:v1+s23+$0x0] =	vst.idx.add.f32.msk $0xffff, v0  }
0x19c: {  	v1 =	vld [tilespmem:s11+$0x8C0];
	_ =	sdelay $0x7  }
0x19d: {  	[tilespmem:v1+s23+$0x0] =	vst.idx.add.f32.msk $0xffff, v0  }
0x19e: {  	v1 =	vld [tilespmem:s11+$0x8D0];
	_ =	sdelay $0x7  }
0x19f: {  	[tilespmem:v1+s23+$0x0] =	vst.idx.add.f32.msk $0xffff, v0  }
0x1a0: {  	v1 =	vld [tilespmem:s11+$0x8E0];
	_ =	sdelay $0x7  }
0x1a1: {  	[tilespmem:v1+s23+$0x0] =	vst.idx.add.f32.msk $0xffff, v0  }
0x1a2: {  	v1 =	vld [tilespmem:s11+$0x8F0];
	_ =	sdelay $0x5  }
0x1a3: {  	p1 =	sne.s32 s10, $0x1800  }
.Ltmp3:
0x1a4: {  	_ = 	snop;
	(pc) =	sbr.rel @p1 .LBB2_8-.Ltmp3, $4  }
0x1a5: {  	[tilespmem:v1+s23+$0x0] =	vst.idx.add.f32.msk $0xffff, v0  }
0x1a6: {  	_ =	swait.ge [sflag:s30], $0x4000  }
0x1a7: {  	[sflag:s30] =	ssyncset.done $0x0  }
0x1a8: {  	s10 =	sadd.s32 $0x400, s10;
	[sflag:s30] =	ssyncadd.s32 $0xFFFFC000  }
0x1a9: {  	[tilespmem:s31], [sflag:$0x2] =	stream.indirect.gather [hbm4b:s1+s28], $0x80, s5, s28, $0xb8;
	[tilespmem:$0x1F400] =	vst v63  }
0x1aa: {  	_ =	swait.ge [sflag:s0], $0x4000  }
0x1ab: {  	[sflag:s0] =	ssyncset.done $0x0  }
0x1ac: {  	[sflag:s0] =	ssyncadd.s32 $0xFFFFC000  }
0x1ad: {  	[spmem:s2] =	stream.indirect.scatter.add.f32 [tilespmem:s29], [sflag:$0x3], $0x80, s6, s28, $0xb8;
	[tilespmem:$0x1F400] =	vst v63  }
0x1ae: {  	v1 =	vld [tilespmem:$0xF00];
	_ =	sdelay $0x7  }
0x1af: {  	[tilespmem:v1+s23+$0x0] =	vst.idx.add.f32.msk $0xffff, v0  }
0x1b0: {  	v1 =	vld [tilespmem:$0xF10];
	_ =	sdelay $0x7  }
0x1b1: {  	[tilespmem:v1+s23+$0x0] =	vst.idx.add.f32.msk $0xffff, v0  }
0x1b2: {  	v1 =	vld [tilespmem:$0xF20];
	_ =	sdelay $0x7  }
0x1b3: {  	[tilespmem:v1+s23+$0x0] =	vst.idx.add.f32.msk $0xffff, v0  }
0x1b4: {  	v1 =	vld [tilespmem:$0xF30];
	_ =	sdelay $0x7  }
0x1b5: {  	[tilespmem:v1+s23+$0x0] =	vst.idx.add.f32.msk $0xffff, v0  }
0x1b6: {  	v1 =	vld [tilespmem:$0xF40];
	_ =	sdelay $0x7  }
0x1b7: {  	[tilespmem:v1+s23+$0x0] =	vst.idx.add.f32.msk $0xffff, v0  }
0x1b8: {  	v1 =	vld [tilespmem:$0xF50];
	_ =	sdelay $0x7  }
0x1b9: {  	[tilespmem:v1+s23+$0x0] =	vst.idx.add.f32.msk $0xffff, v0  }
0x1ba: {  	v1 =	vld [tilespmem:$0xF60];
	_ =	sdelay $0x7  }
0x1bb: {  	[tilespmem:v1+s23+$0x0] =	vst.idx.add.f32.msk $0xffff, v0  }
0x1bc: {  	v1 =	vld [tilespmem:$0xF70];
	_ =	sdelay $0x7  }
0x1bd: {  	[tilespmem:v1+s23+$0x0] =	vst.idx.add.f32.msk $0xffff, v0  }
0x1be: {  	_ =	swait.ge [sflag:s30], $0x4000  }
0x1bf: {  	[sflag:s30] =	ssyncset.done $0x0  }
0x1c0: {  	[sflag:s30] =	ssyncadd.s32 $0xFFFFC000  }
0x1c1: {  	_ =	swait.ge [sflag:s3], $0x4000  }
0x1c2: {  	[sflag:s3] =	ssyncset.done $0x0  }
0x1c3: {  	[sflag:s3] =	ssyncadd.s32 $0xFFFFC000  }
0x1c4: {  	[spmem:s2] =	stream.indirect.scatter.add.f32 [tilespmem:s31], [sflag:$0x3], $0x80, s8, s28, $0xb8;
	[tilespmem:$0x1F400] =	vst v63  }
0x1c5: {  	v1 =	vld [tilespmem:$0xF80];
	_ =	sdelay $0x7  }
0x1c6: {  	[tilespmem:v1+s23+$0x0] =	vst.idx.add.f32.msk $0xffff, v0  }
0x1c7: {  	v1 =	vld [tilespmem:$0xF90];
	_ =	sdelay $0x7  }
0x1c8: {  	[tilespmem:v1+s23+$0x0] =	vst.idx.add.f32.msk $0xffff, v0  }
0x1c9: {  	v1 =	vld [tilespmem:$0xFA0];
	_ =	sdelay $0x7  }
0x1ca: {  	[tilespmem:v1+s23+$0x0] =	vst.idx.add.f32.msk $0xffff, v0  }
0x1cb: {  	v1 =	vld [tilespmem:$0xFB0];
	_ =	sdelay $0x7  }
0x1cc: {  	[tilespmem:v1+s23+$0x0] =	vst.idx.add.f32.msk $0xffff, v0  }
0x1cd: {  	v1 =	vld [tilespmem:$0xFC0];
	_ =	sdelay $0x7  }
0x1ce: {  	[tilespmem:v1+s23+$0x0] =	vst.idx.add.f32.msk $0xffff, v0  }
0x1cf: {  	v1 =	vld [tilespmem:$0xFD0];
	_ =	sdelay $0x7  }
0x1d0: {  	[tilespmem:v1+s23+$0x0] =	vst.idx.add.f32.msk $0xffff, v0  }
0x1d1: {  	v1 =	vld [tilespmem:$0xFE0];
	_ =	sdelay $0x7  }
0x1d2: {  	[tilespmem:v1+s23+$0x0] =	vst.idx.add.f32.msk $0xffff, v0  }
0x1d3: {  	v1 =	vld [tilespmem:$0xFF0];
	_ =	sdelay $0x7  }
0x1d4: {  	[tilespmem:v1+s23+$0x0] =	vst.idx.add.f32.msk $0xffff, v0  }
0x1d5: {  	_ =	swait.ge [sflag:s30], $0x4000  }
0x1d6: {  	[sflag:s30] =	ssyncset.done $0x0  }
0x1d7: {  	s10 =	simm.s32 $0x0;
	[sflag:s30] =	ssyncadd.s32 $0xFFFFC000  }
0x1d8: {  	[tilespmem:s10], [sflag:$0x4] =	stream.linear.gather [hbm4b:s17+s10], $0x800, $0x38;
	[tilespmem:$0x1F400] =	vst v63  }
0x1d9: {  	_ =	swait.ge [sflag:s24], $0x800  }
0x1da: {  	[sflag:s24] =	ssyncset.done $0x0  }
0x1db: {  	[sflag:s24] =	ssyncadd.s32 $0xFFFFF800  }
0x1dc: {  	[tilespmem:s26], [sflag:$0x4] =	stream.linear.gather [hbm4b:s18+s10], $0x800, $0x38;
	[tilespmem:$0x1F400] =	vst v63  }
0x1dd: {  	_ =	swait.ge [sflag:s24], $0x800  }
0x1de: {  	[sflag:s24] =	ssyncset.done $0x0  }
0x1df: {  	[sflag:s24] =	ssyncadd.s32 $0xFFFFF800  }
0x1e0: {  	[tilespmem:s29], [sflag:$0x1] =	stream.indirect.gather [hbm4b:s1+s28], $0x80, s10, s28, $0xb8;
	[tilespmem:$0x1F400] =	vst v63  }
.LBB2_10:
0x1e1: {  	s11 =	sshra.s32 s10, $0x2  }
0x1e2: {  	s12 =	sadd.s32 $0x80, s11  }
0x1e3: {  	[tilespmem:s31], [sflag:$0x2] =	stream.indirect.gather [hbm4b:s1+s28], $0x80, s12, s28, $0xb8;
	[tilespmem:$0x1F400] =	vst v63  }
0x1e4: {  	_ =	swait.ge [sflag:s0], $0x4000  }
0x1e5: {  	[sflag:s0] =	ssyncset.done $0x0  }
0x1e6: {  	s12 =	sadd.s32 $0x800, s11;
	[sflag:s0] =	ssyncadd.s32 $0xFFFFC000  }
0x1e7: {  	[spmem:s2] =	stream.indirect.scatter.add.f32 [tilespmem:s29], [sflag:$0x3], $0x80, s12, s28, $0xb8;
	[tilespmem:$0x1F400] =	vst v63  }
0x1e8: {  	v1 =	vld [tilespmem:s11+$0x800];
	_ =	sdelay $0x7  }
0x1e9: {  	[tilespmem:v1+s23+$0x0] =	vst.idx.add.f32.msk $0xffff, v0  }
0x1ea: {  	v1 =	vld [tilespmem:s11+$0x810];
	_ =	sdelay $0x7  }
0x1eb: {  	[tilespmem:v1+s23+$0x0] =	vst.idx.add.f32.msk $0xffff, v0  }
0x1ec: {  	v1 =	vld [tilespmem:s11+$0x820];
	_ =	sdelay $0x7  }
0x1ed: {  	[tilespmem:v1+s23+$0x0] =	vst.idx.add.f32.msk $0xffff, v0  }
0x1ee: {  	v1 =	vld [tilespmem:s11+$0x830];
	_ =	sdelay $0x7  }
0x1ef: {  	[tilespmem:v1+s23+$0x0] =	vst.idx.add.f32.msk $0xffff, v0  }
0x1f0: {  	v1 =	vld [tilespmem:s11+$0x840];
	_ =	sdelay $0x7  }
0x1f1: {  	[tilespmem:v1+s23+$0x0] =	vst.idx.add.f32.msk $0xffff, v0  }
0x1f2: {  	v1 =	vld [tilespmem:s11+$0x850];
	_ =	sdelay $0x7  }
0x1f3: {  	[tilespmem:v1+s23+$0x0] =	vst.idx.add.f32.msk $0xffff, v0  }
0x1f4: {  	v1 =	vld [tilespmem:s11+$0x860];
	_ =	sdelay $0x7  }
0x1f5: {  	[tilespmem:v1+s23+$0x0] =	vst.idx.add.f32.msk $0xffff, v0  }
0x1f6: {  	v1 =	vld [tilespmem:s11+$0x870];
	_ =	sdelay $0x7  }
0x1f7: {  	[tilespmem:v1+s23+$0x0] =	vst.idx.add.f32.msk $0xffff, v0  }
0x1f8: {  	_ =	swait.ge [sflag:s30], $0x4000  }
0x1f9: {  	[sflag:s30] =	ssyncset.done $0x0  }
0x1fa: {  	s12 =	sadd.s32 $0x100, s11;
	[sflag:s30] =	ssyncadd.s32 $0xFFFFC000  }
0x1fb: {  	[tilespmem:s29], [sflag:$0x1] =	stream.indirect.gather [hbm4b:s1+s28], $0x80, s12, s28, $0xb8;
	[tilespmem:$0x1F400] =	vst v63  }
0x1fc: {  	_ =	swait.ge [sflag:s3], $0x4000  }
0x1fd: {  	[sflag:s3] =	ssyncset.done $0x0  }
0x1fe: {  	s12 =	sadd.s32 $0x880, s11;
	[sflag:s3] =	ssyncadd.s32 $0xFFFFC000  }
0x1ff: {  	[spmem:s2] =	stream.indirect.scatter.add.f32 [tilespmem:s31], [sflag:$0x3], $0x80, s12, s28, $0xb8;
	[tilespmem:$0x1F400] =	vst v63  }
0x200: {  	v1 =	vld [tilespmem:s11+$0x880];
	_ =	sdelay $0x7  }
0x201: {  	[tilespmem:v1+s23+$0x0] =	vst.idx.add.f32.msk $0xffff, v0  }
0x202: {  	v1 =	vld [tilespmem:s11+$0x890];
	_ =	sdelay $0x7  }
0x203: {  	[tilespmem:v1+s23+$0x0] =	vst.idx.add.f32.msk $0xffff, v0  }
0x204: {  	v1 =	vld [tilespmem:s11+$0x8A0];
	_ =	sdelay $0x7  }
0x205: {  	[tilespmem:v1+s23+$0x0] =	vst.idx.add.f32.msk $0xffff, v0  }
0x206: {  	v1 =	vld [tilespmem:s11+$0x8B0];
	_ =	sdelay $0x7  }
0x207: {  	[tilespmem:v1+s23+$0x0] =	vst.idx.add.f32.msk $0xffff, v0  }
0x208: {  	v1 =	vld [tilespmem:s11+$0x8C0];
	_ =	sdelay $0x7  }
0x209: {  	[tilespmem:v1+s23+$0x0] =	vst.idx.add.f32.msk $0xffff, v0  }
0x20a: {  	v1 =	vld [tilespmem:s11+$0x8D0];
	_ =	sdelay $0x7  }
0x20b: {  	[tilespmem:v1+s23+$0x0] =	vst.idx.add.f32.msk $0xffff, v0  }
0x20c: {  	v1 =	vld [tilespmem:s11+$0x8E0];
	_ =	sdelay $0x7  }
0x20d: {  	[tilespmem:v1+s23+$0x0] =	vst.idx.add.f32.msk $0xffff, v0  }
0x20e: {  	v1 =	vld [tilespmem:s11+$0x8F0];
	_ =	sdelay $0x5  }
0x20f: {  	p1 =	sne.s32 s10, $0x1800  }
.Ltmp4:
0x210: {  	_ = 	snop;
	(pc) =	sbr.rel @p1 .LBB2_10-.Ltmp4, $4  }
0x211: {  	[tilespmem:v1+s23+$0x0] =	vst.idx.add.f32.msk $0xffff, v0  }
0x212: {  	_ =	swait.ge [sflag:s30], $0x4000  }
0x213: {  	[sflag:s30] =	ssyncset.done $0x0  }
0x214: {  	s10 =	sadd.s32 $0x400, s10;
	[sflag:s30] =	ssyncadd.s32 $0xFFFFC000  }
0x215: {  	[tilespmem:s31], [sflag:$0x2] =	stream.indirect.gather [hbm4b:s1+s28], $0x80, s5, s28, $0xb8;
	[tilespmem:$0x1F400] =	vst v63  }
0x216: {  	_ =	swait.ge [sflag:s0], $0x4000  }
0x217: {  	[sflag:s0] =	ssyncset.done $0x0  }
0x218: {  	[sflag:s0] =	ssyncadd.s32 $0xFFFFC000  }
0x219: {  	[spmem:s2] =	stream.indirect.scatter.add.f32 [tilespmem:s29], [sflag:$0x3], $0x80, s6, s28, $0xb8;
	[tilespmem:$0x1F400] =	vst v63  }
0x21a: {  	v1 =	vld [tilespmem:$0xF00];
	_ =	sdelay $0x7  }
0x21b: {  	[tilespmem:v1+s23+$0x0] =	vst.idx.add.f32.msk $0xffff, v0  }
0x21c: {  	v1 =	vld [tilespmem:$0xF10];
	_ =	sdelay $0x7  }
0x21d: {  	[tilespmem:v1+s23+$0x0] =	vst.idx.add.f32.msk $0xffff, v0  }
0x21e: {  	v1 =	vld [tilespmem:$0xF20];
	_ =	sdelay $0x7  }
0x21f: {  	[tilespmem:v1+s23+$0x0] =	vst.idx.add.f32.msk $0xffff, v0  }
0x220: {  	v1 =	vld [tilespmem:$0xF30];
	_ =	sdelay $0x7  }
0x221: {  	[tilespmem:v1+s23+$0x0] =	vst.idx.add.f32.msk $0xffff, v0  }
0x222: {  	v1 =	vld [tilespmem:$0xF40];
	_ =	sdelay $0x7  }
0x223: {  	[tilespmem:v1+s23+$0x0] =	vst.idx.add.f32.msk $0xffff, v0  }
0x224: {  	v1 =	vld [tilespmem:$0xF50];
	_ =	sdelay $0x7  }
0x225: {  	[tilespmem:v1+s23+$0x0] =	vst.idx.add.f32.msk $0xffff, v0  }
0x226: {  	v1 =	vld [tilespmem:$0xF60];
	_ =	sdelay $0x7  }
0x227: {  	[tilespmem:v1+s23+$0x0] =	vst.idx.add.f32.msk $0xffff, v0  }
0x228: {  	v1 =	vld [tilespmem:$0xF70];
	_ =	sdelay $0x7  }
0x229: {  	[tilespmem:v1+s23+$0x0] =	vst.idx.add.f32.msk $0xffff, v0  }
0x22a: {  	_ =	swait.ge [sflag:s30], $0x4000  }
0x22b: {  	[sflag:s30] =	ssyncset.done $0x0  }
0x22c: {  	[sflag:s30] =	ssyncadd.s32 $0xFFFFC000  }
0x22d: {  	_ =	swait.ge [sflag:s3], $0x4000  }
0x22e: {  	[sflag:s3] =	ssyncset.done $0x0  }
0x22f: {  	[sflag:s3] =	ssyncadd.s32 $0xFFFFC000  }
0x230: {  	[spmem:s2] =	stream.indirect.scatter.add.f32 [tilespmem:s31], [sflag:$0x3], $0x80, s8, s28, $0xb8;
	[tilespmem:$0x1F400] =	vst v63  }
0x231: {  	v1 =	vld [tilespmem:$0xF80];
	_ =	sdelay $0x7  }
0x232: {  	[tilespmem:v1+s23+$0x0] =	vst.idx.add.f32.msk $0xffff, v0  }
0x233: {  	v1 =	vld [tilespmem:$0xF90];
	_ =	sdelay $0x7  }
0x234: {  	[tilespmem:v1+s23+$0x0] =	vst.idx.add.f32.msk $0xffff, v0  }
0x235: {  	v1 =	vld [tilespmem:$0xFA0];
	_ =	sdelay $0x7  }
0x236: {  	[tilespmem:v1+s23+$0x0] =	vst.idx.add.f32.msk $0xffff, v0  }
0x237: {  	v1 =	vld [tilespmem:$0xFB0];
	_ =	sdelay $0x7  }
0x238: {  	[tilespmem:v1+s23+$0x0] =	vst.idx.add.f32.msk $0xffff, v0  }
0x239: {  	v1 =	vld [tilespmem:$0xFC0];
	_ =	sdelay $0x7  }
0x23a: {  	[tilespmem:v1+s23+$0x0] =	vst.idx.add.f32.msk $0xffff, v0  }
0x23b: {  	v1 =	vld [tilespmem:$0xFD0];
	_ =	sdelay $0x7  }
0x23c: {  	[tilespmem:v1+s23+$0x0] =	vst.idx.add.f32.msk $0xffff, v0  }
0x23d: {  	v1 =	vld [tilespmem:$0xFE0];
	_ =	sdelay $0x7  }
0x23e: {  	[tilespmem:v1+s23+$0x0] =	vst.idx.add.f32.msk $0xffff, v0  }
0x23f: {  	v1 =	vld [tilespmem:$0xFF0];
	_ =	sdelay $0x7  }
0x240: {  	[tilespmem:v1+s23+$0x0] =	vst.idx.add.f32.msk $0xffff, v0  }
0x241: {  	_ =	swait.ge [sflag:s30], $0x4000  }
0x242: {  	[sflag:s30] =	ssyncset.done $0x0  }
0x243: {  	[sflag:s30] =	ssyncadd.s32 $0xFFFFC000  }
0x244: {  	s10 =	simm.s32 @p0 $0x1FC4;
	[bflag:$0x0] =	sbarrier.arrive $0xFFFF  }
0x245: {  	[hbm:s20], [sflag:s10] =	dma.local @p0 [spmem:s25], $0x2080  }
0x246: {  	s10 =	simm.s32 @p0 $0x4  }
0x247: {  	s11 =	stileid.u32;
	_ =	swait.ge @p0 [sflag:s10], $0x2080  }
0x248: {  	s11 =	sshll.u32 @!p0 s11, $0x6;
	[sflag:s10] =	ssyncset.done @p0 $0x0  }
0x249: {  	[sflag:s10] =	ssyncadd.s32 @p0 $0xFFFFDF80;
	s10 =	sor.u32 @!p0 $0x1C04, s11;
	s11 =	sshrl.u32 @!p0 s7, $0x3  }
0x24a: {  	[hbm:s19], [sflag:s10] =	dma.local @!p0 [spmem:s11], $0x2780  }
0x24b: {  	s10 =	simm.s32 @!p0 $0x4  }
0x24c: {  	s9 =	sadd.s32 $0x1, s9;
	_ =	swait.ge @!p0 [sflag:s10], $0x2780  }
0x24d: {  	p1 =	sne.s32 s9, s22;
	[sflag:s10] =	ssyncset.done @!p0 $0x0  }
.Ltmp5:
0x24e: {  	[sflag:s10] =	ssyncadd.s32 @!p0 $0xFFFFD880;
	(pc) =	sbr.rel @p1 .LBB2_1-.Ltmp5, $4  }
0x24f: {  	[hbm4b:s21+s4] =	stream.linear.scatter [tilespmem:s23], [sflag:$0x4], $0x2800, $0x38;
	[tilespmem:$0x1F400] =	vst v63  }
0x250: {  	_ =	swait.ge [sflag:s24], $0x2800  }
0x251: {  	[sflag:s24] =	ssyncset.done $0x0  }
0x252: {  	[sflag:s24] =	ssyncadd.s32 $0xFFFFD800  }
0x253: {  	_ =	sfence.sel $0x180000  }
0x254: {  	[bflag:$0x0] =	sbarrier.arrive $0xFFFF  }
0x255: {  	_ =	strace $0x90000047  }
0x256: {  	s0 =	stileid.u32;
	[bflag:$0x2] =	sbarrier.arrive $0xFFFF  }
0x257: {  	p0 =	sne.s32 s0, $0x0;
	s0 =	rddreg [dreg:$0x4]  }
0x258: {  	s0 =	sadd.s32 @!p0 $0x100000, s0  }
0x259: {  	[sflag:s0] =	ssyncadd.tile.s32 @!p0 $0x1;
	_ =	shalt  }
.Lfunc_end2:
_tile_overlayer_lowered:
.L_overlay_start_2:
0x25a: {  	(tag) =	ssettag $0x2  }
0x25b: {  	s0 =	rddreg [dreg:$0x0];
	s2 =	stileid.u32  }
0x25c: {  	s1 =	rddreg [dreg:$0x1];
	p0 =	sne.s32 s2, $0x0  }
0x25d: {  	s3 =	rddreg [dreg:$0x2];
	[bflag:$0x3] =	sbarrier.arrive $0xFFFF;
	s2 =	simm.s32 @!p0 $0x1C04  }
0x25e: {  	[timem:s3], [sflag:s2] =	dma.local @!p0 [hbm:s0], s1  }
0x25f: {  	s0 =	simm.s32 @!p0 $0x4  }
0x260: {  	_ =	swait.ge @!p0 [sflag:s0], s1  }
0x261: {  	s1 =	ssub.s32 @!p0 $0x0, s1;
	[sflag:s0] =	ssyncset.done @!p0 $0x0  }
0x262: {  	[sflag:s0] =	ssyncadd.s32 @!p0 s1  }
0x263: {  	[bflag:$0x3] =	sbarrier.arrive $0xFFFF  }
0x264: {  	_ =	shalt  }

</sc_bundles>
